<compile_context>
chip_gen: v7x
topology: tpu7x:2x2x1
jax: 0.10.2.dev20260603
libtpu: 0.0.44.dev20260713+nightly
codegen_flags: <defaults>
</compile_context>

<pallas_src>
import jax
import jax.numpy as jnp
from jax import lax
from jax.experimental import pallas as pl
from jax.experimental.pallas import tpu as pltpu
from jax.experimental.pallas import tpu_sc as plsc

_SEQ = 1025
_HEADS = 16
_DIST = 3972
_NW = 32
_FULL = 64
_TAIL = _SEQ - 16


def _sc_body(table_t_hbm, idx_hbm, out_hbm, table_v,
             idx_v0, idx_v1, out_v0, out_v1, sem_idx, sem_out):
    cid = lax.axis_index("c")
    sid = lax.axis_index("s")
    wid = sid * 2 + cid
    pltpu.sync_copy(table_t_hbm, table_v)

    idx_bufs = (idx_v0, idx_v1)
    out_bufs = (out_v0, out_v1)

    def idx_copy(r, buf):
        return pltpu.make_async_copy(idx_hbm.at[pl.ds(r, 1), :], buf, sem_idx)

    def out_copy(r, buf):
        return pltpu.make_async_copy(buf, out_hbm.at[:, pl.ds(r, 1), :], sem_out)

    def compute_row(idx_v, out_v):
        def gather_vec(start, carry):
            iv = idx_v[0, pl.ds(start, 16)]
            vals = [plsc.load_gather(table_v, [iv + (h * _DIST)])
                    for h in range(8)]
            for h in range(8):
                vals.append(
                    plsc.load_gather(table_v, [iv + ((h + 8) * _DIST)]))
                out_v[h, 0, pl.ds(start, 16)] = vals[h]
            for h in range(8, _HEADS):
                out_v[h, 0, pl.ds(start, 16)] = vals[h]
            return carry

        lax.fori_loop(0, _FULL, lambda c, k: gather_vec(c * 16, k), 0,
                      unroll=4)
        gather_vec(_TAIL, 0)

    idx_copy(wid, idx_v0).start()

    def pair(i2, carry):
        for b in range(2):
            i = 2 * i2 + b
            r = wid + _NW * i

            @pl.when(r < _SEQ)
            def _():
                idx_copy(r, idx_bufs[b]).wait()

                @pl.when(r + _NW < _SEQ)
                def _():
                    idx_copy(r + _NW, idx_bufs[1 - b]).start()

                @pl.when(i2 >= 1)
                def _():
                    out_copy(r, out_bufs[b]).wait()

                compute_row(idx_bufs[b], out_bufs[b])
                out_copy(r, out_bufs[b]).start()

        return carry

    lax.fori_loop(0, 17, pair, 0)

    out_copy(wid, out_v0).wait()
    out_copy(wid, out_v1).wait()


def kernel(relative_position_bias_table, relative_position_index):
    table_t = relative_position_bias_table.T.reshape(-1)
    mesh = plsc.VectorSubcoreMesh(core_axis_name="c", subcore_axis_name="s")
    run = pl.kernel(
        _sc_body,
        out_type=jax.ShapeDtypeStruct((_HEADS, _SEQ, _SEQ), jnp.float32),
        mesh=mesh,
        scratch_types=[
            pltpu.VMEM((_HEADS * _DIST,), jnp.float32),
            pltpu.VMEM((1, _SEQ), jnp.int32),
            pltpu.VMEM((1, _SEQ), jnp.int32),
            pltpu.VMEM((_HEADS, 1, _SEQ), jnp.float32),
            pltpu.VMEM((_HEADS, 1, _SEQ), jnp.float32),
            pltpu.SemaphoreType.DMA,
            pltpu.SemaphoreType.DMA,
        ],
        compiler_params=pltpu.CompilerParams(needs_layout_passes=False),
    )
    return run(table_t, relative_position_index)

# --- scband reference (transcript-rebuilt; emitter-appended) ---
"""Pipeline reference for scband-flax-beit-relative-position-bias-55336358642292 (READ-ONLY COPY).

The authoritative reference and input builder live on the scoring server;
editing this copy changes nothing except your own understanding.
"""

import jax, jax.numpy as jnp
import numpy as np

WINDOW = (32, 32)
NUM_HEADS = 16


def relative_position_index_init(window_size):
    num_relative_distance = (2 * window_size[0] - 1) * (2 * window_size[1] - 1) + 3
    coords_h = np.arange(window_size[0])
    coords_w = np.arange(window_size[1])
    coords = np.stack(np.meshgrid(coords_h, coords_w, indexing='ij'))
    coords_flatten = np.reshape(coords, (2, -1))
    relative_coords = coords_flatten[:, :, None] - coords_flatten[:, None, :]
    relative_coords = np.transpose(relative_coords, (1, 2, 0))
    relative_coords[:, :, 0] += window_size[0] - 1
    relative_coords[:, :, 1] += window_size[1] - 1
    relative_coords[:, :, 0] *= 2 * window_size[1] - 1
    relative_position_index = np.zeros(shape=(window_size[0] * window_size[1] + 1,) * 2, dtype=relative_coords.dtype)
    relative_position_index[1:, 1:] = relative_coords.sum(-1)
    relative_position_index[0, 0:] = num_relative_distance - 3
    relative_position_index[0:, 0] = num_relative_distance - 2
    relative_position_index[0, 0] = num_relative_distance - 1
    return jnp.array(relative_position_index, dtype=jnp.int32)


def setup_inputs(seed: int = 0) -> dict:
    key = jax.random.key(seed)
    num_relative_distance = (2 * WINDOW[0] - 1) * (2 * WINDOW[1] - 1) + 3
    relative_position_bias_table = jax.random.normal(
        key, (num_relative_distance, NUM_HEADS), dtype=jnp.float32) * 0.02
    relative_position_index = relative_position_index_init(WINDOW)
    return {
        'relative_position_bias_table': relative_position_bias_table,
        'relative_position_index': relative_position_index,
    }


def reference(relative_position_bias_table, relative_position_index):
    seq = WINDOW[0] * WINDOW[1] + 1
    index = relative_position_index.reshape(-1)
    relative_position_bias = jnp.take(relative_position_bias_table, index, axis=0)
    relative_position_bias = relative_position_bias.reshape(seq, seq, -1)
    return jnp.transpose(relative_position_bias, (2, 0, 1))

if __name__ == "__main__":
    import jax
    _d = setup_inputs()
    print(jax.jit(kernel)(*tuple(_d.values())))

</pallas_src>

<mosaic_0001>
#map = affine_map<(d0, d1) -> (0)>
#map1 = affine_map<(d0, d1) -> (0, 0)>
#map2 = affine_map<(d0, d1) -> (0, 0, 0)>
module attributes {stable_mosaic.version = 14 : i64} {
  func.func @_sc_body(%arg0: i32, %arg1: i32, %arg2: memref<63552xf32, #tpu.memory_space<hbm>>, %arg3: memref<1025x1025xi32, #tpu.memory_space<hbm>>, %arg4: memref<16x1025x1025xf32, #tpu.memory_space<hbm>>, %arg5: memref<63552xf32, #tpu.memory_space<vmem>>, %arg6: memref<1x1025xi32, #tpu.memory_space<vmem>>, %arg7: memref<1x1025xi32, #tpu.memory_space<vmem>>, %arg8: memref<16x1x1025xf32, #tpu.memory_space<vmem>>, %arg9: memref<16x1x1025xf32, #tpu.memory_space<vmem>>, %arg10: memref<!tpu.dma_semaphore, #tpu.memory_space<semaphore_mem>>, %arg11: memref<!tpu.dma_semaphore, #tpu.memory_space<semaphore_mem>>) attributes {dimension_semantics = [#tpu.dimension_semantics<core_parallel>, #tpu.dimension_semantics<subcore_parallel>], iteration_bounds = array<i64: 2, 16>, scalar_prefetch = 0 : i64, scratch_operands = 7 : i64, tpu.core_type = #tpu.core_type<sc_vector_subcore>, window_params = [{transform_indices = #map}, {transform_indices = #map1}, {transform_indices = #map2}]} {
    %mul3A = arith.constant 2 : i32
    %mul3A_0 = arith.muli %arg1, %mul3A : i32
    %add3A = arith.addi %mul3A_0, %arg0 : i32
    "tpu.region"() ({
      %run_scoped3A = tpu.sem_alloc : memref<!tpu.dma_semaphore, #tpu.memory_space<semaphore_mem>>
      tpu.enqueue_dma source(%arg2 : memref<63552xf32, #tpu.memory_space<hbm>>) target(%arg5 : memref<63552xf32, #tpu.memory_space<vmem>>) target_semaphore(%run_scoped3A : memref<!tpu.dma_semaphore, #tpu.memory_space<semaphore_mem>>)
      tpu.wait_dma2 semaphore(%run_scoped3A : memref<!tpu.dma_semaphore, #tpu.memory_space<semaphore_mem>>) src(%arg2 : memref<63552xf32, #tpu.memory_space<hbm>>) dst(%arg5 : memref<63552xf32, #tpu.memory_space<vmem>>)
      tpu.yield
    }) : () -> ()
    %dma_start3A = arith.constant 0 : i32
    %dma_start3A_1 = tpu.memref_slice %arg3[%add3A, %dma_start3A] : memref<1025x1025xi32, #tpu.memory_space<hbm>> -> memref<1x1025xi32, #tpu.memory_space<hbm>>
    %dma_start3A_2 = arith.constant 0 : i32
    %dma_start3A_3 = tpu.memref_slice %arg3[%add3A, %dma_start3A_2] : memref<1025x1025xi32, #tpu.memory_space<hbm>> -> memref<1x1025xi32, #tpu.memory_space<hbm>>
    tpu.enqueue_dma source(%dma_start3A_3 : memref<1x1025xi32, #tpu.memory_space<hbm>>) target(%arg6 : memref<1x1025xi32, #tpu.memory_space<vmem>>) target_semaphore(%arg10 : memref<!tpu.dma_semaphore, #tpu.memory_space<semaphore_mem>>)
    %scan3A = arith.constant 0 : i32
    %scan3A_4 = arith.constant 0 : i32
    %scan3A_5 = arith.constant 17 : i32
    %scan3A_6 = arith.addi %scan3A_4, %scan3A_5 : i32
    %scan3A_7 = arith.constant 1 : i32
    scf.for %scan3A_20 = %scan3A_4 to %scan3A_6 step %scan3A_7  : i32 {
      %mul3A_21 = arith.constant 2 : i32
      %mul3A_22 = arith.muli %mul3A_21, %scan3A_20 : i32
      %add3A_23 = arith.constant 0 : i32
      %add3A_24 = arith.addi %mul3A_22, %add3A_23 : i32
      %mul3A_25 = arith.constant 32 : i32
      %mul3A_26 = arith.muli %mul3A_25, %add3A_24 : i32
      %add3A_27 = arith.addi %add3A, %mul3A_26 : i32
      %lt3A = arith.constant 1025 : i32
      %lt3A_28 = arith.cmpi slt, %add3A_27, %lt3A : i32
      %convert_element_type3A = arith.extui %lt3A_28 : i1 to i32
      %cond3A = arith.constant 0 : i32
      %cond3A_29 = arith.cmpi ne, %convert_element_type3A, %cond3A : i32
      scf.if %cond3A_29 {
        %dma_wait3A_42 = arith.constant 0 : i32
        %dma_wait3A_43 = tpu.memref_slice %arg3[%add3A_27, %dma_wait3A_42] : memref<1025x1025xi32, #tpu.memory_space<hbm>> -> memref<1x1025xi32, #tpu.memory_space<hbm>>
        %dma_wait3A_44 = arith.constant 0 : i32
        %dma_wait3A_45 = tpu.memref_slice %arg3[%add3A_27, %dma_wait3A_44] : memref<1025x1025xi32, #tpu.memory_space<hbm>> -> memref<1x1025xi32, #tpu.memory_space<hbm>>
        tpu.wait_dma2 semaphore(%arg10 : memref<!tpu.dma_semaphore, #tpu.memory_space<semaphore_mem>>) src(%dma_wait3A_45 : memref<1x1025xi32, #tpu.memory_space<hbm>>) dst(%arg6 : memref<1x1025xi32, #tpu.memory_space<vmem>>)
        %add3A_46 = arith.constant 32 : i32
        %add3A_47 = arith.addi %add3A_27, %add3A_46 : i32
        %lt3A_48 = arith.constant 1025 : i32
        %lt3A_49 = arith.cmpi slt, %add3A_47, %lt3A_48 : i32
        %convert_element_type3A_50 = arith.extui %lt3A_49 : i1 to i32
        %cond3A_51 = arith.constant 0 : i32
        %cond3A_52 = arith.cmpi ne, %convert_element_type3A_50, %cond3A_51 : i32
        scf.if %cond3A_52 {
          %add3A_230 = arith.constant 32 : i32
          %add3A_231 = arith.addi %add3A_27, %add3A_230 : i32
          %dma_start3A_232 = arith.constant 0 : i32
          %dma_start3A_233 = tpu.memref_slice %arg3[%add3A_231, %dma_start3A_232] : memref<1025x1025xi32, #tpu.memory_space<hbm>> -> memref<1x1025xi32, #tpu.memory_space<hbm>>
          %dma_start3A_234 = arith.constant 0 : i32
          %dma_start3A_235 = tpu.memref_slice %arg3[%add3A_231, %dma_start3A_234] : memref<1025x1025xi32, #tpu.memory_space<hbm>> -> memref<1x1025xi32, #tpu.memory_space<hbm>>
          tpu.enqueue_dma source(%dma_start3A_235 : memref<1x1025xi32, #tpu.memory_space<hbm>>) target(%arg7 : memref<1x1025xi32, #tpu.memory_space<vmem>>) target_semaphore(%arg10 : memref<!tpu.dma_semaphore, #tpu.memory_space<semaphore_mem>>)
        } else {
        }
        %ge3A = arith.constant 1 : i32
        %ge3A_53 = arith.cmpi sge, %scan3A_20, %ge3A : i32
        %convert_element_type3A_54 = arith.extui %ge3A_53 : i1 to i32
        %cond3A_55 = arith.constant 0 : i32
        %cond3A_56 = arith.cmpi ne, %convert_element_type3A_54, %cond3A_55 : i32
        scf.if %cond3A_56 {
          %dma_wait3A_230 = arith.constant 0 : i32
          %dma_wait3A_231 = arith.constant 0 : i32
          %dma_wait3A_232 = tpu.memref_slice %arg4[%dma_wait3A_230, %add3A_27, %dma_wait3A_231] : memref<16x1025x1025xf32, #tpu.memory_space<hbm>> -> memref<16x1x1025xf32, #tpu.memory_space<hbm>>
          %dma_wait3A_233 = arith.constant 0 : i32
          %dma_wait3A_234 = arith.constant 0 : i32
          %dma_wait3A_235 = tpu.memref_slice %arg4[%dma_wait3A_233, %add3A_27, %dma_wait3A_234] : memref<16x1025x1025xf32, #tpu.memory_space<hbm>> -> memref<16x1x1025xf32, #tpu.memory_space<hbm>>
          tpu.wait_dma2 semaphore(%arg11 : memref<!tpu.dma_semaphore, #tpu.memory_space<semaphore_mem>>) src(%arg8 : memref<16x1x1025xf32, #tpu.memory_space<vmem>>) dst(%dma_wait3A_235 : memref<16x1x1025xf32, #tpu.memory_space<hbm>>)
        } else {
        }
        %scan3A_57 = arith.constant 0 : i32
        %scan3A_58 = arith.constant 0 : i32
        %scan3A_59 = arith.constant 64 : i32
        %scan3A_60 = arith.addi %scan3A_58, %scan3A_59 : i32
        %scan3A_61 = arith.constant 4 : i32
        scf.for %scan3A_230 = %scan3A_58 to %scan3A_60 step %scan3A_61  : i32 {
          %mul3A_231 = arith.constant 16 : i32
          %mul3A_232 = arith.muli %scan3A_230, %mul3A_231 : i32
          %get3A_233 = arith.constant 0 : i32
          %get3A_234 = arith.index_cast %get3A_233 : i32 to index
          %get3A_235 = arith.index_cast %mul3A_232 : i32 to index
          %get3A_236 = tpu.vector_load %arg6[%get3A_234, %get3A_235] {strides = array<i32>} : memref<1x1025xi32, #tpu.memory_space<vmem>>, vector<16xi32>,
          %add3A_237 = arith.constant 0 : i32
          %add3A_238 = vector.broadcast %add3A_237 : i32 to vector<16xi32>
          %add3A_239 = arith.addi %get3A_236, %add3A_238 : vector<16xi32>
          %gather3A_240 = tpu.vector_load_idx %arg5[%add3A_239] : memref<63552xf32, #tpu.memory_space<vmem>>[vector<16xi32>], vector<16xf32>,
          %add3A_241 = arith.constant 3972 : i32
          %add3A_242 = vector.broadcast %add3A_241 : i32 to vector<16xi32>
          %add3A_243 = arith.addi %get3A_236, %add3A_242 : vector<16xi32>
          %gather3A_244 = tpu.vector_load_idx %arg5[%add3A_243] : memref<63552xf32, #tpu.memory_space<vmem>>[vector<16xi32>], vector<16xf32>,
          %add3A_245 = arith.constant 7944 : i32
          %add3A_246 = vector.broadcast %add3A_245 : i32 to vector<16xi32>
          %add3A_247 = arith.addi %get3A_236, %add3A_246 : vector<16xi32>
          %gather3A_248 = tpu.vector_load_idx %arg5[%add3A_247] : memref<63552xf32, #tpu.memory_space<vmem>>[vector<16xi32>], vector<16xf32>,
          %add3A_249 = arith.constant 11916 : i32
          %add3A_250 = vector.broadcast %add3A_249 : i32 to vector<16xi32>
          %add3A_251 = arith.addi %get3A_236, %add3A_250 : vector<16xi32>
          %gather3A_252 = tpu.vector_load_idx %arg5[%add3A_251] : memref<63552xf32, #tpu.memory_space<vmem>>[vector<16xi32>], vector<16xf32>,
          %add3A_253 = arith.constant 15888 : i32
          %add3A_254 = vector.broadcast %add3A_253 : i32 to vector<16xi32>
          %add3A_255 = arith.addi %get3A_236, %add3A_254 : vector<16xi32>
          %gather3A_256 = tpu.vector_load_idx %arg5[%add3A_255] : memref<63552xf32, #tpu.memory_space<vmem>>[vector<16xi32>], vector<16xf32>,
          %add3A_257 = arith.constant 19860 : i32
          %add3A_258 = vector.broadcast %add3A_257 : i32 to vector<16xi32>
          %add3A_259 = arith.addi %get3A_236, %add3A_258 : vector<16xi32>
          %gather3A_260 = tpu.vector_load_idx %arg5[%add3A_259] : memref<63552xf32, #tpu.memory_space<vmem>>[vector<16xi32>], vector<16xf32>,
          %add3A_261 = arith.constant 23832 : i32
          %add3A_262 = vector.broadcast %add3A_261 : i32 to vector<16xi32>
          %add3A_263 = arith.addi %get3A_236, %add3A_262 : vector<16xi32>
          %gather3A_264 = tpu.vector_load_idx %arg5[%add3A_263] : memref<63552xf32, #tpu.memory_space<vmem>>[vector<16xi32>], vector<16xf32>,
          %add3A_265 = arith.constant 27804 : i32
          %add3A_266 = vector.broadcast %add3A_265 : i32 to vector<16xi32>
          %add3A_267 = arith.addi %get3A_236, %add3A_266 : vector<16xi32>
          %gather3A_268 = tpu.vector_load_idx %arg5[%add3A_267] : memref<63552xf32, #tpu.memory_space<vmem>>[vector<16xi32>], vector<16xf32>,
          %add3A_269 = arith.constant 31776 : i32
          %add3A_270 = vector.broadcast %add3A_269 : i32 to vector<16xi32>
          %add3A_271 = arith.addi %get3A_236, %add3A_270 : vector<16xi32>
          %gather3A_272 = tpu.vector_load_idx %arg5[%add3A_271] : memref<63552xf32, #tpu.memory_space<vmem>>[vector<16xi32>], vector<16xf32>,
          %swap3A_273 = arith.constant 0 : i32
          %swap3A_274 = arith.constant 0 : i32
          %swap3A_275 = arith.index_cast %swap3A_273 : i32 to index
          %swap3A_276 = arith.index_cast %swap3A_274 : i32 to index
          %swap3A_277 = arith.index_cast %mul3A_232 : i32 to index
          %swap3A_278 = tpu.vector_load %arg8[%swap3A_275, %swap3A_276, %swap3A_277] {strides = array<i32>} : memref<16x1x1025xf32, #tpu.memory_space<vmem>>, vector<16xf32>,
          tpu.vector_store %arg8[%swap3A_275, %swap3A_276, %swap3A_277], %gather3A_240 {strides = array<i32>} : memref<16x1x1025xf32, #tpu.memory_space<vmem>>, vector<16xf32>,
          %add3A_279 = arith.constant 35748 : i32
          %add3A_280 = vector.broadcast %add3A_279 : i32 to vector<16xi32>
          %add3A_281 = arith.addi %get3A_236, %add3A_280 : vector<16xi32>
          %gather3A_282 = tpu.vector_load_idx %arg5[%add3A_281] : memref<63552xf32, #tpu.memory_space<vmem>>[vector<16xi32>], vector<16xf32>,
          %swap3A_283 = arith.constant 1 : i32
          %swap3A_284 = arith.constant 0 : i32
          %swap3A_285 = arith.index_cast %swap3A_283 : i32 to index
          %swap3A_286 = arith.index_cast %swap3A_284 : i32 to index
          %swap3A_287 = arith.index_cast %mul3A_232 : i32 to index
          %swap3A_288 = tpu.vector_load %arg8[%swap3A_285, %swap3A_286, %swap3A_287] {strides = array<i32>} : memref<16x1x1025xf32, #tpu.memory_space<vmem>>, vector<16xf32>,
          tpu.vector_store %arg8[%swap3A_285, %swap3A_286, %swap3A_287], %gather3A_244 {strides = array<i32>} : memref<16x1x1025xf32, #tpu.memory_space<vmem>>, vector<16xf32>,
          %add3A_289 = arith.constant 39720 : i32
          %add3A_290 = vector.broadcast %add3A_289 : i32 to vector<16xi32>
          %add3A_291 = arith.addi %get3A_236, %add3A_290 : vector<16xi32>
          %gather3A_292 = tpu.vector_load_idx %arg5[%add3A_291] : memref<63552xf32, #tpu.memory_space<vmem>>[vector<16xi32>], vector<16xf32>,
          %swap3A_293 = arith.constant 2 : i32
          %swap3A_294 = arith.constant 0 : i32
          %swap3A_295 = arith.index_cast %swap3A_293 : i32 to index
          %swap3A_296 = arith.index_cast %swap3A_294 : i32 to index
          %swap3A_297 = arith.index_cast %mul3A_232 : i32 to index
          %swap3A_298 = tpu.vector_load %arg8[%swap3A_295, %swap3A_296, %swap3A_297] {strides = array<i32>} : memref<16x1x1025xf32, #tpu.memory_space<vmem>>, vector<16xf32>,
          tpu.vector_store %arg8[%swap3A_295, %swap3A_296, %swap3A_297], %gather3A_248 {strides = array<i32>} : memref<16x1x1025xf32, #tpu.memory_space<vmem>>, vector<16xf32>,
          %add3A_299 = arith.constant 43692 : i32
          %add3A_300 = vector.broadcast %add3A_299 : i32 to vector<16xi32>
          %add3A_301 = arith.addi %get3A_236, %add3A_300 : vector<16xi32>
          %gather3A_302 = tpu.vector_load_idx %arg5[%add3A_301] : memref<63552xf32, #tpu.memory_space<vmem>>[vector<16xi32>], vector<16xf32>,
          %swap3A_303 = arith.constant 3 : i32
          %swap3A_304 = arith.constant 0 : i32
          %swap3A_305 = arith.index_cast %swap3A_303 : i32 to index
          %swap3A_306 = arith.index_cast %swap3A_304 : i32 to index
          %swap3A_307 = arith.index_cast %mul3A_232 : i32 to index
          %swap3A_308 = tpu.vector_load %arg8[%swap3A_305, %swap3A_306, %swap3A_307] {strides = array<i32>} : memref<16x1x1025xf32, #tpu.memory_space<vmem>>, vector<16xf32>,
          tpu.vector_store %arg8[%swap3A_305, %swap3A_306, %swap3A_307], %gather3A_252 {strides = array<i32>} : memref<16x1x1025xf32, #tpu.memory_space<vmem>>, vector<16xf32>,
          %add3A_309 = arith.constant 47664 : i32
          %add3A_310 = vector.broadcast %add3A_309 : i32 to vector<16xi32>
          %add3A_311 = arith.addi %get3A_236, %add3A_310 : vector<16xi32>
          %gather3A_312 = tpu.vector_load_idx %arg5[%add3A_311] : memref<63552xf32, #tpu.memory_space<vmem>>[vector<16xi32>], vector<16xf32>,
          %swap3A_313 = arith.constant 4 : i32
          %swap3A_314 = arith.constant 0 : i32
          %swap3A_315 = arith.index_cast %swap3A_313 : i32 to index
          %swap3A_316 = arith.index_cast %swap3A_314 : i32 to index
          %swap3A_317 = arith.index_cast %mul3A_232 : i32 to index
          %swap3A_318 = tpu.vector_load %arg8[%swap3A_315, %swap3A_316, %swap3A_317] {strides = array<i32>} : memref<16x1x1025xf32, #tpu.memory_space<vmem>>, vector<16xf32>,
          tpu.vector_store %arg8[%swap3A_315, %swap3A_316, %swap3A_317], %gather3A_256 {strides = array<i32>} : memref<16x1x1025xf32, #tpu.memory_space<vmem>>, vector<16xf32>,
          %add3A_319 = arith.constant 51636 : i32
          %add3A_320 = vector.broadcast %add3A_319 : i32 to vector<16xi32>
          %add3A_321 = arith.addi %get3A_236, %add3A_320 : vector<16xi32>
          %gather3A_322 = tpu.vector_load_idx %arg5[%add3A_321] : memref<63552xf32, #tpu.memory_space<vmem>>[vector<16xi32>], vector<16xf32>,
          %swap3A_323 = arith.constant 5 : i32
          %swap3A_324 = arith.constant 0 : i32
          %swap3A_325 = arith.index_cast %swap3A_323 : i32 to index
          %swap3A_326 = arith.index_cast %swap3A_324 : i32 to index
          %swap3A_327 = arith.index_cast %mul3A_232 : i32 to index
          %swap3A_328 = tpu.vector_load %arg8[%swap3A_325, %swap3A_326, %swap3A_327] {strides = array<i32>} : memref<16x1x1025xf32, #tpu.memory_space<vmem>>, vector<16xf32>,
          tpu.vector_store %arg8[%swap3A_325, %swap3A_326, %swap3A_327], %gather3A_260 {strides = array<i32>} : memref<16x1x1025xf32, #tpu.memory_space<vmem>>, vector<16xf32>,
          %add3A_329 = arith.constant 55608 : i32
          %add3A_330 = vector.broadcast %add3A_329 : i32 to vector<16xi32>
          %add3A_331 = arith.addi %get3A_236, %add3A_330 : vector<16xi32>
          %gather3A_332 = tpu.vector_load_idx %arg5[%add3A_331] : memref<63552xf32, #tpu.memory_space<vmem>>[vector<16xi32>], vector<16xf32>,
          %swap3A_333 = arith.constant 6 : i32
          %swap3A_334 = arith.constant 0 : i32
          %swap3A_335 = arith.index_cast %swap3A_333 : i32 to index
          %swap3A_336 = arith.index_cast %swap3A_334 : i32 to index
          %swap3A_337 = arith.index_cast %mul3A_232 : i32 to index
          %swap3A_338 = tpu.vector_load %arg8[%swap3A_335, %swap3A_336, %swap3A_337] {strides = array<i32>} : memref<16x1x1025xf32, #tpu.memory_space<vmem>>, vector<16xf32>,
          tpu.vector_store %arg8[%swap3A_335, %swap3A_336, %swap3A_337], %gather3A_264 {strides = array<i32>} : memref<16x1x1025xf32, #tpu.memory_space<vmem>>, vector<16xf32>,
          %add3A_339 = arith.constant 59580 : i32
          %add3A_340 = vector.broadcast %add3A_339 : i32 to vector<16xi32>
          %add3A_341 = arith.addi %get3A_236, %add3A_340 : vector<16xi32>
          %gather3A_342 = tpu.vector_load_idx %arg5[%add3A_341] : memref<63552xf32, #tpu.memory_space<vmem>>[vector<16xi32>], vector<16xf32>,
          %swap3A_343 = arith.constant 7 : i32
          %swap3A_344 = arith.constant 0 : i32
          %swap3A_345 = arith.index_cast %swap3A_343 : i32 to index
          %swap3A_346 = arith.index_cast %swap3A_344 : i32 to index
          %swap3A_347 = arith.index_cast %mul3A_232 : i32 to index
          %swap3A_348 = tpu.vector_load %arg8[%swap3A_345, %swap3A_346, %swap3A_347] {strides = array<i32>} : memref<16x1x1025xf32, #tpu.memory_space<vmem>>, vector<16xf32>,
          tpu.vector_store %arg8[%swap3A_345, %swap3A_346, %swap3A_347], %gather3A_268 {strides = array<i32>} : memref<16x1x1025xf32, #tpu.memory_space<vmem>>, vector<16xf32>,
          %swap3A_349 = arith.constant 8 : i32
          %swap3A_350 = arith.constant 0 : i32
          %swap3A_351 = arith.index_cast %swap3A_349 : i32 to index
          %swap3A_352 = arith.index_cast %swap3A_350 : i32 to index
          %swap3A_353 = arith.index_cast %mul3A_232 : i32 to index
          %swap3A_354 = tpu.vector_load %arg8[%swap3A_351, %swap3A_352, %swap3A_353] {strides = array<i32>} : memref<16x1x1025xf32, #tpu.memory_space<vmem>>, vector<16xf32>,
          tpu.vector_store %arg8[%swap3A_351, %swap3A_352, %swap3A_353], %gather3A_272 {strides = array<i32>} : memref<16x1x1025xf32, #tpu.memory_space<vmem>>, vector<16xf32>,
          %swap3A_355 = arith.constant 9 : i32
          %swap3A_356 = arith.constant 0 : i32
          %swap3A_357 = arith.index_cast %swap3A_355 : i32 to index
          %swap3A_358 = arith.index_cast %swap3A_356 : i32 to index
          %swap3A_359 = arith.index_cast %mul3A_232 : i32 to index
          %swap3A_360 = tpu.vector_load %arg8[%swap3A_357, %swap3A_358, %swap3A_359] {strides = array<i32>} : memref<16x1x1025xf32, #tpu.memory_space<vmem>>, vector<16xf32>,
          tpu.vector_store %arg8[%swap3A_357, %swap3A_358, %swap3A_359], %gather3A_282 {strides = array<i32>} : memref<16x1x1025xf32, #tpu.memory_space<vmem>>, vector<16xf32>,
          %swap3A_361 = arith.constant 10 : i32
          %swap3A_362 = arith.constant 0 : i32
          %swap3A_363 = arith.index_cast %swap3A_361 : i32 to index
          %swap3A_364 = arith.index_cast %swap3A_362 : i32 to index
          %swap3A_365 = arith.index_cast %mul3A_232 : i32 to index
          %swap3A_366 = tpu.vector_load %arg8[%swap3A_363, %swap3A_364, %swap3A_365] {strides = array<i32>} : memref<16x1x1025xf32, #tpu.memory_space<vmem>>, vector<16xf32>,
          tpu.vector_store %arg8[%swap3A_363, %swap3A_364, %swap3A_365], %gather3A_292 {strides = array<i32>} : memref<16x1x1025xf32, #tpu.memory_space<vmem>>, vector<16xf32>,
          %swap3A_367 = arith.constant 11 : i32
          %swap3A_368 = arith.constant 0 : i32
          %swap3A_369 = arith.index_cast %swap3A_367 : i32 to index
          %swap3A_370 = arith.index_cast %swap3A_368 : i32 to index
          %swap3A_371 = arith.index_cast %mul3A_232 : i32 to index
          %swap3A_372 = tpu.vector_load %arg8[%swap3A_369, %swap3A_370, %swap3A_371] {strides = array<i32>} : memref<16x1x1025xf32, #tpu.memory_space<vmem>>, vector<16xf32>,
          tpu.vector_store %arg8[%swap3A_369, %swap3A_370, %swap3A_371], %gather3A_302 {strides = array<i32>} : memref<16x1x1025xf32, #tpu.memory_space<vmem>>, vector<16xf32>,
          %swap3A_373 = arith.constant 12 : i32
          %swap3A_374 = arith.constant 0 : i32
          %swap3A_375 = arith.index_cast %swap3A_373 : i32 to index
          %swap3A_376 = arith.index_cast %swap3A_374 : i32 to index
          %swap3A_377 = arith.index_cast %mul3A_232 : i32 to index
          %swap3A_378 = tpu.vector_load %arg8[%swap3A_375, %swap3A_376, %swap3A_377] {strides = array<i32>} : memref<16x1x1025xf32, #tpu.memory_space<vmem>>, vector<16xf32>,
          tpu.vector_store %arg8[%swap3A_375, %swap3A_376, %swap3A_377], %gather3A_312 {strides = array<i32>} : memref<16x1x1025xf32, #tpu.memory_space<vmem>>, vector<16xf32>,
          %swap3A_379 = arith.constant 13 : i32
          %swap3A_380 = arith.constant 0 : i32
          %swap3A_381 = arith.index_cast %swap3A_379 : i32 to index
          %swap3A_382 = arith.index_cast %swap3A_380 : i32 to index
          %swap3A_383 = arith.index_cast %mul3A_232 : i32 to index
          %swap3A_384 = tpu.vector_load %arg8[%swap3A_381, %swap3A_382, %swap3A_383] {strides = array<i32>} : memref<16x1x1025xf32, #tpu.memory_space<vmem>>, vector<16xf32>,
          tpu.vector_store %arg8[%swap3A_381, %swap3A_382, %swap3A_383], %gather3A_322 {strides = array<i32>} : memref<16x1x1025xf32, #tpu.memory_space<vmem>>, vector<16xf32>,
          %swap3A_385 = arith.constant 14 : i32
          %swap3A_386 = arith.constant 0 : i32
          %swap3A_387 = arith.index_cast %swap3A_385 : i32 to index
          %swap3A_388 = arith.index_cast %swap3A_386 : i32 to index
          %swap3A_389 = arith.index_cast %mul3A_232 : i32 to index
          %swap3A_390 = tpu.vector_load %arg8[%swap3A_387, %swap3A_388, %swap3A_389] {strides = array<i32>} : memref<16x1x1025xf32, #tpu.memory_space<vmem>>, vector<16xf32>,
          tpu.vector_store %arg8[%swap3A_387, %swap3A_388, %swap3A_389], %gather3A_332 {strides = array<i32>} : memref<16x1x1025xf32, #tpu.memory_space<vmem>>, vector<16xf32>,
          %swap3A_391 = arith.constant 15 : i32
          %swap3A_392 = arith.constant 0 : i32
          %swap3A_393 = arith.index_cast %swap3A_391 : i32 to index
          %swap3A_394 = arith.index_cast %swap3A_392 : i32 to index
          %swap3A_395 = arith.index_cast %mul3A_232 : i32 to index
          %swap3A_396 = tpu.vector_load %arg8[%swap3A_393, %swap3A_394, %swap3A_395] {strides = array<i32>} : memref<16x1x1025xf32, #tpu.memory_space<vmem>>, vector<16xf32>,
          tpu.vector_store %arg8[%swap3A_393, %swap3A_394, %swap3A_395], %gather3A_342 {strides = array<i32>} : memref<16x1x1025xf32, #tpu.memory_space<vmem>>, vector<16xf32>,
          %scan3A_397 = arith.constant 1 : i32
          %scan3A_398 = arith.addi %scan3A_230, %scan3A_397 : i32
          %mul3A_399 = arith.constant 16 : i32
          %mul3A_400 = arith.muli %scan3A_398, %mul3A_399 : i32
          %get3A_401 = arith.constant 0 : i32
          %get3A_402 = arith.index_cast %get3A_401 : i32 to index
          %get3A_403 = arith.index_cast %mul3A_400 : i32 to index
          %get3A_404 = tpu.vector_load %arg6[%get3A_402, %get3A_403] {strides = array<i32>} : memref<1x1025xi32, #tpu.memory_space<vmem>>, vector<16xi32>,
          %add3A_405 = arith.constant 0 : i32
          %add3A_406 = vector.broadcast %add3A_405 : i32 to vector<16xi32>
          %add3A_407 = arith.addi %get3A_404, %add3A_406 : vector<16xi32>
          %gather3A_408 = tpu.vector_load_idx %arg5[%add3A_407] : memref<63552xf32, #tpu.memory_space<vmem>>[vector<16xi32>], vector<16xf32>,
          %add3A_409 = arith.constant 3972 : i32
          %add3A_410 = vector.broadcast %add3A_409 : i32 to vector<16xi32>
          %add3A_411 = arith.addi %get3A_404, %add3A_410 : vector<16xi32>
          %gather3A_412 = tpu.vector_load_idx %arg5[%add3A_411] : memref<63552xf32, #tpu.memory_space<vmem>>[vector<16xi32>], vector<16xf32>,
          %add3A_413 = arith.constant 7944 : i32
          %add3A_414 = vector.broadcast %add3A_413 : i32 to vector<16xi32>
          %add3A_415 = arith.addi %get3A_404, %add3A_414 : vector<16xi32>
          %gather3A_416 = tpu.vector_load_idx %arg5[%add3A_415] : memref<63552xf32, #tpu.memory_space<vmem>>[vector<16xi32>], vector<16xf32>,
          %add3A_417 = arith.constant 11916 : i32
          %add3A_418 = vector.broadcast %add3A_417 : i32 to vector<16xi32>
          %add3A_419 = arith.addi %get3A_404, %add3A_418 : vector<16xi32>
          %gather3A_420 = tpu.vector_load_idx %arg5[%add3A_419] : memref<63552xf32, #tpu.memory_space<vmem>>[vector<16xi32>], vector<16xf32>,
          %add3A_421 = arith.constant 15888 : i32
          %add3A_422 = vector.broadcast %add3A_421 : i32 to vector<16xi32>
          %add3A_423 = arith.addi %get3A_404, %add3A_422 : vector<16xi32>
          %gather3A_424 = tpu.vector_load_idx %arg5[%add3A_423] : memref<63552xf32, #tpu.memory_space<vmem>>[vector<16xi32>], vector<16xf32>,
          %add3A_425 = arith.constant 19860 : i32
          %add3A_426 = vector.broadcast %add3A_425 : i32 to vector<16xi32>
          %add3A_427 = arith.addi %get3A_404, %add3A_426 : vector<16xi32>
          %gather3A_428 = tpu.vector_load_idx %arg5[%add3A_427] : memref<63552xf32, #tpu.memory_space<vmem>>[vector<16xi32>], vector<16xf32>,
          %add3A_429 = arith.constant 23832 : i32
          %add3A_430 = vector.broadcast %add3A_429 : i32 to vector<16xi32>
          %add3A_431 = arith.addi %get3A_404, %add3A_430 : vector<16xi32>
          %gather3A_432 = tpu.vector_load_idx %arg5[%add3A_431] : memref<63552xf32, #tpu.memory_space<vmem>>[vector<16xi32>], vector<16xf32>,
          %add3A_433 = arith.constant 27804 : i32
          %add3A_434 = vector.broadcast %add3A_433 : i32 to vector<16xi32>
          %add3A_435 = arith.addi %get3A_404, %add3A_434 : vector<16xi32>
          %gather3A_436 = tpu.vector_load_idx %arg5[%add3A_435] : memref<63552xf32, #tpu.memory_space<vmem>>[vector<16xi32>], vector<16xf32>,
          %add3A_437 = arith.constant 31776 : i32
          %add3A_438 = vector.broadcast %add3A_437 : i32 to vector<16xi32>
          %add3A_439 = arith.addi %get3A_404, %add3A_438 : vector<16xi32>
          %gather3A_440 = tpu.vector_load_idx %arg5[%add3A_439] : memref<63552xf32, #tpu.memory_space<vmem>>[vector<16xi32>], vector<16xf32>,
          %swap3A_441 = arith.constant 0 : i32
          %swap3A_442 = arith.constant 0 : i32
          %swap3A_443 = arith.index_cast %swap3A_441 : i32 to index
          %swap3A_444 = arith.index_cast %swap3A_442 : i32 to index
          %swap3A_445 = arith.index_cast %mul3A_400 : i32 to index
          %swap3A_446 = tpu.vector_load %arg8[%swap3A_443, %swap3A_444, %swap3A_445] {strides = array<i32>} : memref<16x1x1025xf32, #tpu.memory_space<vmem>>, vector<16xf32>,
          tpu.vector_store %arg8[%swap3A_443, %swap3A_444, %swap3A_445], %gather3A_408 {strides = array<i32>} : memref<16x1x1025xf32, #tpu.memory_space<vmem>>, vector<16xf32>,
          %add3A_447 = arith.constant 35748 : i32
          %add3A_448 = vector.broadcast %add3A_447 : i32 to vector<16xi32>
          %add3A_449 = arith.addi %get3A_404, %add3A_448 : vector<16xi32>
          %gather3A_450 = tpu.vector_load_idx %arg5[%add3A_449] : memref<63552xf32, #tpu.memory_space<vmem>>[vector<16xi32>], vector<16xf32>,
          %swap3A_451 = arith.constant 1 : i32
          %swap3A_452 = arith.constant 0 : i32
          %swap3A_453 = arith.index_cast %swap3A_451 : i32 to index
          %swap3A_454 = arith.index_cast %swap3A_452 : i32 to index
          %swap3A_455 = arith.index_cast %mul3A_400 : i32 to index
          %swap3A_456 = tpu.vector_load %arg8[%swap3A_453, %swap3A_454, %swap3A_455] {strides = array<i32>} : memref<16x1x1025xf32, #tpu.memory_space<vmem>>, vector<16xf32>,
          tpu.vector_store %arg8[%swap3A_453, %swap3A_454, %swap3A_455], %gather3A_412 {strides = array<i32>} : memref<16x1x1025xf32, #tpu.memory_space<vmem>>, vector<16xf32>,
          %add3A_457 = arith.constant 39720 : i32
          %add3A_458 = vector.broadcast %add3A_457 : i32 to vector<16xi32>
          %add3A_459 = arith.addi %get3A_404, %add3A_458 : vector<16xi32>
          %gather3A_460 = tpu.vector_load_idx %arg5[%add3A_459] : memref<63552xf32, #tpu.memory_space<vmem>>[vector<16xi32>], vector<16xf32>,
          %swap3A_461 = arith.constant 2 : i32
          %swap3A_462 = arith.constant 0 : i32
          %swap3A_463 = arith.index_cast %swap3A_461 : i32 to index
          %swap3A_464 = arith.index_cast %swap3A_462 : i32 to index
          %swap3A_465 = arith.index_cast %mul3A_400 : i32 to index
          %swap3A_466 = tpu.vector_load %arg8[%swap3A_463, %swap3A_464, %swap3A_465] {strides = array<i32>} : memref<16x1x1025xf32, #tpu.memory_space<vmem>>, vector<16xf32>,
          tpu.vector_store %arg8[%swap3A_463, %swap3A_464, %swap3A_465], %gather3A_416 {strides = array<i32>} : memref<16x1x1025xf32, #tpu.memory_space<vmem>>, vector<16xf32>,
          %add3A_467 = arith.constant 43692 : i32
          %add3A_468 = vector.broadcast %add3A_467 : i32 to vector<16xi32>
          %add3A_469 = arith.addi %get3A_404, %add3A_468 : vector<16xi32>
          %gather3A_470 = tpu.vector_load_idx %arg5[%add3A_469] : memref<63552xf32, #tpu.memory_space<vmem>>[vector<16xi32>], vector<16xf32>,
          %swap3A_471 = arith.constant 3 : i32
          %swap3A_472 = arith.constant 0 : i32
          %swap3A_473 = arith.index_cast %swap3A_471 : i32 to index
          %swap3A_474 = arith.index_cast %swap3A_472 : i32 to index
          %swap3A_475 = arith.index_cast %mul3A_400 : i32 to index
          %swap3A_476 = tpu.vector_load %arg8[%swap3A_473, %swap3A_474, %swap3A_475] {strides = array<i32>} : memref<16x1x1025xf32, #tpu.memory_space<vmem>>, vector<16xf32>,
          tpu.vector_store %arg8[%swap3A_473, %swap3A_474, %swap3A_475], %gather3A_420 {strides = array<i32>} : memref<16x1x1025xf32, #tpu.memory_space<vmem>>, vector<16xf32>,
          %add3A_477 = arith.constant 47664 : i32
          %add3A_478 = vector.broadcast %add3A_477 : i32 to vector<16xi32>
          %add3A_479 = arith.addi %get3A_404, %add3A_478 : vector<16xi32>
          %gather3A_480 = tpu.vector_load_idx %arg5[%add3A_479] : memref<63552xf32, #tpu.memory_space<vmem>>[vector<16xi32>], vector<16xf32>,
          %swap3A_481 = arith.constant 4 : i32
          %swap3A_482 = arith.constant 0 : i32
          %swap3A_483 = arith.index_cast %swap3A_481 : i32 to index
          %swap3A_484 = arith.index_cast %swap3A_482 : i32 to index
          %swap3A_485 = arith.index_cast %mul3A_400 : i32 to index
          %swap3A_486 = tpu.vector_load %arg8[%swap3A_483, %swap3A_484, %swap3A_485] {strides = array<i32>} : memref<16x1x1025xf32, #tpu.memory_space<vmem>>, vector<16xf32>,
          tpu.vector_store %arg8[%swap3A_483, %swap3A_484, %swap3A_485], %gather3A_424 {strides = array<i32>} : memref<16x1x1025xf32, #tpu.memory_space<vmem>>, vector<16xf32>,
          %add3A_487 = arith.constant 51636 : i32
          %add3A_488 = vector.broadcast %add3A_487 : i32 to vector<16xi32>
          %add3A_489 = arith.addi %get3A_404, %add3A_488 : vector<16xi32>
          %gather3A_490 = tpu.vector_load_idx %arg5[%add3A_489] : memref<63552xf32, #tpu.memory_space<vmem>>[vector<16xi32>], vector<16xf32>,
          %swap3A_491 = arith.constant 5 : i32
          %swap3A_492 = arith.constant 0 : i32
          %swap3A_493 = arith.index_cast %swap3A_491 : i32 to index
          %swap3A_494 = arith.index_cast %swap3A_492 : i32 to index
          %swap3A_495 = arith.index_cast %mul3A_400 : i32 to index
          %swap3A_496 = tpu.vector_load %arg8[%swap3A_493, %swap3A_494, %swap3A_495] {strides = array<i32>} : memref<16x1x1025xf32, #tpu.memory_space<vmem>>, vector<16xf32>,
          tpu.vector_store %arg8[%swap3A_493, %swap3A_494, %swap3A_495], %gather3A_428 {strides = array<i32>} : memref<16x1x1025xf32, #tpu.memory_space<vmem>>, vector<16xf32>,
          %add3A_497 = arith.constant 55608 : i32
          %add3A_498 = vector.broadcast %add3A_497 : i32 to vector<16xi32>
          %add3A_499 = arith.addi %get3A_404, %add3A_498 : vector<16xi32>
          %gather3A_500 = tpu.vector_load_idx %arg5[%add3A_499] : memref<63552xf32, #tpu.memory_space<vmem>>[vector<16xi32>], vector<16xf32>,
          %swap3A_501 = arith.constant 6 : i32
          %swap3A_502 = arith.constant 0 : i32
          %swap3A_503 = arith.index_cast %swap3A_501 : i32 to index
          %swap3A_504 = arith.index_cast %swap3A_502 : i32 to index
          %swap3A_505 = arith.index_cast %mul3A_400 : i32 to index
          %swap3A_506 = tpu.vector_load %arg8[%swap3A_503, %swap3A_504, %swap3A_505] {strides = array<i32>} : memref<16x1x1025xf32, #tpu.memory_space<vmem>>, vector<16xf32>,
          tpu.vector_store %arg8[%swap3A_503, %swap3A_504, %swap3A_505], %gather3A_432 {strides = array<i32>} : memref<16x1x1025xf32, #tpu.memory_space<vmem>>, vector<16xf32>,
          %add3A_507 = arith.constant 59580 : i32
          %add3A_508 = vector.broadcast %add3A_507 : i32 to vector<16xi32>
          %add3A_509 = arith.addi %get3A_404, %add3A_508 : vector<16xi32>
          %gather3A_510 = tpu.vector_load_idx %arg5[%add3A_509] : memref<63552xf32, #tpu.memory_space<vmem>>[vector<16xi32>], vector<16xf32>,
          %swap3A_511 = arith.constant 7 : i32
          %swap3A_512 = arith.constant 0 : i32
          %swap3A_513 = arith.index_cast %swap3A_511 : i32 to index
          %swap3A_514 = arith.index_cast %swap3A_512 : i32 to index
          %swap3A_515 = arith.index_cast %mul3A_400 : i32 to index
          %swap3A_516 = tpu.vector_load %arg8[%swap3A_513, %swap3A_514, %swap3A_515] {strides = array<i32>} : memref<16x1x1025xf32, #tpu.memory_space<vmem>>, vector<16xf32>,
          tpu.vector_store %arg8[%swap3A_513, %swap3A_514, %swap3A_515], %gather3A_436 {strides = array<i32>} : memref<16x1x1025xf32, #tpu.memory_space<vmem>>, vector<16xf32>,
          %swap3A_517 = arith.constant 8 : i32
          %swap3A_518 = arith.constant 0 : i32
          %swap3A_519 = arith.index_cast %swap3A_517 : i32 to index
          %swap3A_520 = arith.index_cast %swap3A_518 : i32 to index
          %swap3A_521 = arith.index_cast %mul3A_400 : i32 to index
          %swap3A_522 = tpu.vector_load %arg8[%swap3A_519, %swap3A_520, %swap3A_521] {strides = array<i32>} : memref<16x1x1025xf32, #tpu.memory_space<vmem>>, vector<16xf32>,
          tpu.vector_store %arg8[%swap3A_519, %swap3A_520, %swap3A_521], %gather3A_440 {strides = array<i32>} : memref<16x1x1025xf32, #tpu.memory_space<vmem>>, vector<16xf32>,
          %swap3A_523 = arith.constant 9 : i32
          %swap3A_524 = arith.constant 0 : i32
          %swap3A_525 = arith.index_cast %swap3A_523 : i32 to index
          %swap3A_526 = arith.index_cast %swap3A_524 : i32 to index
          %swap3A_527 = arith.index_cast %mul3A_400 : i32 to index
          %swap3A_528 = tpu.vector_load %arg8[%swap3A_525, %swap3A_526, %swap3A_527] {strides = array<i32>} : memref<16x1x1025xf32, #tpu.memory_space<vmem>>, vector<16xf32>,
          tpu.vector_store %arg8[%swap3A_525, %swap3A_526, %swap3A_527], %gather3A_450 {strides = array<i32>} : memref<16x1x1025xf32, #tpu.memory_space<vmem>>, vector<16xf32>,
          %swap3A_529 = arith.constant 10 : i32
          %swap3A_530 = arith.constant 0 : i32
          %swap3A_531 = arith.index_cast %swap3A_529 : i32 to index
          %swap3A_532 = arith.index_cast %swap3A_530 : i32 to index
          %swap3A_533 = arith.index_cast %mul3A_400 : i32 to index
          %swap3A_534 = tpu.vector_load %arg8[%swap3A_531, %swap3A_532, %swap3A_533] {strides = array<i32>} : memref<16x1x1025xf32, #tpu.memory_space<vmem>>, vector<16xf32>,
          tpu.vector_store %arg8[%swap3A_531, %swap3A_532, %swap3A_533], %gather3A_460 {strides = array<i32>} : memref<16x1x1025xf32, #tpu.memory_space<vmem>>, vector<16xf32>,
          %swap3A_535 = arith.constant 11 : i32
          %swap3A_536 = arith.constant 0 : i32
          %swap3A_537 = arith.index_cast %swap3A_535 : i32 to index
          %swap3A_538 = arith.index_cast %swap3A_536 : i32 to index
          %swap3A_539 = arith.index_cast %mul3A_400 : i32 to index
          %swap3A_540 = tpu.vector_load %arg8[%swap3A_537, %swap3A_538, %swap3A_539] {strides = array<i32>} : memref<16x1x1025xf32, #tpu.memory_space<vmem>>, vector<16xf32>,
          tpu.vector_store %arg8[%swap3A_537, %swap3A_538, %swap3A_539], %gather3A_470 {strides = array<i32>} : memref<16x1x1025xf32, #tpu.memory_space<vmem>>, vector<16xf32>,
          %swap3A_541 = arith.constant 12 : i32
          %swap3A_542 = arith.constant 0 : i32
          %swap3A_543 = arith.index_cast %swap3A_541 : i32 to index
          %swap3A_544 = arith.index_cast %swap3A_542 : i32 to index
          %swap3A_545 = arith.index_cast %mul3A_400 : i32 to index
          %swap3A_546 = tpu.vector_load %arg8[%swap3A_543, %swap3A_544, %swap3A_545] {strides = array<i32>} : memref<16x1x1025xf32, #tpu.memory_space<vmem>>, vector<16xf32>,
          tpu.vector_store %arg8[%swap3A_543, %swap3A_544, %swap3A_545], %gather3A_480 {strides = array<i32>} : memref<16x1x1025xf32, #tpu.memory_space<vmem>>, vector<16xf32>,
          %swap3A_547 = arith.constant 13 : i32
          %swap3A_548 = arith.constant 0 : i32
          %swap3A_549 = arith.index_cast %swap3A_547 : i32 to index
          %swap3A_550 = arith.index_cast %swap3A_548 : i32 to index
          %swap3A_551 = arith.index_cast %mul3A_400 : i32 to index
          %swap3A_552 = tpu.vector_load %arg8[%swap3A_549, %swap3A_550, %swap3A_551] {strides = array<i32>} : memref<16x1x1025xf32, #tpu.memory_space<vmem>>, vector<16xf32>,
          tpu.vector_store %arg8[%swap3A_549, %swap3A_550, %swap3A_551], %gather3A_490 {strides = array<i32>} : memref<16x1x1025xf32, #tpu.memory_space<vmem>>, vector<16xf32>,
          %swap3A_553 = arith.constant 14 : i32
          %swap3A_554 = arith.constant 0 : i32
          %swap3A_555 = arith.index_cast %swap3A_553 : i32 to index
          %swap3A_556 = arith.index_cast %swap3A_554 : i32 to index
          %swap3A_557 = arith.index_cast %mul3A_400 : i32 to index
          %swap3A_558 = tpu.vector_load %arg8[%swap3A_555, %swap3A_556, %swap3A_557] {strides = array<i32>} : memref<16x1x1025xf32, #tpu.memory_space<vmem>>, vector<16xf32>,
          tpu.vector_store %arg8[%swap3A_555, %swap3A_556, %swap3A_557], %gather3A_500 {strides = array<i32>} : memref<16x1x1025xf32, #tpu.memory_space<vmem>>, vector<16xf32>,
          %swap3A_559 = arith.constant 15 : i32
          %swap3A_560 = arith.constant 0 : i32
          %swap3A_561 = arith.index_cast %swap3A_559 : i32 to index
          %swap3A_562 = arith.index_cast %swap3A_560 : i32 to index
          %swap3A_563 = arith.index_cast %mul3A_400 : i32 to index
          %swap3A_564 = tpu.vector_load %arg8[%swap3A_561, %swap3A_562, %swap3A_563] {strides = array<i32>} : memref<16x1x1025xf32, #tpu.memory_space<vmem>>, vector<16xf32>,
          tpu.vector_store %arg8[%swap3A_561, %swap3A_562, %swap3A_563], %gather3A_510 {strides = array<i32>} : memref<16x1x1025xf32, #tpu.memory_space<vmem>>, vector<16xf32>,
          %scan3A_565 = arith.constant 2 : i32
          %scan3A_566 = arith.addi %scan3A_230, %scan3A_565 : i32
          %mul3A_567 = arith.constant 16 : i32
          %mul3A_568 = arith.muli %scan3A_566, %mul3A_567 : i32
          %get3A_569 = arith.constant 0 : i32
          %get3A_570 = arith.index_cast %get3A_569 : i32 to index
          %get3A_571 = arith.index_cast %mul3A_568 : i32 to index
          %get3A_572 = tpu.vector_load %arg6[%get3A_570, %get3A_571] {strides = array<i32>} : memref<1x1025xi32, #tpu.memory_space<vmem>>, vector<16xi32>,
          %add3A_573 = arith.constant 0 : i32
          %add3A_574 = vector.broadcast %add3A_573 : i32 to vector<16xi32>
          %add3A_575 = arith.addi %get3A_572, %add3A_574 : vector<16xi32>
          %gather3A_576 = tpu.vector_load_idx %arg5[%add3A_575] : memref<63552xf32, #tpu.memory_space<vmem>>[vector<16xi32>], vector<16xf32>,
          %add3A_577 = arith.constant 3972 : i32
          %add3A_578 = vector.broadcast %add3A_577 : i32 to vector<16xi32>
          %add3A_579 = arith.addi %get3A_572, %add3A_578 : vector<16xi32>
          %gather3A_580 = tpu.vector_load_idx %arg5[%add3A_579] : memref<63552xf32, #tpu.memory_space<vmem>>[vector<16xi32>], vector<16xf32>,
          %add3A_581 = arith.constant 7944 : i32
          %add3A_582 = vector.broadcast %add3A_581 : i32 to vector<16xi32>
          %add3A_583 = arith.addi %get3A_572, %add3A_582 : vector<16xi32>
          %gather3A_584 = tpu.vector_load_idx %arg5[%add3A_583] : memref<63552xf32, #tpu.memory_space<vmem>>[vector<16xi32>], vector<16xf32>,
          %add3A_585 = arith.constant 11916 : i32
          %add3A_586 = vector.broadcast %add3A_585 : i32 to vector<16xi32>
          %add3A_587 = arith.addi %get3A_572, %add3A_586 : vector<16xi32>
          %gather3A_588 = tpu.vector_load_idx %arg5[%add3A_587] : memref<63552xf32, #tpu.memory_space<vmem>>[vector<16xi32>], vector<16xf32>,
          %add3A_589 = arith.constant 15888 : i32
          %add3A_590 = vector.broadcast %add3A_589 : i32 to vector<16xi32>
          %add3A_591 = arith.addi %get3A_572, %add3A_590 : vector<16xi32>
          %gather3A_592 = tpu.vector_load_idx %arg5[%add3A_591] : memref<63552xf32, #tpu.memory_space<vmem>>[vector<16xi32>], vector<16xf32>,
          %add3A_593 = arith.constant 19860 : i32
          %add3A_594 = vector.broadcast %add3A_593 : i32 to vector<16xi32>
          %add3A_595 = arith.addi %get3A_572, %add3A_594 : vector<16xi32>
          %gather3A_596 = tpu.vector_load_idx %arg5[%add3A_595] : memref<63552xf32, #tpu.memory_space<vmem>>[vector<16xi32>], vector<16xf32>,
          %add3A_597 = arith.constant 23832 : i32
          %add3A_598 = vector.broadcast %add3A_597 : i32 to vector<16xi32>
          %add3A_599 = arith.addi %get3A_572, %add3A_598 : vector<16xi32>
          %gather3A_600 = tpu.vector_load_idx %arg5[%add3A_599] : memref<63552xf32, #tpu.memory_space<vmem>>[vector<16xi32>], vector<16xf32>,
          %add3A_601 = arith.constant 27804 : i32
          %add3A_602 = vector.broadcast %add3A_601 : i32 to vector<16xi32>
          %add3A_603 = arith.addi %get3A_572, %add3A_602 : vector<16xi32>
          %gather3A_604 = tpu.vector_load_idx %arg5[%add3A_603] : memref<63552xf32, #tpu.memory_space<vmem>>[vector<16xi32>], vector<16xf32>,
          %add3A_605 = arith.constant 31776 : i32
          %add3A_606 = vector.broadcast %add3A_605 : i32 to vector<16xi32>
          %add3A_607 = arith.addi %get3A_572, %add3A_606 : vector<16xi32>
          %gather3A_608 = tpu.vector_load_idx %arg5[%add3A_607] : memref<63552xf32, #tpu.memory_space<vmem>>[vector<16xi32>], vector<16xf32>,
          %swap3A_609 = arith.constant 0 : i32
          %swap3A_610 = arith.constant 0 : i32
          %swap3A_611 = arith.index_cast %swap3A_609 : i32 to index
          %swap3A_612 = arith.index_cast %swap3A_610 : i32 to index
          %swap3A_613 = arith.index_cast %mul3A_568 : i32 to index
          %swap3A_614 = tpu.vector_load %arg8[%swap3A_611, %swap3A_612, %swap3A_613] {strides = array<i32>} : memref<16x1x1025xf32, #tpu.memory_space<vmem>>, vector<16xf32>,
          tpu.vector_store %arg8[%swap3A_611, %swap3A_612, %swap3A_613], %gather3A_576 {strides = array<i32>} : memref<16x1x1025xf32, #tpu.memory_space<vmem>>, vector<16xf32>,
          %add3A_615 = arith.constant 35748 : i32
          %add3A_616 = vector.broadcast %add3A_615 : i32 to vector<16xi32>
          %add3A_617 = arith.addi %get3A_572, %add3A_616 : vector<16xi32>
          %gather3A_618 = tpu.vector_load_idx %arg5[%add3A_617] : memref<63552xf32, #tpu.memory_space<vmem>>[vector<16xi32>], vector<16xf32>,
          %swap3A_619 = arith.constant 1 : i32
          %swap3A_620 = arith.constant 0 : i32
          %swap3A_621 = arith.index_cast %swap3A_619 : i32 to index
          %swap3A_622 = arith.index_cast %swap3A_620 : i32 to index
          %swap3A_623 = arith.index_cast %mul3A_568 : i32 to index
          %swap3A_624 = tpu.vector_load %arg8[%swap3A_621, %swap3A_622, %swap3A_623] {strides = array<i32>} : memref<16x1x1025xf32, #tpu.memory_space<vmem>>, vector<16xf32>,
          tpu.vector_store %arg8[%swap3A_621, %swap3A_622, %swap3A_623], %gather3A_580 {strides = array<i32>} : memref<16x1x1025xf32, #tpu.memory_space<vmem>>, vector<16xf32>,
          %add3A_625 = arith.constant 39720 : i32
          %add3A_626 = vector.broadcast %add3A_625 : i32 to vector<16xi32>
          %add3A_627 = arith.addi %get3A_572, %add3A_626 : vector<16xi32>
          %gather3A_628 = tpu.vector_load_idx %arg5[%add3A_627] : memref<63552xf32, #tpu.memory_space<vmem>>[vector<16xi32>], vector<16xf32>,
          %swap3A_629 = arith.constant 2 : i32
          %swap3A_630 = arith.constant 0 : i32
          %swap3A_631 = arith.index_cast %swap3A_629 : i32 to index
          %swap3A_632 = arith.index_cast %swap3A_630 : i32 to index
          %swap3A_633 = arith.index_cast %mul3A_568 : i32 to index
          %swap3A_634 = tpu.vector_load %arg8[%swap3A_631, %swap3A_632, %swap3A_633] {strides = array<i32>} : memref<16x1x1025xf32, #tpu.memory_space<vmem>>, vector<16xf32>,
          tpu.vector_store %arg8[%swap3A_631, %swap3A_632, %swap3A_633], %gather3A_584 {strides = array<i32>} : memref<16x1x1025xf32, #tpu.memory_space<vmem>>, vector<16xf32>,
          %add3A_635 = arith.constant 43692 : i32
          %add3A_636 = vector.broadcast %add3A_635 : i32 to vector<16xi32>
          %add3A_637 = arith.addi %get3A_572, %add3A_636 : vector<16xi32>
          %gather3A_638 = tpu.vector_load_idx %arg5[%add3A_637] : memref<63552xf32, #tpu.memory_space<vmem>>[vector<16xi32>], vector<16xf32>,
          %swap3A_639 = arith.constant 3 : i32
          %swap3A_640 = arith.constant 0 : i32
          %swap3A_641 = arith.index_cast %swap3A_639 : i32 to index
          %swap3A_642 = arith.index_cast %swap3A_640 : i32 to index
          %swap3A_643 = arith.index_cast %mul3A_568 : i32 to index
          %swap3A_644 = tpu.vector_load %arg8[%swap3A_641, %swap3A_642, %swap3A_643] {strides = array<i32>} : memref<16x1x1025xf32, #tpu.memory_space<vmem>>, vector<16xf32>,
          tpu.vector_store %arg8[%swap3A_641, %swap3A_642, %swap3A_643], %gather3A_588 {strides = array<i32>} : memref<16x1x1025xf32, #tpu.memory_space<vmem>>, vector<16xf32>,
          %add3A_645 = arith.constant 47664 : i32
          %add3A_646 = vector.broadcast %add3A_645 : i32 to vector<16xi32>
          %add3A_647 = arith.addi %get3A_572, %add3A_646 : vector<16xi32>
          %gather3A_648 = tpu.vector_load_idx %arg5[%add3A_647] : memref<63552xf32, #tpu.memory_space<vmem>>[vector<16xi32>], vector<16xf32>,
          %swap3A_649 = arith.constant 4 : i32
          %swap3A_650 = arith.constant 0 : i32
          %swap3A_651 = arith.index_cast %swap3A_649 : i32 to index
          %swap3A_652 = arith.index_cast %swap3A_650 : i32 to index
          %swap3A_653 = arith.index_cast %mul3A_568 : i32 to index
          %swap3A_654 = tpu.vector_load %arg8[%swap3A_651, %swap3A_652, %swap3A_653] {strides = array<i32>} : memref<16x1x1025xf32, #tpu.memory_space<vmem>>, vector<16xf32>,
          tpu.vector_store %arg8[%swap3A_651, %swap3A_652, %swap3A_653], %gather3A_592 {strides = array<i32>} : memref<16x1x1025xf32, #tpu.memory_space<vmem>>, vector<16xf32>,
          %add3A_655 = arith.constant 51636 : i32
          %add3A_656 = vector.broadcast %add3A_655 : i32 to vector<16xi32>
          %add3A_657 = arith.addi %get3A_572, %add3A_656 : vector<16xi32>
          %gather3A_658 = tpu.vector_load_idx %arg5[%add3A_657] : memref<63552xf32, #tpu.memory_space<vmem>>[vector<16xi32>], vector<16xf32>,
          %swap3A_659 = arith.constant 5 : i32
          %swap3A_660 = arith.constant 0 : i32
          %swap3A_661 = arith.index_cast %swap3A_659 : i32 to index
          %swap3A_662 = arith.index_cast %swap3A_660 : i32 to index
          %swap3A_663 = arith.index_cast %mul3A_568 : i32 to index
          %swap3A_664 = tpu.vector_load %arg8[%swap3A_661, %swap3A_662, %swap3A_663] {strides = array<i32>} : memref<16x1x1025xf32, #tpu.memory_space<vmem>>, vector<16xf32>,
          tpu.vector_store %arg8[%swap3A_661, %swap3A_662, %swap3A_663], %gather3A_596 {strides = array<i32>} : memref<16x1x1025xf32, #tpu.memory_space<vmem>>, vector<16xf32>,
          %add3A_665 = arith.constant 55608 : i32
          %add3A_666 = vector.broadcast %add3A_665 : i32 to vector<16xi32>
          %add3A_667 = arith.addi %get3A_572, %add3A_666 : vector<16xi32>
          %gather3A_668 = tpu.vector_load_idx %arg5[%add3A_667] : memref<63552xf32, #tpu.memory_space<vmem>>[vector<16xi32>], vector<16xf32>,
          %swap3A_669 = arith.constant 6 : i32
          %swap3A_670 = arith.constant 0 : i32
          %swap3A_671 = arith.index_cast %swap3A_669 : i32 to index
          %swap3A_672 = arith.index_cast %swap3A_670 : i32 to index
          %swap3A_673 = arith.index_cast %mul3A_568 : i32 to index
          %swap3A_674 = tpu.vector_load %arg8[%swap3A_671, %swap3A_672, %swap3A_673] {strides = array<i32>} : memref<16x1x1025xf32, #tpu.memory_space<vmem>>, vector<16xf32>,
          tpu.vector_store %arg8[%swap3A_671, %swap3A_672, %swap3A_673], %gather3A_600 {strides = array<i32>} : memref<16x1x1025xf32, #tpu.memory_space<vmem>>, vector<16xf32>,
          %add3A_675 = arith.constant 59580 : i32
          %add3A_676 = vector.broadcast %add3A_675 : i32 to vector<16xi32>
          %add3A_677 = arith.addi %get3A_572, %add3A_676 : vector<16xi32>
          %gather3A_678 = tpu.vector_load_idx %arg5[%add3A_677] : memref<63552xf32, #tpu.memory_space<vmem>>[vector<16xi32>], vector<16xf32>,
          %swap3A_679 = arith.constant 7 : i32
          %swap3A_680 = arith.constant 0 : i32
          %swap3A_681 = arith.index_cast %swap3A_679 : i32 to index
          %swap3A_682 = arith.index_cast %swap3A_680 : i32 to index
          %swap3A_683 = arith.index_cast %mul3A_568 : i32 to index
          %swap3A_684 = tpu.vector_load %arg8[%swap3A_681, %swap3A_682, %swap3A_683] {strides = array<i32>} : memref<16x1x1025xf32, #tpu.memory_space<vmem>>, vector<16xf32>,
          tpu.vector_store %arg8[%swap3A_681, %swap3A_682, %swap3A_683], %gather3A_604 {strides = array<i32>} : memref<16x1x1025xf32, #tpu.memory_space<vmem>>, vector<16xf32>,
          %swap3A_685 = arith.constant 8 : i32
          %swap3A_686 = arith.constant 0 : i32
          %swap3A_687 = arith.index_cast %swap3A_685 : i32 to index
          %swap3A_688 = arith.index_cast %swap3A_686 : i32 to index
          %swap3A_689 = arith.index_cast %mul3A_568 : i32 to index
          %swap3A_690 = tpu.vector_load %arg8[%swap3A_687, %swap3A_688, %swap3A_689] {strides = array<i32>} : memref<16x1x1025xf32, #tpu.memory_space<vmem>>, vector<16xf32>,
          tpu.vector_store %arg8[%swap3A_687, %swap3A_688, %swap3A_689], %gather3A_608 {strides = array<i32>} : memref<16x1x1025xf32, #tpu.memory_space<vmem>>, vector<16xf32>,
          %swap3A_691 = arith.constant 9 : i32
          %swap3A_692 = arith.constant 0 : i32
          %swap3A_693 = arith.index_cast %swap3A_691 : i32 to index
          %swap3A_694 = arith.index_cast %swap3A_692 : i32 to index
          %swap3A_695 = arith.index_cast %mul3A_568 : i32 to index
          %swap3A_696 = tpu.vector_load %arg8[%swap3A_693, %swap3A_694, %swap3A_695] {strides = array<i32>} : memref<16x1x1025xf32, #tpu.memory_space<vmem>>, vector<16xf32>,
          tpu.vector_store %arg8[%swap3A_693, %swap3A_694, %swap3A_695], %gather3A_618 {strides = array<i32>} : memref<16x1x1025xf32, #tpu.memory_space<vmem>>, vector<16xf32>,
          %swap3A_697 = arith.constant 10 : i32
          %swap3A_698 = arith.constant 0 : i32
          %swap3A_699 = arith.index_cast %swap3A_697 : i32 to index
          %swap3A_700 = arith.index_cast %swap3A_698 : i32 to index
          %swap3A_701 = arith.index_cast %mul3A_568 : i32 to index
          %swap3A_702 = tpu.vector_load %arg8[%swap3A_699, %swap3A_700, %swap3A_701] {strides = array<i32>} : memref<16x1x1025xf32, #tpu.memory_space<vmem>>, vector<16xf32>,
          tpu.vector_store %arg8[%swap3A_699, %swap3A_700, %swap3A_701], %gather3A_628 {strides = array<i32>} : memref<16x1x1025xf32, #tpu.memory_space<vmem>>, vector<16xf32>,
          %swap3A_703 = arith.constant 11 : i32
          %swap3A_704 = arith.constant 0 : i32
          %swap3A_705 = arith.index_cast %swap3A_703 : i32 to index
          %swap3A_706 = arith.index_cast %swap3A_704 : i32 to index
          %swap3A_707 = arith.index_cast %mul3A_568 : i32 to index
          %swap3A_708 = tpu.vector_load %arg8[%swap3A_705, %swap3A_706, %swap3A_707] {strides = array<i32>} : memref<16x1x1025xf32, #tpu.memory_space<vmem>>, vector<16xf32>,
          tpu.vector_store %arg8[%swap3A_705, %swap3A_706, %swap3A_707], %gather3A_638 {strides = array<i32>} : memref<16x1x1025xf32, #tpu.memory_space<vmem>>, vector<16xf32>,
          %swap3A_709 = arith.constant 12 : i32
          %swap3A_710 = arith.constant 0 : i32
          %swap3A_711 = arith.index_cast %swap3A_709 : i32 to index
          %swap3A_712 = arith.index_cast %swap3A_710 : i32 to index
          %swap3A_713 = arith.index_cast %mul3A_568 : i32 to index
          %swap3A_714 = tpu.vector_load %arg8[%swap3A_711, %swap3A_712, %swap3A_713] {strides = array<i32>} : memref<16x1x1025xf32, #tpu.memory_space<vmem>>, vector<16xf32>,
          tpu.vector_store %arg8[%swap3A_711, %swap3A_712, %swap3A_713], %gather3A_648 {strides = array<i32>} : memref<16x1x1025xf32, #tpu.memory_space<vmem>>, vector<16xf32>,
          %swap3A_715 = arith.constant 13 : i32
          %swap3A_716 = arith.constant 0 : i32
          %swap3A_717 = arith.index_cast %swap3A_715 : i32 to index
          %swap3A_718 = arith.index_cast %swap3A_716 : i32 to index
          %swap3A_719 = arith.index_cast %mul3A_568 : i32 to index
          %swap3A_720 = tpu.vector_load %arg8[%swap3A_717, %swap3A_718, %swap3A_719] {strides = array<i32>} : memref<16x1x1025xf32, #tpu.memory_space<vmem>>, vector<16xf32>,
          tpu.vector_store %arg8[%swap3A_717, %swap3A_718, %swap3A_719], %gather3A_658 {strides = array<i32>} : memref<16x1x1025xf32, #tpu.memory_space<vmem>>, vector<16xf32>,
          %swap3A_721 = arith.constant 14 : i32
          %swap3A_722 = arith.constant 0 : i32
          %swap3A_723 = arith.index_cast %swap3A_721 : i32 to index
          %swap3A_724 = arith.index_cast %swap3A_722 : i32 to index
          %swap3A_725 = arith.index_cast %mul3A_568 : i32 to index
          %swap3A_726 = tpu.vector_load %arg8[%swap3A_723, %swap3A_724, %swap3A_725] {strides = array<i32>} : memref<16x1x1025xf32, #tpu.memory_space<vmem>>, vector<16xf32>,
          tpu.vector_store %arg8[%swap3A_723, %swap3A_724, %swap3A_725], %gather3A_668 {strides = array<i32>} : memref<16x1x1025xf32, #tpu.memory_space<vmem>>, vector<16xf32>,
          %swap3A_727 = arith.constant 15 : i32
          %swap3A_728 = arith.constant 0 : i32
          %swap3A_729 = arith.index_cast %swap3A_727 : i32 to index
          %swap3A_730 = arith.index_cast %swap3A_728 : i32 to index
          %swap3A_731 = arith.index_cast %mul3A_568 : i32 to index
          %swap3A_732 = tpu.vector_load %arg8[%swap3A_729, %swap3A_730, %swap3A_731] {strides = array<i32>} : memref<16x1x1025xf32, #tpu.memory_space<vmem>>, vector<16xf32>,
          tpu.vector_store %arg8[%swap3A_729, %swap3A_730, %swap3A_731], %gather3A_678 {strides = array<i32>} : memref<16x1x1025xf32, #tpu.memory_space<vmem>>, vector<16xf32>,
          %scan3A_733 = arith.constant 3 : i32
          %scan3A_734 = arith.addi %scan3A_230, %scan3A_733 : i32
          %mul3A_735 = arith.constant 16 : i32
          %mul3A_736 = arith.muli %scan3A_734, %mul3A_735 : i32
          %get3A_737 = arith.constant 0 : i32
          %get3A_738 = arith.index_cast %get3A_737 : i32 to index
          %get3A_739 = arith.index_cast %mul3A_736 : i32 to index
          %get3A_740 = tpu.vector_load %arg6[%get3A_738, %get3A_739] {strides = array<i32>} : memref<1x1025xi32, #tpu.memory_space<vmem>>, vector<16xi32>,
          %add3A_741 = arith.constant 0 : i32
          %add3A_742 = vector.broadcast %add3A_741 : i32 to vector<16xi32>
          %add3A_743 = arith.addi %get3A_740, %add3A_742 : vector<16xi32>
          %gather3A_744 = tpu.vector_load_idx %arg5[%add3A_743] : memref<63552xf32, #tpu.memory_space<vmem>>[vector<16xi32>], vector<16xf32>,
          %add3A_745 = arith.constant 3972 : i32
          %add3A_746 = vector.broadcast %add3A_745 : i32 to vector<16xi32>
          %add3A_747 = arith.addi %get3A_740, %add3A_746 : vector<16xi32>
          %gather3A_748 = tpu.vector_load_idx %arg5[%add3A_747] : memref<63552xf32, #tpu.memory_space<vmem>>[vector<16xi32>], vector<16xf32>,
          %add3A_749 = arith.constant 7944 : i32
          %add3A_750 = vector.broadcast %add3A_749 : i32 to vector<16xi32>
          %add3A_751 = arith.addi %get3A_740, %add3A_750 : vector<16xi32>
          %gather3A_752 = tpu.vector_load_idx %arg5[%add3A_751] : memref<63552xf32, #tpu.memory_space<vmem>>[vector<16xi32>], vector<16xf32>,
          %add3A_753 = arith.constant 11916 : i32
          %add3A_754 = vector.broadcast %add3A_753 : i32 to vector<16xi32>
          %add3A_755 = arith.addi %get3A_740, %add3A_754 : vector<16xi32>
          %gather3A_756 = tpu.vector_load_idx %arg5[%add3A_755] : memref<63552xf32, #tpu.memory_space<vmem>>[vector<16xi32>], vector<16xf32>,
          %add3A_757 = arith.constant 15888 : i32
          %add3A_758 = vector.broadcast %add3A_757 : i32 to vector<16xi32>
          %add3A_759 = arith.addi %get3A_740, %add3A_758 : vector<16xi32>
          %gather3A_760 = tpu.vector_load_idx %arg5[%add3A_759] : memref<63552xf32, #tpu.memory_space<vmem>>[vector<16xi32>], vector<16xf32>,
          %add3A_761 = arith.constant 19860 : i32
          %add3A_762 = vector.broadcast %add3A_761 : i32 to vector<16xi32>
          %add3A_763 = arith.addi %get3A_740, %add3A_762 : vector<16xi32>
          %gather3A_764 = tpu.vector_load_idx %arg5[%add3A_763] : memref<63552xf32, #tpu.memory_space<vmem>>[vector<16xi32>], vector<16xf32>,
          %add3A_765 = arith.constant 23832 : i32
          %add3A_766 = vector.broadcast %add3A_765 : i32 to vector<16xi32>
          %add3A_767 = arith.addi %get3A_740, %add3A_766 : vector<16xi32>
          %gather3A_768 = tpu.vector_load_idx %arg5[%add3A_767] : memref<63552xf32, #tpu.memory_space<vmem>>[vector<16xi32>], vector<16xf32>,
          %add3A_769 = arith.constant 27804 : i32
          %add3A_770 = vector.broadcast %add3A_769 : i32 to vector<16xi32>
          %add3A_771 = arith.addi %get3A_740, %add3A_770 : vector<16xi32>
          %gather3A_772 = tpu.vector_load_idx %arg5[%add3A_771] : memref<63552xf32, #tpu.memory_space<vmem>>[vector<16xi32>], vector<16xf32>,
          %add3A_773 = arith.constant 31776 : i32
          %add3A_774 = vector.broadcast %add3A_773 : i32 to vector<16xi32>
          %add3A_775 = arith.addi %get3A_740, %add3A_774 : vector<16xi32>
          %gather3A_776 = tpu.vector_load_idx %arg5[%add3A_775] : memref<63552xf32, #tpu.memory_space<vmem>>[vector<16xi32>], vector<16xf32>,
          %swap3A_777 = arith.constant 0 : i32
          %swap3A_778 = arith.constant 0 : i32
          %swap3A_779 = arith.index_cast %swap3A_777 : i32 to index
          %swap3A_780 = arith.index_cast %swap3A_778 : i32 to index
          %swap3A_781 = arith.index_cast %mul3A_736 : i32 to index
          %swap3A_782 = tpu.vector_load %arg8[%swap3A_779, %swap3A_780, %swap3A_781] {strides = array<i32>} : memref<16x1x1025xf32, #tpu.memory_space<vmem>>, vector<16xf32>,
          tpu.vector_store %arg8[%swap3A_779, %swap3A_780, %swap3A_781], %gather3A_744 {strides = array<i32>} : memref<16x1x1025xf32, #tpu.memory_space<vmem>>, vector<16xf32>,
          %add3A_783 = arith.constant 35748 : i32
          %add3A_784 = vector.broadcast %add3A_783 : i32 to vector<16xi32>
          %add3A_785 = arith.addi %get3A_740, %add3A_784 : vector<16xi32>
          %gather3A_786 = tpu.vector_load_idx %arg5[%add3A_785] : memref<63552xf32, #tpu.memory_space<vmem>>[vector<16xi32>], vector<16xf32>,
          %swap3A_787 = arith.constant 1 : i32
          %swap3A_788 = arith.constant 0 : i32
          %swap3A_789 = arith.index_cast %swap3A_787 : i32 to index
          %swap3A_790 = arith.index_cast %swap3A_788 : i32 to index
          %swap3A_791 = arith.index_cast %mul3A_736 : i32 to index
          %swap3A_792 = tpu.vector_load %arg8[%swap3A_789, %swap3A_790, %swap3A_791] {strides = array<i32>} : memref<16x1x1025xf32, #tpu.memory_space<vmem>>, vector<16xf32>,
          tpu.vector_store %arg8[%swap3A_789, %swap3A_790, %swap3A_791], %gather3A_748 {strides = array<i32>} : memref<16x1x1025xf32, #tpu.memory_space<vmem>>, vector<16xf32>,
          %add3A_793 = arith.constant 39720 : i32
          %add3A_794 = vector.broadcast %add3A_793 : i32 to vector<16xi32>
          %add3A_795 = arith.addi %get3A_740, %add3A_794 : vector<16xi32>
          %gather3A_796 = tpu.vector_load_idx %arg5[%add3A_795] : memref<63552xf32, #tpu.memory_space<vmem>>[vector<16xi32>], vector<16xf32>,
          %swap3A_797 = arith.constant 2 : i32
          %swap3A_798 = arith.constant 0 : i32
          %swap3A_799 = arith.index_cast %swap3A_797 : i32 to index
          %swap3A_800 = arith.index_cast %swap3A_798 : i32 to index
          %swap3A_801 = arith.index_cast %mul3A_736 : i32 to index
          %swap3A_802 = tpu.vector_load %arg8[%swap3A_799, %swap3A_800, %swap3A_801] {strides = array<i32>} : memref<16x1x1025xf32, #tpu.memory_space<vmem>>, vector<16xf32>,
          tpu.vector_store %arg8[%swap3A_799, %swap3A_800, %swap3A_801], %gather3A_752 {strides = array<i32>} : memref<16x1x1025xf32, #tpu.memory_space<vmem>>, vector<16xf32>,
          %add3A_803 = arith.constant 43692 : i32
          %add3A_804 = vector.broadcast %add3A_803 : i32 to vector<16xi32>
          %add3A_805 = arith.addi %get3A_740, %add3A_804 : vector<16xi32>
          %gather3A_806 = tpu.vector_load_idx %arg5[%add3A_805] : memref<63552xf32, #tpu.memory_space<vmem>>[vector<16xi32>], vector<16xf32>,
          %swap3A_807 = arith.constant 3 : i32
          %swap3A_808 = arith.constant 0 : i32
          %swap3A_809 = arith.index_cast %swap3A_807 : i32 to index
          %swap3A_810 = arith.index_cast %swap3A_808 : i32 to index
          %swap3A_811 = arith.index_cast %mul3A_736 : i32 to index
          %swap3A_812 = tpu.vector_load %arg8[%swap3A_809, %swap3A_810, %swap3A_811] {strides = array<i32>} : memref<16x1x1025xf32, #tpu.memory_space<vmem>>, vector<16xf32>,
          tpu.vector_store %arg8[%swap3A_809, %swap3A_810, %swap3A_811], %gather3A_756 {strides = array<i32>} : memref<16x1x1025xf32, #tpu.memory_space<vmem>>, vector<16xf32>,
          %add3A_813 = arith.constant 47664 : i32
          %add3A_814 = vector.broadcast %add3A_813 : i32 to vector<16xi32>
          %add3A_815 = arith.addi %get3A_740, %add3A_814 : vector<16xi32>
          %gather3A_816 = tpu.vector_load_idx %arg5[%add3A_815] : memref<63552xf32, #tpu.memory_space<vmem>>[vector<16xi32>], vector<16xf32>,
          %swap3A_817 = arith.constant 4 : i32
          %swap3A_818 = arith.constant 0 : i32
          %swap3A_819 = arith.index_cast %swap3A_817 : i32 to index
          %swap3A_820 = arith.index_cast %swap3A_818 : i32 to index
          %swap3A_821 = arith.index_cast %mul3A_736 : i32 to index
          %swap3A_822 = tpu.vector_load %arg8[%swap3A_819, %swap3A_820, %swap3A_821] {strides = array<i32>} : memref<16x1x1025xf32, #tpu.memory_space<vmem>>, vector<16xf32>,
          tpu.vector_store %arg8[%swap3A_819, %swap3A_820, %swap3A_821], %gather3A_760 {strides = array<i32>} : memref<16x1x1025xf32, #tpu.memory_space<vmem>>, vector<16xf32>,
          %add3A_823 = arith.constant 51636 : i32
          %add3A_824 = vector.broadcast %add3A_823 : i32 to vector<16xi32>
          %add3A_825 = arith.addi %get3A_740, %add3A_824 : vector<16xi32>
          %gather3A_826 = tpu.vector_load_idx %arg5[%add3A_825] : memref<63552xf32, #tpu.memory_space<vmem>>[vector<16xi32>], vector<16xf32>,
          %swap3A_827 = arith.constant 5 : i32
          %swap3A_828 = arith.constant 0 : i32
          %swap3A_829 = arith.index_cast %swap3A_827 : i32 to index
          %swap3A_830 = arith.index_cast %swap3A_828 : i32 to index
          %swap3A_831 = arith.index_cast %mul3A_736 : i32 to index
          %swap3A_832 = tpu.vector_load %arg8[%swap3A_829, %swap3A_830, %swap3A_831] {strides = array<i32>} : memref<16x1x1025xf32, #tpu.memory_space<vmem>>, vector<16xf32>,
          tpu.vector_store %arg8[%swap3A_829, %swap3A_830, %swap3A_831], %gather3A_764 {strides = array<i32>} : memref<16x1x1025xf32, #tpu.memory_space<vmem>>, vector<16xf32>,
          %add3A_833 = arith.constant 55608 : i32
          %add3A_834 = vector.broadcast %add3A_833 : i32 to vector<16xi32>
          %add3A_835 = arith.addi %get3A_740, %add3A_834 : vector<16xi32>
          %gather3A_836 = tpu.vector_load_idx %arg5[%add3A_835] : memref<63552xf32, #tpu.memory_space<vmem>>[vector<16xi32>], vector<16xf32>,
          %swap3A_837 = arith.constant 6 : i32
          %swap3A_838 = arith.constant 0 : i32
          %swap3A_839 = arith.index_cast %swap3A_837 : i32 to index
          %swap3A_840 = arith.index_cast %swap3A_838 : i32 to index
          %swap3A_841 = arith.index_cast %mul3A_736 : i32 to index
          %swap3A_842 = tpu.vector_load %arg8[%swap3A_839, %swap3A_840, %swap3A_841] {strides = array<i32>} : memref<16x1x1025xf32, #tpu.memory_space<vmem>>, vector<16xf32>,
          tpu.vector_store %arg8[%swap3A_839, %swap3A_840, %swap3A_841], %gather3A_768 {strides = array<i32>} : memref<16x1x1025xf32, #tpu.memory_space<vmem>>, vector<16xf32>,
          %add3A_843 = arith.constant 59580 : i32
          %add3A_844 = vector.broadcast %add3A_843 : i32 to vector<16xi32>
          %add3A_845 = arith.addi %get3A_740, %add3A_844 : vector<16xi32>
          %gather3A_846 = tpu.vector_load_idx %arg5[%add3A_845] : memref<63552xf32, #tpu.memory_space<vmem>>[vector<16xi32>], vector<16xf32>,
          %swap3A_847 = arith.constant 7 : i32
          %swap3A_848 = arith.constant 0 : i32
          %swap3A_849 = arith.index_cast %swap3A_847 : i32 to index
          %swap3A_850 = arith.index_cast %swap3A_848 : i32 to index
          %swap3A_851 = arith.index_cast %mul3A_736 : i32 to index
          %swap3A_852 = tpu.vector_load %arg8[%swap3A_849, %swap3A_850, %swap3A_851] {strides = array<i32>} : memref<16x1x1025xf32, #tpu.memory_space<vmem>>, vector<16xf32>,
          tpu.vector_store %arg8[%swap3A_849, %swap3A_850, %swap3A_851], %gather3A_772 {strides = array<i32>} : memref<16x1x1025xf32, #tpu.memory_space<vmem>>, vector<16xf32>,
          %swap3A_853 = arith.constant 8 : i32
          %swap3A_854 = arith.constant 0 : i32
          %swap3A_855 = arith.index_cast %swap3A_853 : i32 to index
          %swap3A_856 = arith.index_cast %swap3A_854 : i32 to index
          %swap3A_857 = arith.index_cast %mul3A_736 : i32 to index
          %swap3A_858 = tpu.vector_load %arg8[%swap3A_855, %swap3A_856, %swap3A_857] {strides = array<i32>} : memref<16x1x1025xf32, #tpu.memory_space<vmem>>, vector<16xf32>,
          tpu.vector_store %arg8[%swap3A_855, %swap3A_856, %swap3A_857], %gather3A_776 {strides = array<i32>} : memref<16x1x1025xf32, #tpu.memory_space<vmem>>, vector<16xf32>,
          %swap3A_859 = arith.constant 9 : i32
          %swap3A_860 = arith.constant 0 : i32
          %swap3A_861 = arith.index_cast %swap3A_859 : i32 to index
          %swap3A_862 = arith.index_cast %swap3A_860 : i32 to index
          %swap3A_863 = arith.index_cast %mul3A_736 : i32 to index
          %swap3A_864 = tpu.vector_load %arg8[%swap3A_861, %swap3A_862, %swap3A_863] {strides = array<i32>} : memref<16x1x1025xf32, #tpu.memory_space<vmem>>, vector<16xf32>,
          tpu.vector_store %arg8[%swap3A_861, %swap3A_862, %swap3A_863], %gather3A_786 {strides = array<i32>} : memref<16x1x1025xf32, #tpu.memory_space<vmem>>, vector<16xf32>,
          %swap3A_865 = arith.constant 10 : i32
          %swap3A_866 = arith.constant 0 : i32
          %swap3A_867 = arith.index_cast %swap3A_865 : i32 to index
          %swap3A_868 = arith.index_cast %swap3A_866 : i32 to index
          %swap3A_869 = arith.index_cast %mul3A_736 : i32 to index
          %swap3A_870 = tpu.vector_load %arg8[%swap3A_867, %swap3A_868, %swap3A_869] {strides = array<i32>} : memref<16x1x1025xf32, #tpu.memory_space<vmem>>, vector<16xf32>,
          tpu.vector_store %arg8[%swap3A_867, %swap3A_868, %swap3A_869], %gather3A_796 {strides = array<i32>} : memref<16x1x1025xf32, #tpu.memory_space<vmem>>, vector<16xf32>,
          %swap3A_871 = arith.constant 11 : i32
          %swap3A_872 = arith.constant 0 : i32
          %swap3A_873 = arith.index_cast %swap3A_871 : i32 to index
          %swap3A_874 = arith.index_cast %swap3A_872 : i32 to index
          %swap3A_875 = arith.index_cast %mul3A_736 : i32 to index
          %swap3A_876 = tpu.vector_load %arg8[%swap3A_873, %swap3A_874, %swap3A_875] {strides = array<i32>} : memref<16x1x1025xf32, #tpu.memory_space<vmem>>, vector<16xf32>,
          tpu.vector_store %arg8[%swap3A_873, %swap3A_874, %swap3A_875], %gather3A_806 {strides = array<i32>} : memref<16x1x1025xf32, #tpu.memory_space<vmem>>, vector<16xf32>,
          %swap3A_877 = arith.constant 12 : i32
          %swap3A_878 = arith.constant 0 : i32
          %swap3A_879 = arith.index_cast %swap3A_877 : i32 to index
          %swap3A_880 = arith.index_cast %swap3A_878 : i32 to index
          %swap3A_881 = arith.index_cast %mul3A_736 : i32 to index
          %swap3A_882 = tpu.vector_load %arg8[%swap3A_879, %swap3A_880, %swap3A_881] {strides = array<i32>} : memref<16x1x1025xf32, #tpu.memory_space<vmem>>, vector<16xf32>,
          tpu.vector_store %arg8[%swap3A_879, %swap3A_880, %swap3A_881], %gather3A_816 {strides = array<i32>} : memref<16x1x1025xf32, #tpu.memory_space<vmem>>, vector<16xf32>,
          %swap3A_883 = arith.constant 13 : i32
          %swap3A_884 = arith.constant 0 : i32
          %swap3A_885 = arith.index_cast %swap3A_883 : i32 to index
          %swap3A_886 = arith.index_cast %swap3A_884 : i32 to index
          %swap3A_887 = arith.index_cast %mul3A_736 : i32 to index
          %swap3A_888 = tpu.vector_load %arg8[%swap3A_885, %swap3A_886, %swap3A_887] {strides = array<i32>} : memref<16x1x1025xf32, #tpu.memory_space<vmem>>, vector<16xf32>,
          tpu.vector_store %arg8[%swap3A_885, %swap3A_886, %swap3A_887], %gather3A_826 {strides = array<i32>} : memref<16x1x1025xf32, #tpu.memory_space<vmem>>, vector<16xf32>,
          %swap3A_889 = arith.constant 14 : i32
          %swap3A_890 = arith.constant 0 : i32
          %swap3A_891 = arith.index_cast %swap3A_889 : i32 to index
          %swap3A_892 = arith.index_cast %swap3A_890 : i32 to index
          %swap3A_893 = arith.index_cast %mul3A_736 : i32 to index
          %swap3A_894 = tpu.vector_load %arg8[%swap3A_891, %swap3A_892, %swap3A_893] {strides = array<i32>} : memref<16x1x1025xf32, #tpu.memory_space<vmem>>, vector<16xf32>,
          tpu.vector_store %arg8[%swap3A_891, %swap3A_892, %swap3A_893], %gather3A_836 {strides = array<i32>} : memref<16x1x1025xf32, #tpu.memory_space<vmem>>, vector<16xf32>,
          %swap3A_895 = arith.constant 15 : i32
          %swap3A_896 = arith.constant 0 : i32
          %swap3A_897 = arith.index_cast %swap3A_895 : i32 to index
          %swap3A_898 = arith.index_cast %swap3A_896 : i32 to index
          %swap3A_899 = arith.index_cast %mul3A_736 : i32 to index
          %swap3A_900 = tpu.vector_load %arg8[%swap3A_897, %swap3A_898, %swap3A_899] {strides = array<i32>} : memref<16x1x1025xf32, #tpu.memory_space<vmem>>, vector<16xf32>,
          tpu.vector_store %arg8[%swap3A_897, %swap3A_898, %swap3A_899], %gather3A_846 {strides = array<i32>} : memref<16x1x1025xf32, #tpu.memory_space<vmem>>, vector<16xf32>,
        }
        %scan3A_62 = arith.constant 64 : i32
        %get3A = arith.constant 0 : i32
        %get3A_63 = arith.index_cast %get3A : i32 to index
        %get3A_64 = arith.constant 1009 : index
        %get3A_65 = tpu.vector_load %arg6[%get3A_63, %get3A_64] {strides = array<i32>} : memref<1x1025xi32, #tpu.memory_space<vmem>>, vector<16xi32>,
        %add3A_66 = arith.constant 0 : i32
        %add3A_67 = vector.broadcast %add3A_66 : i32 to vector<16xi32>
        %add3A_68 = arith.addi %get3A_65, %add3A_67 : vector<16xi32>
        %gather3A = tpu.vector_load_idx %arg5[%add3A_68] : memref<63552xf32, #tpu.memory_space<vmem>>[vector<16xi32>], vector<16xf32>,
        %add3A_69 = arith.constant 3972 : i32
        %add3A_70 = vector.broadcast %add3A_69 : i32 to vector<16xi32>
        %add3A_71 = arith.addi %get3A_65, %add3A_70 : vector<16xi32>
        %gather3A_72 = tpu.vector_load_idx %arg5[%add3A_71] : memref<63552xf32, #tpu.memory_space<vmem>>[vector<16xi32>], vector<16xf32>,
        %add3A_73 = arith.constant 7944 : i32
        %add3A_74 = vector.broadcast %add3A_73 : i32 to vector<16xi32>
        %add3A_75 = arith.addi %get3A_65, %add3A_74 : vector<16xi32>
        %gather3A_76 = tpu.vector_load_idx %arg5[%add3A_75] : memref<63552xf32, #tpu.memory_space<vmem>>[vector<16xi32>], vector<16xf32>,
        %add3A_77 = arith.constant 11916 : i32
        %add3A_78 = vector.broadcast %add3A_77 : i32 to vector<16xi32>
        %add3A_79 = arith.addi %get3A_65, %add3A_78 : vector<16xi32>
        %gather3A_80 = tpu.vector_load_idx %arg5[%add3A_79] : memref<63552xf32, #tpu.memory_space<vmem>>[vector<16xi32>], vector<16xf32>,
        %add3A_81 = arith.constant 15888 : i32
        %add3A_82 = vector.broadcast %add3A_81 : i32 to vector<16xi32>
        %add3A_83 = arith.addi %get3A_65, %add3A_82 : vector<16xi32>
        %gather3A_84 = tpu.vector_load_idx %arg5[%add3A_83] : memref<63552xf32, #tpu.memory_space<vmem>>[vector<16xi32>], vector<16xf32>,
        %add3A_85 = arith.constant 19860 : i32
        %add3A_86 = vector.broadcast %add3A_85 : i32 to vector<16xi32>
        %add3A_87 = arith.addi %get3A_65, %add3A_86 : vector<16xi32>
        %gather3A_88 = tpu.vector_load_idx %arg5[%add3A_87] : memref<63552xf32, #tpu.memory_space<vmem>>[vector<16xi32>], vector<16xf32>,
        %add3A_89 = arith.constant 23832 : i32
        %add3A_90 = vector.broadcast %add3A_89 : i32 to vector<16xi32>
        %add3A_91 = arith.addi %get3A_65, %add3A_90 : vector<16xi32>
        %gather3A_92 = tpu.vector_load_idx %arg5[%add3A_91] : memref<63552xf32, #tpu.memory_space<vmem>>[vector<16xi32>], vector<16xf32>,
        %add3A_93 = arith.constant 27804 : i32
        %add3A_94 = vector.broadcast %add3A_93 : i32 to vector<16xi32>
        %add3A_95 = arith.addi %get3A_65, %add3A_94 : vector<16xi32>
        %gather3A_96 = tpu.vector_load_idx %arg5[%add3A_95] : memref<63552xf32, #tpu.memory_space<vmem>>[vector<16xi32>], vector<16xf32>,
        %add3A_97 = arith.constant 31776 : i32
        %add3A_98 = vector.broadcast %add3A_97 : i32 to vector<16xi32>
        %add3A_99 = arith.addi %get3A_65, %add3A_98 : vector<16xi32>
        %gather3A_100 = tpu.vector_load_idx %arg5[%add3A_99] : memref<63552xf32, #tpu.memory_space<vmem>>[vector<16xi32>], vector<16xf32>,
        %swap3A = arith.constant 0 : i32
        %swap3A_101 = arith.constant 0 : i32
        %swap3A_102 = arith.index_cast %swap3A : i32 to index
        %swap3A_103 = arith.index_cast %swap3A_101 : i32 to index
        %swap3A_104 = arith.constant 1009 : index
        %swap3A_105 = tpu.vector_load %arg8[%swap3A_102, %swap3A_103, %swap3A_104] {strides = array<i32>} : memref<16x1x1025xf32, #tpu.memory_space<vmem>>, vector<16xf32>,
        tpu.vector_store %arg8[%swap3A_102, %swap3A_103, %swap3A_104], %gather3A {strides = array<i32>} : memref<16x1x1025xf32, #tpu.memory_space<vmem>>, vector<16xf32>,
        %add3A_106 = arith.constant 35748 : i32
        %add3A_107 = vector.broadcast %add3A_106 : i32 to vector<16xi32>
        %add3A_108 = arith.addi %get3A_65, %add3A_107 : vector<16xi32>
        %gather3A_109 = tpu.vector_load_idx %arg5[%add3A_108] : memref<63552xf32, #tpu.memory_space<vmem>>[vector<16xi32>], vector<16xf32>,
        %swap3A_110 = arith.constant 1 : i32
        %swap3A_111 = arith.constant 0 : i32
        %swap3A_112 = arith.index_cast %swap3A_110 : i32 to index
        %swap3A_113 = arith.index_cast %swap3A_111 : i32 to index
        %swap3A_114 = arith.constant 1009 : index
        %swap3A_115 = tpu.vector_load %arg8[%swap3A_112, %swap3A_113, %swap3A_114] {strides = array<i32>} : memref<16x1x1025xf32, #tpu.memory_space<vmem>>, vector<16xf32>,
        tpu.vector_store %arg8[%swap3A_112, %swap3A_113, %swap3A_114], %gather3A_72 {strides = array<i32>} : memref<16x1x1025xf32, #tpu.memory_space<vmem>>, vector<16xf32>,
        %add3A_116 = arith.constant 39720 : i32
        %add3A_117 = vector.broadcast %add3A_116 : i32 to vector<16xi32>
        %add3A_118 = arith.addi %get3A_65, %add3A_117 : vector<16xi32>
        %gather3A_119 = tpu.vector_load_idx %arg5[%add3A_118] : memref<63552xf32, #tpu.memory_space<vmem>>[vector<16xi32>], vector<16xf32>,
        %swap3A_120 = arith.constant 2 : i32
        %swap3A_121 = arith.constant 0 : i32
        %swap3A_122 = arith.index_cast %swap3A_120 : i32 to index
        %swap3A_123 = arith.index_cast %swap3A_121 : i32 to index
        %swap3A_124 = arith.constant 1009 : index
        %swap3A_125 = tpu.vector_load %arg8[%swap3A_122, %swap3A_123, %swap3A_124] {strides = array<i32>} : memref<16x1x1025xf32, #tpu.memory_space<vmem>>, vector<16xf32>,
        tpu.vector_store %arg8[%swap3A_122, %swap3A_123, %swap3A_124], %gather3A_76 {strides = array<i32>} : memref<16x1x1025xf32, #tpu.memory_space<vmem>>, vector<16xf32>,
        %add3A_126 = arith.constant 43692 : i32
        %add3A_127 = vector.broadcast %add3A_126 : i32 to vector<16xi32>
        %add3A_128 = arith.addi %get3A_65, %add3A_127 : vector<16xi32>
        %gather3A_129 = tpu.vector_load_idx %arg5[%add3A_128] : memref<63552xf32, #tpu.memory_space<vmem>>[vector<16xi32>], vector<16xf32>,
        %swap3A_130 = arith.constant 3 : i32
        %swap3A_131 = arith.constant 0 : i32
        %swap3A_132 = arith.index_cast %swap3A_130 : i32 to index
        %swap3A_133 = arith.index_cast %swap3A_131 : i32 to index
        %swap3A_134 = arith.constant 1009 : index
        %swap3A_135 = tpu.vector_load %arg8[%swap3A_132, %swap3A_133, %swap3A_134] {strides = array<i32>} : memref<16x1x1025xf32, #tpu.memory_space<vmem>>, vector<16xf32>,
        tpu.vector_store %arg8[%swap3A_132, %swap3A_133, %swap3A_134], %gather3A_80 {strides = array<i32>} : memref<16x1x1025xf32, #tpu.memory_space<vmem>>, vector<16xf32>,
        %add3A_136 = arith.constant 47664 : i32
        %add3A_137 = vector.broadcast %add3A_136 : i32 to vector<16xi32>
        %add3A_138 = arith.addi %get3A_65, %add3A_137 : vector<16xi32>
        %gather3A_139 = tpu.vector_load_idx %arg5[%add3A_138] : memref<63552xf32, #tpu.memory_space<vmem>>[vector<16xi32>], vector<16xf32>,
        %swap3A_140 = arith.constant 4 : i32
        %swap3A_141 = arith.constant 0 : i32
        %swap3A_142 = arith.index_cast %swap3A_140 : i32 to index
        %swap3A_143 = arith.index_cast %swap3A_141 : i32 to index
        %swap3A_144 = arith.constant 1009 : index
        %swap3A_145 = tpu.vector_load %arg8[%swap3A_142, %swap3A_143, %swap3A_144] {strides = array<i32>} : memref<16x1x1025xf32, #tpu.memory_space<vmem>>, vector<16xf32>,
        tpu.vector_store %arg8[%swap3A_142, %swap3A_143, %swap3A_144], %gather3A_84 {strides = array<i32>} : memref<16x1x1025xf32, #tpu.memory_space<vmem>>, vector<16xf32>,
        %add3A_146 = arith.constant 51636 : i32
        %add3A_147 = vector.broadcast %add3A_146 : i32 to vector<16xi32>
        %add3A_148 = arith.addi %get3A_65, %add3A_147 : vector<16xi32>
        %gather3A_149 = tpu.vector_load_idx %arg5[%add3A_148] : memref<63552xf32, #tpu.memory_space<vmem>>[vector<16xi32>], vector<16xf32>,
        %swap3A_150 = arith.constant 5 : i32
        %swap3A_151 = arith.constant 0 : i32
        %swap3A_152 = arith.index_cast %swap3A_150 : i32 to index
        %swap3A_153 = arith.index_cast %swap3A_151 : i32 to index
        %swap3A_154 = arith.constant 1009 : index
        %swap3A_155 = tpu.vector_load %arg8[%swap3A_152, %swap3A_153, %swap3A_154] {strides = array<i32>} : memref<16x1x1025xf32, #tpu.memory_space<vmem>>, vector<16xf32>,
        tpu.vector_store %arg8[%swap3A_152, %swap3A_153, %swap3A_154], %gather3A_88 {strides = array<i32>} : memref<16x1x1025xf32, #tpu.memory_space<vmem>>, vector<16xf32>,
        %add3A_156 = arith.constant 55608 : i32
        %add3A_157 = vector.broadcast %add3A_156 : i32 to vector<16xi32>
        %add3A_158 = arith.addi %get3A_65, %add3A_157 : vector<16xi32>
        %gather3A_159 = tpu.vector_load_idx %arg5[%add3A_158] : memref<63552xf32, #tpu.memory_space<vmem>>[vector<16xi32>], vector<16xf32>,
        %swap3A_160 = arith.constant 6 : i32
        %swap3A_161 = arith.constant 0 : i32
        %swap3A_162 = arith.index_cast %swap3A_160 : i32 to index
        %swap3A_163 = arith.index_cast %swap3A_161 : i32 to index
        %swap3A_164 = arith.constant 1009 : index
        %swap3A_165 = tpu.vector_load %arg8[%swap3A_162, %swap3A_163, %swap3A_164] {strides = array<i32>} : memref<16x1x1025xf32, #tpu.memory_space<vmem>>, vector<16xf32>,
        tpu.vector_store %arg8[%swap3A_162, %swap3A_163, %swap3A_164], %gather3A_92 {strides = array<i32>} : memref<16x1x1025xf32, #tpu.memory_space<vmem>>, vector<16xf32>,
        %add3A_166 = arith.constant 59580 : i32
        %add3A_167 = vector.broadcast %add3A_166 : i32 to vector<16xi32>
        %add3A_168 = arith.addi %get3A_65, %add3A_167 : vector<16xi32>
        %gather3A_169 = tpu.vector_load_idx %arg5[%add3A_168] : memref<63552xf32, #tpu.memory_space<vmem>>[vector<16xi32>], vector<16xf32>,
        %swap3A_170 = arith.constant 7 : i32
        %swap3A_171 = arith.constant 0 : i32
        %swap3A_172 = arith.index_cast %swap3A_170 : i32 to index
        %swap3A_173 = arith.index_cast %swap3A_171 : i32 to index
        %swap3A_174 = arith.constant 1009 : index
        %swap3A_175 = tpu.vector_load %arg8[%swap3A_172, %swap3A_173, %swap3A_174] {strides = array<i32>} : memref<16x1x1025xf32, #tpu.memory_space<vmem>>, vector<16xf32>,
        tpu.vector_store %arg8[%swap3A_172, %swap3A_173, %swap3A_174], %gather3A_96 {strides = array<i32>} : memref<16x1x1025xf32, #tpu.memory_space<vmem>>, vector<16xf32>,
        %swap3A_176 = arith.constant 8 : i32
        %swap3A_177 = arith.constant 0 : i32
        %swap3A_178 = arith.index_cast %swap3A_176 : i32 to index
        %swap3A_179 = arith.index_cast %swap3A_177 : i32 to index
        %swap3A_180 = arith.constant 1009 : index
        %swap3A_181 = tpu.vector_load %arg8[%swap3A_178, %swap3A_179, %swap3A_180] {strides = array<i32>} : memref<16x1x1025xf32, #tpu.memory_space<vmem>>, vector<16xf32>,
        tpu.vector_store %arg8[%swap3A_178, %swap3A_179, %swap3A_180], %gather3A_100 {strides = array<i32>} : memref<16x1x1025xf32, #tpu.memory_space<vmem>>, vector<16xf32>,
        %swap3A_182 = arith.constant 9 : i32
        %swap3A_183 = arith.constant 0 : i32
        %swap3A_184 = arith.index_cast %swap3A_182 : i32 to index
        %swap3A_185 = arith.index_cast %swap3A_183 : i32 to index
        %swap3A_186 = arith.constant 1009 : index
        %swap3A_187 = tpu.vector_load %arg8[%swap3A_184, %swap3A_185, %swap3A_186] {strides = array<i32>} : memref<16x1x1025xf32, #tpu.memory_space<vmem>>, vector<16xf32>,
        tpu.vector_store %arg8[%swap3A_184, %swap3A_185, %swap3A_186], %gather3A_109 {strides = array<i32>} : memref<16x1x1025xf32, #tpu.memory_space<vmem>>, vector<16xf32>,
        %swap3A_188 = arith.constant 10 : i32
        %swap3A_189 = arith.constant 0 : i32
        %swap3A_190 = arith.index_cast %swap3A_188 : i32 to index
        %swap3A_191 = arith.index_cast %swap3A_189 : i32 to index
        %swap3A_192 = arith.constant 1009 : index
        %swap3A_193 = tpu.vector_load %arg8[%swap3A_190, %swap3A_191, %swap3A_192] {strides = array<i32>} : memref<16x1x1025xf32, #tpu.memory_space<vmem>>, vector<16xf32>,
        tpu.vector_store %arg8[%swap3A_190, %swap3A_191, %swap3A_192], %gather3A_119 {strides = array<i32>} : memref<16x1x1025xf32, #tpu.memory_space<vmem>>, vector<16xf32>,
        %swap3A_194 = arith.constant 11 : i32
        %swap3A_195 = arith.constant 0 : i32
        %swap3A_196 = arith.index_cast %swap3A_194 : i32 to index
        %swap3A_197 = arith.index_cast %swap3A_195 : i32 to index
        %swap3A_198 = arith.constant 1009 : index
        %swap3A_199 = tpu.vector_load %arg8[%swap3A_196, %swap3A_197, %swap3A_198] {strides = array<i32>} : memref<16x1x1025xf32, #tpu.memory_space<vmem>>, vector<16xf32>,
        tpu.vector_store %arg8[%swap3A_196, %swap3A_197, %swap3A_198], %gather3A_129 {strides = array<i32>} : memref<16x1x1025xf32, #tpu.memory_space<vmem>>, vector<16xf32>,
        %swap3A_200 = arith.constant 12 : i32
        %swap3A_201 = arith.constant 0 : i32
        %swap3A_202 = arith.index_cast %swap3A_200 : i32 to index
        %swap3A_203 = arith.index_cast %swap3A_201 : i32 to index
        %swap3A_204 = arith.constant 1009 : index
        %swap3A_205 = tpu.vector_load %arg8[%swap3A_202, %swap3A_203, %swap3A_204] {strides = array<i32>} : memref<16x1x1025xf32, #tpu.memory_space<vmem>>, vector<16xf32>,
        tpu.vector_store %arg8[%swap3A_202, %swap3A_203, %swap3A_204], %gather3A_139 {strides = array<i32>} : memref<16x1x1025xf32, #tpu.memory_space<vmem>>, vector<16xf32>,
        %swap3A_206 = arith.constant 13 : i32
        %swap3A_207 = arith.constant 0 : i32
        %swap3A_208 = arith.index_cast %swap3A_206 : i32 to index
        %swap3A_209 = arith.index_cast %swap3A_207 : i32 to index
        %swap3A_210 = arith.constant 1009 : index
        %swap3A_211 = tpu.vector_load %arg8[%swap3A_208, %swap3A_209, %swap3A_210] {strides = array<i32>} : memref<16x1x1025xf32, #tpu.memory_space<vmem>>, vector<16xf32>,
        tpu.vector_store %arg8[%swap3A_208, %swap3A_209, %swap3A_210], %gather3A_149 {strides = array<i32>} : memref<16x1x1025xf32, #tpu.memory_space<vmem>>, vector<16xf32>,
        %swap3A_212 = arith.constant 14 : i32
        %swap3A_213 = arith.constant 0 : i32
        %swap3A_214 = arith.index_cast %swap3A_212 : i32 to index
        %swap3A_215 = arith.index_cast %swap3A_213 : i32 to index
        %swap3A_216 = arith.constant 1009 : index
        %swap3A_217 = tpu.vector_load %arg8[%swap3A_214, %swap3A_215, %swap3A_216] {strides = array<i32>} : memref<16x1x1025xf32, #tpu.memory_space<vmem>>, vector<16xf32>,
        tpu.vector_store %arg8[%swap3A_214, %swap3A_215, %swap3A_216], %gather3A_159 {strides = array<i32>} : memref<16x1x1025xf32, #tpu.memory_space<vmem>>, vector<16xf32>,
        %swap3A_218 = arith.constant 15 : i32
        %swap3A_219 = arith.constant 0 : i32
        %swap3A_220 = arith.index_cast %swap3A_218 : i32 to index
        %swap3A_221 = arith.index_cast %swap3A_219 : i32 to index
        %swap3A_222 = arith.constant 1009 : index
        %swap3A_223 = tpu.vector_load %arg8[%swap3A_220, %swap3A_221, %swap3A_222] {strides = array<i32>} : memref<16x1x1025xf32, #tpu.memory_space<vmem>>, vector<16xf32>,
        tpu.vector_store %arg8[%swap3A_220, %swap3A_221, %swap3A_222], %gather3A_169 {strides = array<i32>} : memref<16x1x1025xf32, #tpu.memory_space<vmem>>, vector<16xf32>,
        %dma_start3A_224 = arith.constant 0 : i32
        %dma_start3A_225 = arith.constant 0 : i32
        %dma_start3A_226 = tpu.memref_slice %arg4[%dma_start3A_224, %add3A_27, %dma_start3A_225] : memref<16x1025x1025xf32, #tpu.memory_space<hbm>> -> memref<16x1x1025xf32, #tpu.memory_space<hbm>>
        %dma_start3A_227 = arith.constant 0 : i32
        %dma_start3A_228 = arith.constant 0 : i32
        %dma_start3A_229 = tpu.memref_slice %arg4[%dma_start3A_227, %add3A_27, %dma_start3A_228] : memref<16x1025x1025xf32, #tpu.memory_space<hbm>> -> memref<16x1x1025xf32, #tpu.memory_space<hbm>>
        tpu.enqueue_dma source(%arg8 : memref<16x1x1025xf32, #tpu.memory_space<vmem>>) target(%dma_start3A_229 : memref<16x1x1025xf32, #tpu.memory_space<hbm>>) target_semaphore(%arg11 : memref<!tpu.dma_semaphore, #tpu.memory_space<semaphore_mem>>)
      } else {
      }
      %mul3A_30 = arith.constant 2 : i32
      %mul3A_31 = arith.muli %mul3A_30, %scan3A_20 : i32
      %add3A_32 = arith.constant 1 : i32
      %add3A_33 = arith.addi %mul3A_31, %add3A_32 : i32
      %mul3A_34 = arith.constant 32 : i32
      %mul3A_35 = arith.muli %mul3A_34, %add3A_33 : i32
      %add3A_36 = arith.addi %add3A, %mul3A_35 : i32
      %lt3A_37 = arith.constant 1025 : i32
      %lt3A_38 = arith.cmpi slt, %add3A_36, %lt3A_37 : i32
      %convert_element_type3A_39 = arith.extui %lt3A_38 : i1 to i32
      %cond3A_40 = arith.constant 0 : i32
      %cond3A_41 = arith.cmpi ne, %convert_element_type3A_39, %cond3A_40 : i32
      scf.if %cond3A_41 {
        %dma_wait3A_42 = arith.constant 0 : i32
        %dma_wait3A_43 = tpu.memref_slice %arg3[%add3A_36, %dma_wait3A_42] : memref<1025x1025xi32, #tpu.memory_space<hbm>> -> memref<1x1025xi32, #tpu.memory_space<hbm>>
        %dma_wait3A_44 = arith.constant 0 : i32
        %dma_wait3A_45 = tpu.memref_slice %arg3[%add3A_36, %dma_wait3A_44] : memref<1025x1025xi32, #tpu.memory_space<hbm>> -> memref<1x1025xi32, #tpu.memory_space<hbm>>
        tpu.wait_dma2 semaphore(%arg10 : memref<!tpu.dma_semaphore, #tpu.memory_space<semaphore_mem>>) src(%dma_wait3A_45 : memref<1x1025xi32, #tpu.memory_space<hbm>>) dst(%arg7 : memref<1x1025xi32, #tpu.memory_space<vmem>>)
        %add3A_46 = arith.constant 32 : i32
        %add3A_47 = arith.addi %add3A_36, %add3A_46 : i32
        %lt3A_48 = arith.constant 1025 : i32
        %lt3A_49 = arith.cmpi slt, %add3A_47, %lt3A_48 : i32
        %convert_element_type3A_50 = arith.extui %lt3A_49 : i1 to i32
        %cond3A_51 = arith.constant 0 : i32
        %cond3A_52 = arith.cmpi ne, %convert_element_type3A_50, %cond3A_51 : i32
        scf.if %cond3A_52 {
          %add3A_230 = arith.constant 32 : i32
          %add3A_231 = arith.addi %add3A_36, %add3A_230 : i32
          %dma_start3A_232 = arith.constant 0 : i32
          %dma_start3A_233 = tpu.memref_slice %arg3[%add3A_231, %dma_start3A_232] : memref<1025x1025xi32, #tpu.memory_space<hbm>> -> memref<1x1025xi32, #tpu.memory_space<hbm>>
          %dma_start3A_234 = arith.constant 0 : i32
          %dma_start3A_235 = tpu.memref_slice %arg3[%add3A_231, %dma_start3A_234] : memref<1025x1025xi32, #tpu.memory_space<hbm>> -> memref<1x1025xi32, #tpu.memory_space<hbm>>
          tpu.enqueue_dma source(%dma_start3A_235 : memref<1x1025xi32, #tpu.memory_space<hbm>>) target(%arg6 : memref<1x1025xi32, #tpu.memory_space<vmem>>) target_semaphore(%arg10 : memref<!tpu.dma_semaphore, #tpu.memory_space<semaphore_mem>>)
        } else {
        }
        %ge3A = arith.constant 1 : i32
        %ge3A_53 = arith.cmpi sge, %scan3A_20, %ge3A : i32
        %convert_element_type3A_54 = arith.extui %ge3A_53 : i1 to i32
        %cond3A_55 = arith.constant 0 : i32
        %cond3A_56 = arith.cmpi ne, %convert_element_type3A_54, %cond3A_55 : i32
        scf.if %cond3A_56 {
          %dma_wait3A_230 = arith.constant 0 : i32
          %dma_wait3A_231 = arith.constant 0 : i32
          %dma_wait3A_232 = tpu.memref_slice %arg4[%dma_wait3A_230, %add3A_36, %dma_wait3A_231] : memref<16x1025x1025xf32, #tpu.memory_space<hbm>> -> memref<16x1x1025xf32, #tpu.memory_space<hbm>>
          %dma_wait3A_233 = arith.constant 0 : i32
          %dma_wait3A_234 = arith.constant 0 : i32
          %dma_wait3A_235 = tpu.memref_slice %arg4[%dma_wait3A_233, %add3A_36, %dma_wait3A_234] : memref<16x1025x1025xf32, #tpu.memory_space<hbm>> -> memref<16x1x1025xf32, #tpu.memory_space<hbm>>
          tpu.wait_dma2 semaphore(%arg11 : memref<!tpu.dma_semaphore, #tpu.memory_space<semaphore_mem>>) src(%arg9 : memref<16x1x1025xf32, #tpu.memory_space<vmem>>) dst(%dma_wait3A_235 : memref<16x1x1025xf32, #tpu.memory_space<hbm>>)
        } else {
        }
        %scan3A_57 = arith.constant 0 : i32
        %scan3A_58 = arith.constant 0 : i32
        %scan3A_59 = arith.constant 64 : i32
        %scan3A_60 = arith.addi %scan3A_58, %scan3A_59 : i32
        %scan3A_61 = arith.constant 4 : i32
        scf.for %scan3A_230 = %scan3A_58 to %scan3A_60 step %scan3A_61  : i32 {
          %mul3A_231 = arith.constant 16 : i32
          %mul3A_232 = arith.muli %scan3A_230, %mul3A_231 : i32
          %get3A_233 = arith.constant 0 : i32
          %get3A_234 = arith.index_cast %get3A_233 : i32 to index
          %get3A_235 = arith.index_cast %mul3A_232 : i32 to index
          %get3A_236 = tpu.vector_load %arg7[%get3A_234, %get3A_235] {strides = array<i32>} : memref<1x1025xi32, #tpu.memory_space<vmem>>, vector<16xi32>,
          %add3A_237 = arith.constant 0 : i32
          %add3A_238 = vector.broadcast %add3A_237 : i32 to vector<16xi32>
          %add3A_239 = arith.addi %get3A_236, %add3A_238 : vector<16xi32>
          %gather3A_240 = tpu.vector_load_idx %arg5[%add3A_239] : memref<63552xf32, #tpu.memory_space<vmem>>[vector<16xi32>], vector<16xf32>,
          %add3A_241 = arith.constant 3972 : i32
          %add3A_242 = vector.broadcast %add3A_241 : i32 to vector<16xi32>
          %add3A_243 = arith.addi %get3A_236, %add3A_242 : vector<16xi32>
          %gather3A_244 = tpu.vector_load_idx %arg5[%add3A_243] : memref<63552xf32, #tpu.memory_space<vmem>>[vector<16xi32>], vector<16xf32>,
          %add3A_245 = arith.constant 7944 : i32
          %add3A_246 = vector.broadcast %add3A_245 : i32 to vector<16xi32>
          %add3A_247 = arith.addi %get3A_236, %add3A_246 : vector<16xi32>
          %gather3A_248 = tpu.vector_load_idx %arg5[%add3A_247] : memref<63552xf32, #tpu.memory_space<vmem>>[vector<16xi32>], vector<16xf32>,
          %add3A_249 = arith.constant 11916 : i32
          %add3A_250 = vector.broadcast %add3A_249 : i32 to vector<16xi32>
          %add3A_251 = arith.addi %get3A_236, %add3A_250 : vector<16xi32>
          %gather3A_252 = tpu.vector_load_idx %arg5[%add3A_251] : memref<63552xf32, #tpu.memory_space<vmem>>[vector<16xi32>], vector<16xf32>,
          %add3A_253 = arith.constant 15888 : i32
          %add3A_254 = vector.broadcast %add3A_253 : i32 to vector<16xi32>
          %add3A_255 = arith.addi %get3A_236, %add3A_254 : vector<16xi32>
          %gather3A_256 = tpu.vector_load_idx %arg5[%add3A_255] : memref<63552xf32, #tpu.memory_space<vmem>>[vector<16xi32>], vector<16xf32>,
          %add3A_257 = arith.constant 19860 : i32
          %add3A_258 = vector.broadcast %add3A_257 : i32 to vector<16xi32>
          %add3A_259 = arith.addi %get3A_236, %add3A_258 : vector<16xi32>
          %gather3A_260 = tpu.vector_load_idx %arg5[%add3A_259] : memref<63552xf32, #tpu.memory_space<vmem>>[vector<16xi32>], vector<16xf32>,
          %add3A_261 = arith.constant 23832 : i32
          %add3A_262 = vector.broadcast %add3A_261 : i32 to vector<16xi32>
          %add3A_263 = arith.addi %get3A_236, %add3A_262 : vector<16xi32>
          %gather3A_264 = tpu.vector_load_idx %arg5[%add3A_263] : memref<63552xf32, #tpu.memory_space<vmem>>[vector<16xi32>], vector<16xf32>,
          %add3A_265 = arith.constant 27804 : i32
          %add3A_266 = vector.broadcast %add3A_265 : i32 to vector<16xi32>
          %add3A_267 = arith.addi %get3A_236, %add3A_266 : vector<16xi32>
          %gather3A_268 = tpu.vector_load_idx %arg5[%add3A_267] : memref<63552xf32, #tpu.memory_space<vmem>>[vector<16xi32>], vector<16xf32>,
          %add3A_269 = arith.constant 31776 : i32
          %add3A_270 = vector.broadcast %add3A_269 : i32 to vector<16xi32>
          %add3A_271 = arith.addi %get3A_236, %add3A_270 : vector<16xi32>
          %gather3A_272 = tpu.vector_load_idx %arg5[%add3A_271] : memref<63552xf32, #tpu.memory_space<vmem>>[vector<16xi32>], vector<16xf32>,
          %swap3A_273 = arith.constant 0 : i32
          %swap3A_274 = arith.constant 0 : i32
          %swap3A_275 = arith.index_cast %swap3A_273 : i32 to index
          %swap3A_276 = arith.index_cast %swap3A_274 : i32 to index
          %swap3A_277 = arith.index_cast %mul3A_232 : i32 to index
          %swap3A_278 = tpu.vector_load %arg9[%swap3A_275, %swap3A_276, %swap3A_277] {strides = array<i32>} : memref<16x1x1025xf32, #tpu.memory_space<vmem>>, vector<16xf32>,
          tpu.vector_store %arg9[%swap3A_275, %swap3A_276, %swap3A_277], %gather3A_240 {strides = array<i32>} : memref<16x1x1025xf32, #tpu.memory_space<vmem>>, vector<16xf32>,
          %add3A_279 = arith.constant 35748 : i32
          %add3A_280 = vector.broadcast %add3A_279 : i32 to vector<16xi32>
          %add3A_281 = arith.addi %get3A_236, %add3A_280 : vector<16xi32>
          %gather3A_282 = tpu.vector_load_idx %arg5[%add3A_281] : memref<63552xf32, #tpu.memory_space<vmem>>[vector<16xi32>], vector<16xf32>,
          %swap3A_283 = arith.constant 1 : i32
          %swap3A_284 = arith.constant 0 : i32
          %swap3A_285 = arith.index_cast %swap3A_283 : i32 to index
          %swap3A_286 = arith.index_cast %swap3A_284 : i32 to index
          %swap3A_287 = arith.index_cast %mul3A_232 : i32 to index
          %swap3A_288 = tpu.vector_load %arg9[%swap3A_285, %swap3A_286, %swap3A_287] {strides = array<i32>} : memref<16x1x1025xf32, #tpu.memory_space<vmem>>, vector<16xf32>,
          tpu.vector_store %arg9[%swap3A_285, %swap3A_286, %swap3A_287], %gather3A_244 {strides = array<i32>} : memref<16x1x1025xf32, #tpu.memory_space<vmem>>, vector<16xf32>,
          %add3A_289 = arith.constant 39720 : i32
          %add3A_290 = vector.broadcast %add3A_289 : i32 to vector<16xi32>
          %add3A_291 = arith.addi %get3A_236, %add3A_290 : vector<16xi32>
          %gather3A_292 = tpu.vector_load_idx %arg5[%add3A_291] : memref<63552xf32, #tpu.memory_space<vmem>>[vector<16xi32>], vector<16xf32>,
          %swap3A_293 = arith.constant 2 : i32
          %swap3A_294 = arith.constant 0 : i32
          %swap3A_295 = arith.index_cast %swap3A_293 : i32 to index
          %swap3A_296 = arith.index_cast %swap3A_294 : i32 to index
          %swap3A_297 = arith.index_cast %mul3A_232 : i32 to index
          %swap3A_298 = tpu.vector_load %arg9[%swap3A_295, %swap3A_296, %swap3A_297] {strides = array<i32>} : memref<16x1x1025xf32, #tpu.memory_space<vmem>>, vector<16xf32>,
          tpu.vector_store %arg9[%swap3A_295, %swap3A_296, %swap3A_297], %gather3A_248 {strides = array<i32>} : memref<16x1x1025xf32, #tpu.memory_space<vmem>>, vector<16xf32>,
          %add3A_299 = arith.constant 43692 : i32
          %add3A_300 = vector.broadcast %add3A_299 : i32 to vector<16xi32>
          %add3A_301 = arith.addi %get3A_236, %add3A_300 : vector<16xi32>
          %gather3A_302 = tpu.vector_load_idx %arg5[%add3A_301] : memref<63552xf32, #tpu.memory_space<vmem>>[vector<16xi32>], vector<16xf32>,
          %swap3A_303 = arith.constant 3 : i32
          %swap3A_304 = arith.constant 0 : i32
          %swap3A_305 = arith.index_cast %swap3A_303 : i32 to index
          %swap3A_306 = arith.index_cast %swap3A_304 : i32 to index
          %swap3A_307 = arith.index_cast %mul3A_232 : i32 to index
          %swap3A_308 = tpu.vector_load %arg9[%swap3A_305, %swap3A_306, %swap3A_307] {strides = array<i32>} : memref<16x1x1025xf32, #tpu.memory_space<vmem>>, vector<16xf32>,
          tpu.vector_store %arg9[%swap3A_305, %swap3A_306, %swap3A_307], %gather3A_252 {strides = array<i32>} : memref<16x1x1025xf32, #tpu.memory_space<vmem>>, vector<16xf32>,
          %add3A_309 = arith.constant 47664 : i32
          %add3A_310 = vector.broadcast %add3A_309 : i32 to vector<16xi32>
          %add3A_311 = arith.addi %get3A_236, %add3A_310 : vector<16xi32>
          %gather3A_312 = tpu.vector_load_idx %arg5[%add3A_311] : memref<63552xf32, #tpu.memory_space<vmem>>[vector<16xi32>], vector<16xf32>,
          %swap3A_313 = arith.constant 4 : i32
          %swap3A_314 = arith.constant 0 : i32
          %swap3A_315 = arith.index_cast %swap3A_313 : i32 to index
          %swap3A_316 = arith.index_cast %swap3A_314 : i32 to index
          %swap3A_317 = arith.index_cast %mul3A_232 : i32 to index
          %swap3A_318 = tpu.vector_load %arg9[%swap3A_315, %swap3A_316, %swap3A_317] {strides = array<i32>} : memref<16x1x1025xf32, #tpu.memory_space<vmem>>, vector<16xf32>,
          tpu.vector_store %arg9[%swap3A_315, %swap3A_316, %swap3A_317], %gather3A_256 {strides = array<i32>} : memref<16x1x1025xf32, #tpu.memory_space<vmem>>, vector<16xf32>,
          %add3A_319 = arith.constant 51636 : i32
          %add3A_320 = vector.broadcast %add3A_319 : i32 to vector<16xi32>
          %add3A_321 = arith.addi %get3A_236, %add3A_320 : vector<16xi32>
          %gather3A_322 = tpu.vector_load_idx %arg5[%add3A_321] : memref<63552xf32, #tpu.memory_space<vmem>>[vector<16xi32>], vector<16xf32>,
          %swap3A_323 = arith.constant 5 : i32
          %swap3A_324 = arith.constant 0 : i32
          %swap3A_325 = arith.index_cast %swap3A_323 : i32 to index
          %swap3A_326 = arith.index_cast %swap3A_324 : i32 to index
          %swap3A_327 = arith.index_cast %mul3A_232 : i32 to index
          %swap3A_328 = tpu.vector_load %arg9[%swap3A_325, %swap3A_326, %swap3A_327] {strides = array<i32>} : memref<16x1x1025xf32, #tpu.memory_space<vmem>>, vector<16xf32>,
          tpu.vector_store %arg9[%swap3A_325, %swap3A_326, %swap3A_327], %gather3A_260 {strides = array<i32>} : memref<16x1x1025xf32, #tpu.memory_space<vmem>>, vector<16xf32>,
          %add3A_329 = arith.constant 55608 : i32
          %add3A_330 = vector.broadcast %add3A_329 : i32 to vector<16xi32>
          %add3A_331 = arith.addi %get3A_236, %add3A_330 : vector<16xi32>
          %gather3A_332 = tpu.vector_load_idx %arg5[%add3A_331] : memref<63552xf32, #tpu.memory_space<vmem>>[vector<16xi32>], vector<16xf32>,
          %swap3A_333 = arith.constant 6 : i32
          %swap3A_334 = arith.constant 0 : i32
          %swap3A_335 = arith.index_cast %swap3A_333 : i32 to index
          %swap3A_336 = arith.index_cast %swap3A_334 : i32 to index
          %swap3A_337 = arith.index_cast %mul3A_232 : i32 to index
          %swap3A_338 = tpu.vector_load %arg9[%swap3A_335, %swap3A_336, %swap3A_337] {strides = array<i32>} : memref<16x1x1025xf32, #tpu.memory_space<vmem>>, vector<16xf32>,
          tpu.vector_store %arg9[%swap3A_335, %swap3A_336, %swap3A_337], %gather3A_264 {strides = array<i32>} : memref<16x1x1025xf32, #tpu.memory_space<vmem>>, vector<16xf32>,
          %add3A_339 = arith.constant 59580 : i32
          %add3A_340 = vector.broadcast %add3A_339 : i32 to vector<16xi32>
          %add3A_341 = arith.addi %get3A_236, %add3A_340 : vector<16xi32>
          %gather3A_342 = tpu.vector_load_idx %arg5[%add3A_341] : memref<63552xf32, #tpu.memory_space<vmem>>[vector<16xi32>], vector<16xf32>,
          %swap3A_343 = arith.constant 7 : i32
          %swap3A_344 = arith.constant 0 : i32
          %swap3A_345 = arith.index_cast %swap3A_343 : i32 to index
          %swap3A_346 = arith.index_cast %swap3A_344 : i32 to index
          %swap3A_347 = arith.index_cast %mul3A_232 : i32 to index
          %swap3A_348 = tpu.vector_load %arg9[%swap3A_345, %swap3A_346, %swap3A_347] {strides = array<i32>} : memref<16x1x1025xf32, #tpu.memory_space<vmem>>, vector<16xf32>,
          tpu.vector_store %arg9[%swap3A_345, %swap3A_346, %swap3A_347], %gather3A_268 {strides = array<i32>} : memref<16x1x1025xf32, #tpu.memory_space<vmem>>, vector<16xf32>,
          %swap3A_349 = arith.constant 8 : i32
          %swap3A_350 = arith.constant 0 : i32
          %swap3A_351 = arith.index_cast %swap3A_349 : i32 to index
          %swap3A_352 = arith.index_cast %swap3A_350 : i32 to index
          %swap3A_353 = arith.index_cast %mul3A_232 : i32 to index
          %swap3A_354 = tpu.vector_load %arg9[%swap3A_351, %swap3A_352, %swap3A_353] {strides = array<i32>} : memref<16x1x1025xf32, #tpu.memory_space<vmem>>, vector<16xf32>,
          tpu.vector_store %arg9[%swap3A_351, %swap3A_352, %swap3A_353], %gather3A_272 {strides = array<i32>} : memref<16x1x1025xf32, #tpu.memory_space<vmem>>, vector<16xf32>,
          %swap3A_355 = arith.constant 9 : i32
          %swap3A_356 = arith.constant 0 : i32
          %swap3A_357 = arith.index_cast %swap3A_355 : i32 to index
          %swap3A_358 = arith.index_cast %swap3A_356 : i32 to index
          %swap3A_359 = arith.index_cast %mul3A_232 : i32 to index
          %swap3A_360 = tpu.vector_load %arg9[%swap3A_357, %swap3A_358, %swap3A_359] {strides = array<i32>} : memref<16x1x1025xf32, #tpu.memory_space<vmem>>, vector<16xf32>,
          tpu.vector_store %arg9[%swap3A_357, %swap3A_358, %swap3A_359], %gather3A_282 {strides = array<i32>} : memref<16x1x1025xf32, #tpu.memory_space<vmem>>, vector<16xf32>,
          %swap3A_361 = arith.constant 10 : i32
          %swap3A_362 = arith.constant 0 : i32
          %swap3A_363 = arith.index_cast %swap3A_361 : i32 to index
          %swap3A_364 = arith.index_cast %swap3A_362 : i32 to index
          %swap3A_365 = arith.index_cast %mul3A_232 : i32 to index
          %swap3A_366 = tpu.vector_load %arg9[%swap3A_363, %swap3A_364, %swap3A_365] {strides = array<i32>} : memref<16x1x1025xf32, #tpu.memory_space<vmem>>, vector<16xf32>,
          tpu.vector_store %arg9[%swap3A_363, %swap3A_364, %swap3A_365], %gather3A_292 {strides = array<i32>} : memref<16x1x1025xf32, #tpu.memory_space<vmem>>, vector<16xf32>,
          %swap3A_367 = arith.constant 11 : i32
          %swap3A_368 = arith.constant 0 : i32
          %swap3A_369 = arith.index_cast %swap3A_367 : i32 to index
          %swap3A_370 = arith.index_cast %swap3A_368 : i32 to index
          %swap3A_371 = arith.index_cast %mul3A_232 : i32 to index
          %swap3A_372 = tpu.vector_load %arg9[%swap3A_369, %swap3A_370, %swap3A_371] {strides = array<i32>} : memref<16x1x1025xf32, #tpu.memory_space<vmem>>, vector<16xf32>,
          tpu.vector_store %arg9[%swap3A_369, %swap3A_370, %swap3A_371], %gather3A_302 {strides = array<i32>} : memref<16x1x1025xf32, #tpu.memory_space<vmem>>, vector<16xf32>,
          %swap3A_373 = arith.constant 12 : i32
          %swap3A_374 = arith.constant 0 : i32
          %swap3A_375 = arith.index_cast %swap3A_373 : i32 to index
          %swap3A_376 = arith.index_cast %swap3A_374 : i32 to index
          %swap3A_377 = arith.index_cast %mul3A_232 : i32 to index
          %swap3A_378 = tpu.vector_load %arg9[%swap3A_375, %swap3A_376, %swap3A_377] {strides = array<i32>} : memref<16x1x1025xf32, #tpu.memory_space<vmem>>, vector<16xf32>,
          tpu.vector_store %arg9[%swap3A_375, %swap3A_376, %swap3A_377], %gather3A_312 {strides = array<i32>} : memref<16x1x1025xf32, #tpu.memory_space<vmem>>, vector<16xf32>,
          %swap3A_379 = arith.constant 13 : i32
          %swap3A_380 = arith.constant 0 : i32
          %swap3A_381 = arith.index_cast %swap3A_379 : i32 to index
          %swap3A_382 = arith.index_cast %swap3A_380 : i32 to index
          %swap3A_383 = arith.index_cast %mul3A_232 : i32 to index
          %swap3A_384 = tpu.vector_load %arg9[%swap3A_381, %swap3A_382, %swap3A_383] {strides = array<i32>} : memref<16x1x1025xf32, #tpu.memory_space<vmem>>, vector<16xf32>,
          tpu.vector_store %arg9[%swap3A_381, %swap3A_382, %swap3A_383], %gather3A_322 {strides = array<i32>} : memref<16x1x1025xf32, #tpu.memory_space<vmem>>, vector<16xf32>,
          %swap3A_385 = arith.constant 14 : i32
          %swap3A_386 = arith.constant 0 : i32
          %swap3A_387 = arith.index_cast %swap3A_385 : i32 to index
          %swap3A_388 = arith.index_cast %swap3A_386 : i32 to index
          %swap3A_389 = arith.index_cast %mul3A_232 : i32 to index
          %swap3A_390 = tpu.vector_load %arg9[%swap3A_387, %swap3A_388, %swap3A_389] {strides = array<i32>} : memref<16x1x1025xf32, #tpu.memory_space<vmem>>, vector<16xf32>,
          tpu.vector_store %arg9[%swap3A_387, %swap3A_388, %swap3A_389], %gather3A_332 {strides = array<i32>} : memref<16x1x1025xf32, #tpu.memory_space<vmem>>, vector<16xf32>,
          %swap3A_391 = arith.constant 15 : i32
          %swap3A_392 = arith.constant 0 : i32
          %swap3A_393 = arith.index_cast %swap3A_391 : i32 to index
          %swap3A_394 = arith.index_cast %swap3A_392 : i32 to index
          %swap3A_395 = arith.index_cast %mul3A_232 : i32 to index
          %swap3A_396 = tpu.vector_load %arg9[%swap3A_393, %swap3A_394, %swap3A_395] {strides = array<i32>} : memref<16x1x1025xf32, #tpu.memory_space<vmem>>, vector<16xf32>,
          tpu.vector_store %arg9[%swap3A_393, %swap3A_394, %swap3A_395], %gather3A_342 {strides = array<i32>} : memref<16x1x1025xf32, #tpu.memory_space<vmem>>, vector<16xf32>,
          %scan3A_397 = arith.constant 1 : i32
          %scan3A_398 = arith.addi %scan3A_230, %scan3A_397 : i32
          %mul3A_399 = arith.constant 16 : i32
          %mul3A_400 = arith.muli %scan3A_398, %mul3A_399 : i32
          %get3A_401 = arith.constant 0 : i32
          %get3A_402 = arith.index_cast %get3A_401 : i32 to index
          %get3A_403 = arith.index_cast %mul3A_400 : i32 to index
          %get3A_404 = tpu.vector_load %arg7[%get3A_402, %get3A_403] {strides = array<i32>} : memref<1x1025xi32, #tpu.memory_space<vmem>>, vector<16xi32>,
          %add3A_405 = arith.constant 0 : i32
          %add3A_406 = vector.broadcast %add3A_405 : i32 to vector<16xi32>
          %add3A_407 = arith.addi %get3A_404, %add3A_406 : vector<16xi32>
          %gather3A_408 = tpu.vector_load_idx %arg5[%add3A_407] : memref<63552xf32, #tpu.memory_space<vmem>>[vector<16xi32>], vector<16xf32>,
          %add3A_409 = arith.constant 3972 : i32
          %add3A_410 = vector.broadcast %add3A_409 : i32 to vector<16xi32>
          %add3A_411 = arith.addi %get3A_404, %add3A_410 : vector<16xi32>
          %gather3A_412 = tpu.vector_load_idx %arg5[%add3A_411] : memref<63552xf32, #tpu.memory_space<vmem>>[vector<16xi32>], vector<16xf32>,
          %add3A_413 = arith.constant 7944 : i32
          %add3A_414 = vector.broadcast %add3A_413 : i32 to vector<16xi32>
          %add3A_415 = arith.addi %get3A_404, %add3A_414 : vector<16xi32>
          %gather3A_416 = tpu.vector_load_idx %arg5[%add3A_415] : memref<63552xf32, #tpu.memory_space<vmem>>[vector<16xi32>], vector<16xf32>,
          %add3A_417 = arith.constant 11916 : i32
          %add3A_418 = vector.broadcast %add3A_417 : i32 to vector<16xi32>
          %add3A_419 = arith.addi %get3A_404, %add3A_418 : vector<16xi32>
          %gather3A_420 = tpu.vector_load_idx %arg5[%add3A_419] : memref<63552xf32, #tpu.memory_space<vmem>>[vector<16xi32>], vector<16xf32>,
          %add3A_421 = arith.constant 15888 : i32
          %add3A_422 = vector.broadcast %add3A_421 : i32 to vector<16xi32>
          %add3A_423 = arith.addi %get3A_404, %add3A_422 : vector<16xi32>
          %gather3A_424 = tpu.vector_load_idx %arg5[%add3A_423] : memref<63552xf32, #tpu.memory_space<vmem>>[vector<16xi32>], vector<16xf32>,
          %add3A_425 = arith.constant 19860 : i32
          %add3A_426 = vector.broadcast %add3A_425 : i32 to vector<16xi32>
          %add3A_427 = arith.addi %get3A_404, %add3A_426 : vector<16xi32>
          %gather3A_428 = tpu.vector_load_idx %arg5[%add3A_427] : memref<63552xf32, #tpu.memory_space<vmem>>[vector<16xi32>], vector<16xf32>,
          %add3A_429 = arith.constant 23832 : i32
          %add3A_430 = vector.broadcast %add3A_429 : i32 to vector<16xi32>
          %add3A_431 = arith.addi %get3A_404, %add3A_430 : vector<16xi32>
          %gather3A_432 = tpu.vector_load_idx %arg5[%add3A_431] : memref<63552xf32, #tpu.memory_space<vmem>>[vector<16xi32>], vector<16xf32>,
          %add3A_433 = arith.constant 27804 : i32
          %add3A_434 = vector.broadcast %add3A_433 : i32 to vector<16xi32>
          %add3A_435 = arith.addi %get3A_404, %add3A_434 : vector<16xi32>
          %gather3A_436 = tpu.vector_load_idx %arg5[%add3A_435] : memref<63552xf32, #tpu.memory_space<vmem>>[vector<16xi32>], vector<16xf32>,
          %add3A_437 = arith.constant 31776 : i32
          %add3A_438 = vector.broadcast %add3A_437 : i32 to vector<16xi32>
          %add3A_439 = arith.addi %get3A_404, %add3A_438 : vector<16xi32>
          %gather3A_440 = tpu.vector_load_idx %arg5[%add3A_439] : memref<63552xf32, #tpu.memory_space<vmem>>[vector<16xi32>], vector<16xf32>,
          %swap3A_441 = arith.constant 0 : i32
          %swap3A_442 = arith.constant 0 : i32
          %swap3A_443 = arith.index_cast %swap3A_441 : i32 to index
          %swap3A_444 = arith.index_cast %swap3A_442 : i32 to index
          %swap3A_445 = arith.index_cast %mul3A_400 : i32 to index
          %swap3A_446 = tpu.vector_load %arg9[%swap3A_443, %swap3A_444, %swap3A_445] {strides = array<i32>} : memref<16x1x1025xf32, #tpu.memory_space<vmem>>, vector<16xf32>,
          tpu.vector_store %arg9[%swap3A_443, %swap3A_444, %swap3A_445], %gather3A_408 {strides = array<i32>} : memref<16x1x1025xf32, #tpu.memory_space<vmem>>, vector<16xf32>,
          %add3A_447 = arith.constant 35748 : i32
          %add3A_448 = vector.broadcast %add3A_447 : i32 to vector<16xi32>
          %add3A_449 = arith.addi %get3A_404, %add3A_448 : vector<16xi32>
          %gather3A_450 = tpu.vector_load_idx %arg5[%add3A_449] : memref<63552xf32, #tpu.memory_space<vmem>>[vector<16xi32>], vector<16xf32>,
          %swap3A_451 = arith.constant 1 : i32
          %swap3A_452 = arith.constant 0 : i32
          %swap3A_453 = arith.index_cast %swap3A_451 : i32 to index
          %swap3A_454 = arith.index_cast %swap3A_452 : i32 to index
          %swap3A_455 = arith.index_cast %mul3A_400 : i32 to index
          %swap3A_456 = tpu.vector_load %arg9[%swap3A_453, %swap3A_454, %swap3A_455] {strides = array<i32>} : memref<16x1x1025xf32, #tpu.memory_space<vmem>>, vector<16xf32>,
          tpu.vector_store %arg9[%swap3A_453, %swap3A_454, %swap3A_455], %gather3A_412 {strides = array<i32>} : memref<16x1x1025xf32, #tpu.memory_space<vmem>>, vector<16xf32>,
          %add3A_457 = arith.constant 39720 : i32
          %add3A_458 = vector.broadcast %add3A_457 : i32 to vector<16xi32>
          %add3A_459 = arith.addi %get3A_404, %add3A_458 : vector<16xi32>
          %gather3A_460 = tpu.vector_load_idx %arg5[%add3A_459] : memref<63552xf32, #tpu.memory_space<vmem>>[vector<16xi32>], vector<16xf32>,
          %swap3A_461 = arith.constant 2 : i32
          %swap3A_462 = arith.constant 0 : i32
          %swap3A_463 = arith.index_cast %swap3A_461 : i32 to index
          %swap3A_464 = arith.index_cast %swap3A_462 : i32 to index
          %swap3A_465 = arith.index_cast %mul3A_400 : i32 to index
          %swap3A_466 = tpu.vector_load %arg9[%swap3A_463, %swap3A_464, %swap3A_465] {strides = array<i32>} : memref<16x1x1025xf32, #tpu.memory_space<vmem>>, vector<16xf32>,
          tpu.vector_store %arg9[%swap3A_463, %swap3A_464, %swap3A_465], %gather3A_416 {strides = array<i32>} : memref<16x1x1025xf32, #tpu.memory_space<vmem>>, vector<16xf32>,
          %add3A_467 = arith.constant 43692 : i32
          %add3A_468 = vector.broadcast %add3A_467 : i32 to vector<16xi32>
          %add3A_469 = arith.addi %get3A_404, %add3A_468 : vector<16xi32>
          %gather3A_470 = tpu.vector_load_idx %arg5[%add3A_469] : memref<63552xf32, #tpu.memory_space<vmem>>[vector<16xi32>], vector<16xf32>,
          %swap3A_471 = arith.constant 3 : i32
          %swap3A_472 = arith.constant 0 : i32
          %swap3A_473 = arith.index_cast %swap3A_471 : i32 to index
          %swap3A_474 = arith.index_cast %swap3A_472 : i32 to index
          %swap3A_475 = arith.index_cast %mul3A_400 : i32 to index
          %swap3A_476 = tpu.vector_load %arg9[%swap3A_473, %swap3A_474, %swap3A_475] {strides = array<i32>} : memref<16x1x1025xf32, #tpu.memory_space<vmem>>, vector<16xf32>,
          tpu.vector_store %arg9[%swap3A_473, %swap3A_474, %swap3A_475], %gather3A_420 {strides = array<i32>} : memref<16x1x1025xf32, #tpu.memory_space<vmem>>, vector<16xf32>,
          %add3A_477 = arith.constant 47664 : i32
          %add3A_478 = vector.broadcast %add3A_477 : i32 to vector<16xi32>
          %add3A_479 = arith.addi %get3A_404, %add3A_478 : vector<16xi32>
          %gather3A_480 = tpu.vector_load_idx %arg5[%add3A_479] : memref<63552xf32, #tpu.memory_space<vmem>>[vector<16xi32>], vector<16xf32>,
          %swap3A_481 = arith.constant 4 : i32
          %swap3A_482 = arith.constant 0 : i32
          %swap3A_483 = arith.index_cast %swap3A_481 : i32 to index
          %swap3A_484 = arith.index_cast %swap3A_482 : i32 to index
          %swap3A_485 = arith.index_cast %mul3A_400 : i32 to index
          %swap3A_486 = tpu.vector_load %arg9[%swap3A_483, %swap3A_484, %swap3A_485] {strides = array<i32>} : memref<16x1x1025xf32, #tpu.memory_space<vmem>>, vector<16xf32>,
          tpu.vector_store %arg9[%swap3A_483, %swap3A_484, %swap3A_485], %gather3A_424 {strides = array<i32>} : memref<16x1x1025xf32, #tpu.memory_space<vmem>>, vector<16xf32>,
          %add3A_487 = arith.constant 51636 : i32
          %add3A_488 = vector.broadcast %add3A_487 : i32 to vector<16xi32>
          %add3A_489 = arith.addi %get3A_404, %add3A_488 : vector<16xi32>
          %gather3A_490 = tpu.vector_load_idx %arg5[%add3A_489] : memref<63552xf32, #tpu.memory_space<vmem>>[vector<16xi32>], vector<16xf32>,
          %swap3A_491 = arith.constant 5 : i32
          %swap3A_492 = arith.constant 0 : i32
          %swap3A_493 = arith.index_cast %swap3A_491 : i32 to index
          %swap3A_494 = arith.index_cast %swap3A_492 : i32 to index
          %swap3A_495 = arith.index_cast %mul3A_400 : i32 to index
          %swap3A_496 = tpu.vector_load %arg9[%swap3A_493, %swap3A_494, %swap3A_495] {strides = array<i32>} : memref<16x1x1025xf32, #tpu.memory_space<vmem>>, vector<16xf32>,
          tpu.vector_store %arg9[%swap3A_493, %swap3A_494, %swap3A_495], %gather3A_428 {strides = array<i32>} : memref<16x1x1025xf32, #tpu.memory_space<vmem>>, vector<16xf32>,
          %add3A_497 = arith.constant 55608 : i32
          %add3A_498 = vector.broadcast %add3A_497 : i32 to vector<16xi32>
          %add3A_499 = arith.addi %get3A_404, %add3A_498 : vector<16xi32>
          %gather3A_500 = tpu.vector_load_idx %arg5[%add3A_499] : memref<63552xf32, #tpu.memory_space<vmem>>[vector<16xi32>], vector<16xf32>,
          %swap3A_501 = arith.constant 6 : i32
          %swap3A_502 = arith.constant 0 : i32
          %swap3A_503 = arith.index_cast %swap3A_501 : i32 to index
          %swap3A_504 = arith.index_cast %swap3A_502 : i32 to index
          %swap3A_505 = arith.index_cast %mul3A_400 : i32 to index
          %swap3A_506 = tpu.vector_load %arg9[%swap3A_503, %swap3A_504, %swap3A_505] {strides = array<i32>} : memref<16x1x1025xf32, #tpu.memory_space<vmem>>, vector<16xf32>,
          tpu.vector_store %arg9[%swap3A_503, %swap3A_504, %swap3A_505], %gather3A_432 {strides = array<i32>} : memref<16x1x1025xf32, #tpu.memory_space<vmem>>, vector<16xf32>,
          %add3A_507 = arith.constant 59580 : i32
          %add3A_508 = vector.broadcast %add3A_507 : i32 to vector<16xi32>
          %add3A_509 = arith.addi %get3A_404, %add3A_508 : vector<16xi32>
          %gather3A_510 = tpu.vector_load_idx %arg5[%add3A_509] : memref<63552xf32, #tpu.memory_space<vmem>>[vector<16xi32>], vector<16xf32>,
          %swap3A_511 = arith.constant 7 : i32
          %swap3A_512 = arith.constant 0 : i32
          %swap3A_513 = arith.index_cast %swap3A_511 : i32 to index
          %swap3A_514 = arith.index_cast %swap3A_512 : i32 to index
          %swap3A_515 = arith.index_cast %mul3A_400 : i32 to index
          %swap3A_516 = tpu.vector_load %arg9[%swap3A_513, %swap3A_514, %swap3A_515] {strides = array<i32>} : memref<16x1x1025xf32, #tpu.memory_space<vmem>>, vector<16xf32>,
          tpu.vector_store %arg9[%swap3A_513, %swap3A_514, %swap3A_515], %gather3A_436 {strides = array<i32>} : memref<16x1x1025xf32, #tpu.memory_space<vmem>>, vector<16xf32>,
          %swap3A_517 = arith.constant 8 : i32
          %swap3A_518 = arith.constant 0 : i32
          %swap3A_519 = arith.index_cast %swap3A_517 : i32 to index
          %swap3A_520 = arith.index_cast %swap3A_518 : i32 to index
          %swap3A_521 = arith.index_cast %mul3A_400 : i32 to index
          %swap3A_522 = tpu.vector_load %arg9[%swap3A_519, %swap3A_520, %swap3A_521] {strides = array<i32>} : memref<16x1x1025xf32, #tpu.memory_space<vmem>>, vector<16xf32>,
          tpu.vector_store %arg9[%swap3A_519, %swap3A_520, %swap3A_521], %gather3A_440 {strides = array<i32>} : memref<16x1x1025xf32, #tpu.memory_space<vmem>>, vector<16xf32>,
          %swap3A_523 = arith.constant 9 : i32
          %swap3A_524 = arith.constant 0 : i32
          %swap3A_525 = arith.index_cast %swap3A_523 : i32 to index
          %swap3A_526 = arith.index_cast %swap3A_524 : i32 to index
          %swap3A_527 = arith.index_cast %mul3A_400 : i32 to index
          %swap3A_528 = tpu.vector_load %arg9[%swap3A_525, %swap3A_526, %swap3A_527] {strides = array<i32>} : memref<16x1x1025xf32, #tpu.memory_space<vmem>>, vector<16xf32>,
          tpu.vector_store %arg9[%swap3A_525, %swap3A_526, %swap3A_527], %gather3A_450 {strides = array<i32>} : memref<16x1x1025xf32, #tpu.memory_space<vmem>>, vector<16xf32>,
          %swap3A_529 = arith.constant 10 : i32
          %swap3A_530 = arith.constant 0 : i32
          %swap3A_531 = arith.index_cast %swap3A_529 : i32 to index
          %swap3A_532 = arith.index_cast %swap3A_530 : i32 to index
          %swap3A_533 = arith.index_cast %mul3A_400 : i32 to index
          %swap3A_534 = tpu.vector_load %arg9[%swap3A_531, %swap3A_532, %swap3A_533] {strides = array<i32>} : memref<16x1x1025xf32, #tpu.memory_space<vmem>>, vector<16xf32>,
          tpu.vector_store %arg9[%swap3A_531, %swap3A_532, %swap3A_533], %gather3A_460 {strides = array<i32>} : memref<16x1x1025xf32, #tpu.memory_space<vmem>>, vector<16xf32>,
          %swap3A_535 = arith.constant 11 : i32
          %swap3A_536 = arith.constant 0 : i32
          %swap3A_537 = arith.index_cast %swap3A_535 : i32 to index
          %swap3A_538 = arith.index_cast %swap3A_536 : i32 to index
          %swap3A_539 = arith.index_cast %mul3A_400 : i32 to index
          %swap3A_540 = tpu.vector_load %arg9[%swap3A_537, %swap3A_538, %swap3A_539] {strides = array<i32>} : memref<16x1x1025xf32, #tpu.memory_space<vmem>>, vector<16xf32>,
          tpu.vector_store %arg9[%swap3A_537, %swap3A_538, %swap3A_539], %gather3A_470 {strides = array<i32>} : memref<16x1x1025xf32, #tpu.memory_space<vmem>>, vector<16xf32>,
          %swap3A_541 = arith.constant 12 : i32
          %swap3A_542 = arith.constant 0 : i32
          %swap3A_543 = arith.index_cast %swap3A_541 : i32 to index
          %swap3A_544 = arith.index_cast %swap3A_542 : i32 to index
          %swap3A_545 = arith.index_cast %mul3A_400 : i32 to index
          %swap3A_546 = tpu.vector_load %arg9[%swap3A_543, %swap3A_544, %swap3A_545] {strides = array<i32>} : memref<16x1x1025xf32, #tpu.memory_space<vmem>>, vector<16xf32>,
          tpu.vector_store %arg9[%swap3A_543, %swap3A_544, %swap3A_545], %gather3A_480 {strides = array<i32>} : memref<16x1x1025xf32, #tpu.memory_space<vmem>>, vector<16xf32>,
          %swap3A_547 = arith.constant 13 : i32
          %swap3A_548 = arith.constant 0 : i32
          %swap3A_549 = arith.index_cast %swap3A_547 : i32 to index
          %swap3A_550 = arith.index_cast %swap3A_548 : i32 to index
          %swap3A_551 = arith.index_cast %mul3A_400 : i32 to index
          %swap3A_552 = tpu.vector_load %arg9[%swap3A_549, %swap3A_550, %swap3A_551] {strides = array<i32>} : memref<16x1x1025xf32, #tpu.memory_space<vmem>>, vector<16xf32>,
          tpu.vector_store %arg9[%swap3A_549, %swap3A_550, %swap3A_551], %gather3A_490 {strides = array<i32>} : memref<16x1x1025xf32, #tpu.memory_space<vmem>>, vector<16xf32>,
          %swap3A_553 = arith.constant 14 : i32
          %swap3A_554 = arith.constant 0 : i32
          %swap3A_555 = arith.index_cast %swap3A_553 : i32 to index
          %swap3A_556 = arith.index_cast %swap3A_554 : i32 to index
          %swap3A_557 = arith.index_cast %mul3A_400 : i32 to index
          %swap3A_558 = tpu.vector_load %arg9[%swap3A_555, %swap3A_556, %swap3A_557] {strides = array<i32>} : memref<16x1x1025xf32, #tpu.memory_space<vmem>>, vector<16xf32>,
          tpu.vector_store %arg9[%swap3A_555, %swap3A_556, %swap3A_557], %gather3A_500 {strides = array<i32>} : memref<16x1x1025xf32, #tpu.memory_space<vmem>>, vector<16xf32>,
          %swap3A_559 = arith.constant 15 : i32
          %swap3A_560 = arith.constant 0 : i32
          %swap3A_561 = arith.index_cast %swap3A_559 : i32 to index
          %swap3A_562 = arith.index_cast %swap3A_560 : i32 to index
          %swap3A_563 = arith.index_cast %mul3A_400 : i32 to index
          %swap3A_564 = tpu.vector_load %arg9[%swap3A_561, %swap3A_562, %swap3A_563] {strides = array<i32>} : memref<16x1x1025xf32, #tpu.memory_space<vmem>>, vector<16xf32>,
          tpu.vector_store %arg9[%swap3A_561, %swap3A_562, %swap3A_563], %gather3A_510 {strides = array<i32>} : memref<16x1x1025xf32, #tpu.memory_space<vmem>>, vector<16xf32>,
          %scan3A_565 = arith.constant 2 : i32
          %scan3A_566 = arith.addi %scan3A_230, %scan3A_565 : i32
          %mul3A_567 = arith.constant 16 : i32
          %mul3A_568 = arith.muli %scan3A_566, %mul3A_567 : i32
          %get3A_569 = arith.constant 0 : i32
          %get3A_570 = arith.index_cast %get3A_569 : i32 to index
          %get3A_571 = arith.index_cast %mul3A_568 : i32 to index
          %get3A_572 = tpu.vector_load %arg7[%get3A_570, %get3A_571] {strides = array<i32>} : memref<1x1025xi32, #tpu.memory_space<vmem>>, vector<16xi32>,
          %add3A_573 = arith.constant 0 : i32
          %add3A_574 = vector.broadcast %add3A_573 : i32 to vector<16xi32>
          %add3A_575 = arith.addi %get3A_572, %add3A_574 : vector<16xi32>
          %gather3A_576 = tpu.vector_load_idx %arg5[%add3A_575] : memref<63552xf32, #tpu.memory_space<vmem>>[vector<16xi32>], vector<16xf32>,
          %add3A_577 = arith.constant 3972 : i32
          %add3A_578 = vector.broadcast %add3A_577 : i32 to vector<16xi32>
          %add3A_579 = arith.addi %get3A_572, %add3A_578 : vector<16xi32>
          %gather3A_580 = tpu.vector_load_idx %arg5[%add3A_579] : memref<63552xf32, #tpu.memory_space<vmem>>[vector<16xi32>], vector<16xf32>,
          %add3A_581 = arith.constant 7944 : i32
          %add3A_582 = vector.broadcast %add3A_581 : i32 to vector<16xi32>
          %add3A_583 = arith.addi %get3A_572, %add3A_582 : vector<16xi32>
          %gather3A_584 = tpu.vector_load_idx %arg5[%add3A_583] : memref<63552xf32, #tpu.memory_space<vmem>>[vector<16xi32>], vector<16xf32>,
          %add3A_585 = arith.constant 11916 : i32
          %add3A_586 = vector.broadcast %add3A_585 : i32 to vector<16xi32>
          %add3A_587 = arith.addi %get3A_572, %add3A_586 : vector<16xi32>
          %gather3A_588 = tpu.vector_load_idx %arg5[%add3A_587] : memref<63552xf32, #tpu.memory_space<vmem>>[vector<16xi32>], vector<16xf32>,
          %add3A_589 = arith.constant 15888 : i32
          %add3A_590 = vector.broadcast %add3A_589 : i32 to vector<16xi32>
          %add3A_591 = arith.addi %get3A_572, %add3A_590 : vector<16xi32>
          %gather3A_592 = tpu.vector_load_idx %arg5[%add3A_591] : memref<63552xf32, #tpu.memory_space<vmem>>[vector<16xi32>], vector<16xf32>,
          %add3A_593 = arith.constant 19860 : i32
          %add3A_594 = vector.broadcast %add3A_593 : i32 to vector<16xi32>
          %add3A_595 = arith.addi %get3A_572, %add3A_594 : vector<16xi32>
          %gather3A_596 = tpu.vector_load_idx %arg5[%add3A_595] : memref<63552xf32, #tpu.memory_space<vmem>>[vector<16xi32>], vector<16xf32>,
          %add3A_597 = arith.constant 23832 : i32
          %add3A_598 = vector.broadcast %add3A_597 : i32 to vector<16xi32>
          %add3A_599 = arith.addi %get3A_572, %add3A_598 : vector<16xi32>
          %gather3A_600 = tpu.vector_load_idx %arg5[%add3A_599] : memref<63552xf32, #tpu.memory_space<vmem>>[vector<16xi32>], vector<16xf32>,
          %add3A_601 = arith.constant 27804 : i32
          %add3A_602 = vector.broadcast %add3A_601 : i32 to vector<16xi32>
          %add3A_603 = arith.addi %get3A_572, %add3A_602 : vector<16xi32>
          %gather3A_604 = tpu.vector_load_idx %arg5[%add3A_603] : memref<63552xf32, #tpu.memory_space<vmem>>[vector<16xi32>], vector<16xf32>,
          %add3A_605 = arith.constant 31776 : i32
          %add3A_606 = vector.broadcast %add3A_605 : i32 to vector<16xi32>
          %add3A_607 = arith.addi %get3A_572, %add3A_606 : vector<16xi32>
          %gather3A_608 = tpu.vector_load_idx %arg5[%add3A_607] : memref<63552xf32, #tpu.memory_space<vmem>>[vector<16xi32>], vector<16xf32>,
          %swap3A_609 = arith.constant 0 : i32
          %swap3A_610 = arith.constant 0 : i32
          %swap3A_611 = arith.index_cast %swap3A_609 : i32 to index
          %swap3A_612 = arith.index_cast %swap3A_610 : i32 to index
          %swap3A_613 = arith.index_cast %mul3A_568 : i32 to index
          %swap3A_614 = tpu.vector_load %arg9[%swap3A_611, %swap3A_612, %swap3A_613] {strides = array<i32>} : memref<16x1x1025xf32, #tpu.memory_space<vmem>>, vector<16xf32>,
          tpu.vector_store %arg9[%swap3A_611, %swap3A_612, %swap3A_613], %gather3A_576 {strides = array<i32>} : memref<16x1x1025xf32, #tpu.memory_space<vmem>>, vector<16xf32>,
          %add3A_615 = arith.constant 35748 : i32
          %add3A_616 = vector.broadcast %add3A_615 : i32 to vector<16xi32>
          %add3A_617 = arith.addi %get3A_572, %add3A_616 : vector<16xi32>
          %gather3A_618 = tpu.vector_load_idx %arg5[%add3A_617] : memref<63552xf32, #tpu.memory_space<vmem>>[vector<16xi32>], vector<16xf32>,
          %swap3A_619 = arith.constant 1 : i32
          %swap3A_620 = arith.constant 0 : i32
          %swap3A_621 = arith.index_cast %swap3A_619 : i32 to index
          %swap3A_622 = arith.index_cast %swap3A_620 : i32 to index
          %swap3A_623 = arith.index_cast %mul3A_568 : i32 to index
          %swap3A_624 = tpu.vector_load %arg9[%swap3A_621, %swap3A_622, %swap3A_623] {strides = array<i32>} : memref<16x1x1025xf32, #tpu.memory_space<vmem>>, vector<16xf32>,
          tpu.vector_store %arg9[%swap3A_621, %swap3A_622, %swap3A_623], %gather3A_580 {strides = array<i32>} : memref<16x1x1025xf32, #tpu.memory_space<vmem>>, vector<16xf32>,
          %add3A_625 = arith.constant 39720 : i32
          %add3A_626 = vector.broadcast %add3A_625 : i32 to vector<16xi32>
          %add3A_627 = arith.addi %get3A_572, %add3A_626 : vector<16xi32>
          %gather3A_628 = tpu.vector_load_idx %arg5[%add3A_627] : memref<63552xf32, #tpu.memory_space<vmem>>[vector<16xi32>], vector<16xf32>,
          %swap3A_629 = arith.constant 2 : i32
          %swap3A_630 = arith.constant 0 : i32
          %swap3A_631 = arith.index_cast %swap3A_629 : i32 to index
          %swap3A_632 = arith.index_cast %swap3A_630 : i32 to index
          %swap3A_633 = arith.index_cast %mul3A_568 : i32 to index
          %swap3A_634 = tpu.vector_load %arg9[%swap3A_631, %swap3A_632, %swap3A_633] {strides = array<i32>} : memref<16x1x1025xf32, #tpu.memory_space<vmem>>, vector<16xf32>,
          tpu.vector_store %arg9[%swap3A_631, %swap3A_632, %swap3A_633], %gather3A_584 {strides = array<i32>} : memref<16x1x1025xf32, #tpu.memory_space<vmem>>, vector<16xf32>,
          %add3A_635 = arith.constant 43692 : i32
          %add3A_636 = vector.broadcast %add3A_635 : i32 to vector<16xi32>
          %add3A_637 = arith.addi %get3A_572, %add3A_636 : vector<16xi32>
          %gather3A_638 = tpu.vector_load_idx %arg5[%add3A_637] : memref<63552xf32, #tpu.memory_space<vmem>>[vector<16xi32>], vector<16xf32>,
          %swap3A_639 = arith.constant 3 : i32
          %swap3A_640 = arith.constant 0 : i32
          %swap3A_641 = arith.index_cast %swap3A_639 : i32 to index
          %swap3A_642 = arith.index_cast %swap3A_640 : i32 to index
          %swap3A_643 = arith.index_cast %mul3A_568 : i32 to index
          %swap3A_644 = tpu.vector_load %arg9[%swap3A_641, %swap3A_642, %swap3A_643] {strides = array<i32>} : memref<16x1x1025xf32, #tpu.memory_space<vmem>>, vector<16xf32>,
          tpu.vector_store %arg9[%swap3A_641, %swap3A_642, %swap3A_643], %gather3A_588 {strides = array<i32>} : memref<16x1x1025xf32, #tpu.memory_space<vmem>>, vector<16xf32>,
          %add3A_645 = arith.constant 47664 : i32
          %add3A_646 = vector.broadcast %add3A_645 : i32 to vector<16xi32>
          %add3A_647 = arith.addi %get3A_572, %add3A_646 : vector<16xi32>
          %gather3A_648 = tpu.vector_load_idx %arg5[%add3A_647] : memref<63552xf32, #tpu.memory_space<vmem>>[vector<16xi32>], vector<16xf32>,
          %swap3A_649 = arith.constant 4 : i32
          %swap3A_650 = arith.constant 0 : i32
          %swap3A_651 = arith.index_cast %swap3A_649 : i32 to index
          %swap3A_652 = arith.index_cast %swap3A_650 : i32 to index
          %swap3A_653 = arith.index_cast %mul3A_568 : i32 to index
          %swap3A_654 = tpu.vector_load %arg9[%swap3A_651, %swap3A_652, %swap3A_653] {strides = array<i32>} : memref<16x1x1025xf32, #tpu.memory_space<vmem>>, vector<16xf32>,
          tpu.vector_store %arg9[%swap3A_651, %swap3A_652, %swap3A_653], %gather3A_592 {strides = array<i32>} : memref<16x1x1025xf32, #tpu.memory_space<vmem>>, vector<16xf32>,
          %add3A_655 = arith.constant 51636 : i32
          %add3A_656 = vector.broadcast %add3A_655 : i32 to vector<16xi32>
          %add3A_657 = arith.addi %get3A_572, %add3A_656 : vector<16xi32>
          %gather3A_658 = tpu.vector_load_idx %arg5[%add3A_657] : memref<63552xf32, #tpu.memory_space<vmem>>[vector<16xi32>], vector<16xf32>,
          %swap3A_659 = arith.constant 5 : i32
          %swap3A_660 = arith.constant 0 : i32
          %swap3A_661 = arith.index_cast %swap3A_659 : i32 to index
          %swap3A_662 = arith.index_cast %swap3A_660 : i32 to index
          %swap3A_663 = arith.index_cast %mul3A_568 : i32 to index
          %swap3A_664 = tpu.vector_load %arg9[%swap3A_661, %swap3A_662, %swap3A_663] {strides = array<i32>} : memref<16x1x1025xf32, #tpu.memory_space<vmem>>, vector<16xf32>,
          tpu.vector_store %arg9[%swap3A_661, %swap3A_662, %swap3A_663], %gather3A_596 {strides = array<i32>} : memref<16x1x1025xf32, #tpu.memory_space<vmem>>, vector<16xf32>,
          %add3A_665 = arith.constant 55608 : i32
          %add3A_666 = vector.broadcast %add3A_665 : i32 to vector<16xi32>
          %add3A_667 = arith.addi %get3A_572, %add3A_666 : vector<16xi32>
          %gather3A_668 = tpu.vector_load_idx %arg5[%add3A_667] : memref<63552xf32, #tpu.memory_space<vmem>>[vector<16xi32>], vector<16xf32>,
          %swap3A_669 = arith.constant 6 : i32
          %swap3A_670 = arith.constant 0 : i32
          %swap3A_671 = arith.index_cast %swap3A_669 : i32 to index
          %swap3A_672 = arith.index_cast %swap3A_670 : i32 to index
          %swap3A_673 = arith.index_cast %mul3A_568 : i32 to index
          %swap3A_674 = tpu.vector_load %arg9[%swap3A_671, %swap3A_672, %swap3A_673] {strides = array<i32>} : memref<16x1x1025xf32, #tpu.memory_space<vmem>>, vector<16xf32>,
          tpu.vector_store %arg9[%swap3A_671, %swap3A_672, %swap3A_673], %gather3A_600 {strides = array<i32>} : memref<16x1x1025xf32, #tpu.memory_space<vmem>>, vector<16xf32>,
          %add3A_675 = arith.constant 59580 : i32
          %add3A_676 = vector.broadcast %add3A_675 : i32 to vector<16xi32>
          %add3A_677 = arith.addi %get3A_572, %add3A_676 : vector<16xi32>
          %gather3A_678 = tpu.vector_load_idx %arg5[%add3A_677] : memref<63552xf32, #tpu.memory_space<vmem>>[vector<16xi32>], vector<16xf32>,
          %swap3A_679 = arith.constant 7 : i32
          %swap3A_680 = arith.constant 0 : i32
          %swap3A_681 = arith.index_cast %swap3A_679 : i32 to index
          %swap3A_682 = arith.index_cast %swap3A_680 : i32 to index
          %swap3A_683 = arith.index_cast %mul3A_568 : i32 to index
          %swap3A_684 = tpu.vector_load %arg9[%swap3A_681, %swap3A_682, %swap3A_683] {strides = array<i32>} : memref<16x1x1025xf32, #tpu.memory_space<vmem>>, vector<16xf32>,
          tpu.vector_store %arg9[%swap3A_681, %swap3A_682, %swap3A_683], %gather3A_604 {strides = array<i32>} : memref<16x1x1025xf32, #tpu.memory_space<vmem>>, vector<16xf32>,
          %swap3A_685 = arith.constant 8 : i32
          %swap3A_686 = arith.constant 0 : i32
          %swap3A_687 = arith.index_cast %swap3A_685 : i32 to index
          %swap3A_688 = arith.index_cast %swap3A_686 : i32 to index
          %swap3A_689 = arith.index_cast %mul3A_568 : i32 to index
          %swap3A_690 = tpu.vector_load %arg9[%swap3A_687, %swap3A_688, %swap3A_689] {strides = array<i32>} : memref<16x1x1025xf32, #tpu.memory_space<vmem>>, vector<16xf32>,
          tpu.vector_store %arg9[%swap3A_687, %swap3A_688, %swap3A_689], %gather3A_608 {strides = array<i32>} : memref<16x1x1025xf32, #tpu.memory_space<vmem>>, vector<16xf32>,
          %swap3A_691 = arith.constant 9 : i32
          %swap3A_692 = arith.constant 0 : i32
          %swap3A_693 = arith.index_cast %swap3A_691 : i32 to index
          %swap3A_694 = arith.index_cast %swap3A_692 : i32 to index
          %swap3A_695 = arith.index_cast %mul3A_568 : i32 to index
          %swap3A_696 = tpu.vector_load %arg9[%swap3A_693, %swap3A_694, %swap3A_695] {strides = array<i32>} : memref<16x1x1025xf32, #tpu.memory_space<vmem>>, vector<16xf32>,
          tpu.vector_store %arg9[%swap3A_693, %swap3A_694, %swap3A_695], %gather3A_618 {strides = array<i32>} : memref<16x1x1025xf32, #tpu.memory_space<vmem>>, vector<16xf32>,
          %swap3A_697 = arith.constant 10 : i32
          %swap3A_698 = arith.constant 0 : i32
          %swap3A_699 = arith.index_cast %swap3A_697 : i32 to index
          %swap3A_700 = arith.index_cast %swap3A_698 : i32 to index
          %swap3A_701 = arith.index_cast %mul3A_568 : i32 to index
          %swap3A_702 = tpu.vector_load %arg9[%swap3A_699, %swap3A_700, %swap3A_701] {strides = array<i32>} : memref<16x1x1025xf32, #tpu.memory_space<vmem>>, vector<16xf32>,
          tpu.vector_store %arg9[%swap3A_699, %swap3A_700, %swap3A_701], %gather3A_628 {strides = array<i32>} : memref<16x1x1025xf32, #tpu.memory_space<vmem>>, vector<16xf32>,
          %swap3A_703 = arith.constant 11 : i32
          %swap3A_704 = arith.constant 0 : i32
          %swap3A_705 = arith.index_cast %swap3A_703 : i32 to index
          %swap3A_706 = arith.index_cast %swap3A_704 : i32 to index
          %swap3A_707 = arith.index_cast %mul3A_568 : i32 to index
          %swap3A_708 = tpu.vector_load %arg9[%swap3A_705, %swap3A_706, %swap3A_707] {strides = array<i32>} : memref<16x1x1025xf32, #tpu.memory_space<vmem>>, vector<16xf32>,
          tpu.vector_store %arg9[%swap3A_705, %swap3A_706, %swap3A_707], %gather3A_638 {strides = array<i32>} : memref<16x1x1025xf32, #tpu.memory_space<vmem>>, vector<16xf32>,
          %swap3A_709 = arith.constant 12 : i32
          %swap3A_710 = arith.constant 0 : i32
          %swap3A_711 = arith.index_cast %swap3A_709 : i32 to index
          %swap3A_712 = arith.index_cast %swap3A_710 : i32 to index
          %swap3A_713 = arith.index_cast %mul3A_568 : i32 to index
          %swap3A_714 = tpu.vector_load %arg9[%swap3A_711, %swap3A_712, %swap3A_713] {strides = array<i32>} : memref<16x1x1025xf32, #tpu.memory_space<vmem>>, vector<16xf32>,
          tpu.vector_store %arg9[%swap3A_711, %swap3A_712, %swap3A_713], %gather3A_648 {strides = array<i32>} : memref<16x1x1025xf32, #tpu.memory_space<vmem>>, vector<16xf32>,
          %swap3A_715 = arith.constant 13 : i32
          %swap3A_716 = arith.constant 0 : i32
          %swap3A_717 = arith.index_cast %swap3A_715 : i32 to index
          %swap3A_718 = arith.index_cast %swap3A_716 : i32 to index
          %swap3A_719 = arith.index_cast %mul3A_568 : i32 to index
          %swap3A_720 = tpu.vector_load %arg9[%swap3A_717, %swap3A_718, %swap3A_719] {strides = array<i32>} : memref<16x1x1025xf32, #tpu.memory_space<vmem>>, vector<16xf32>,
          tpu.vector_store %arg9[%swap3A_717, %swap3A_718, %swap3A_719], %gather3A_658 {strides = array<i32>} : memref<16x1x1025xf32, #tpu.memory_space<vmem>>, vector<16xf32>,
          %swap3A_721 = arith.constant 14 : i32
          %swap3A_722 = arith.constant 0 : i32
          %swap3A_723 = arith.index_cast %swap3A_721 : i32 to index
          %swap3A_724 = arith.index_cast %swap3A_722 : i32 to index
          %swap3A_725 = arith.index_cast %mul3A_568 : i32 to index
          %swap3A_726 = tpu.vector_load %arg9[%swap3A_723, %swap3A_724, %swap3A_725] {strides = array<i32>} : memref<16x1x1025xf32, #tpu.memory_space<vmem>>, vector<16xf32>,
          tpu.vector_store %arg9[%swap3A_723, %swap3A_724, %swap3A_725], %gather3A_668 {strides = array<i32>} : memref<16x1x1025xf32, #tpu.memory_space<vmem>>, vector<16xf32>,
          %swap3A_727 = arith.constant 15 : i32
          %swap3A_728 = arith.constant 0 : i32
          %swap3A_729 = arith.index_cast %swap3A_727 : i32 to index
          %swap3A_730 = arith.index_cast %swap3A_728 : i32 to index
          %swap3A_731 = arith.index_cast %mul3A_568 : i32 to index
          %swap3A_732 = tpu.vector_load %arg9[%swap3A_729, %swap3A_730, %swap3A_731] {strides = array<i32>} : memref<16x1x1025xf32, #tpu.memory_space<vmem>>, vector<16xf32>,
          tpu.vector_store %arg9[%swap3A_729, %swap3A_730, %swap3A_731], %gather3A_678 {strides = array<i32>} : memref<16x1x1025xf32, #tpu.memory_space<vmem>>, vector<16xf32>,
          %scan3A_733 = arith.constant 3 : i32
          %scan3A_734 = arith.addi %scan3A_230, %scan3A_733 : i32
          %mul3A_735 = arith.constant 16 : i32
          %mul3A_736 = arith.muli %scan3A_734, %mul3A_735 : i32
          %get3A_737 = arith.constant 0 : i32
          %get3A_738 = arith.index_cast %get3A_737 : i32 to index
          %get3A_739 = arith.index_cast %mul3A_736 : i32 to index
          %get3A_740 = tpu.vector_load %arg7[%get3A_738, %get3A_739] {strides = array<i32>} : memref<1x1025xi32, #tpu.memory_space<vmem>>, vector<16xi32>,
          %add3A_741 = arith.constant 0 : i32
          %add3A_742 = vector.broadcast %add3A_741 : i32 to vector<16xi32>
          %add3A_743 = arith.addi %get3A_740, %add3A_742 : vector<16xi32>
          %gather3A_744 = tpu.vector_load_idx %arg5[%add3A_743] : memref<63552xf32, #tpu.memory_space<vmem>>[vector<16xi32>], vector<16xf32>,
          %add3A_745 = arith.constant 3972 : i32
          %add3A_746 = vector.broadcast %add3A_745 : i32 to vector<16xi32>
          %add3A_747 = arith.addi %get3A_740, %add3A_746 : vector<16xi32>
          %gather3A_748 = tpu.vector_load_idx %arg5[%add3A_747] : memref<63552xf32, #tpu.memory_space<vmem>>[vector<16xi32>], vector<16xf32>,
          %add3A_749 = arith.constant 7944 : i32
          %add3A_750 = vector.broadcast %add3A_749 : i32 to vector<16xi32>
          %add3A_751 = arith.addi %get3A_740, %add3A_750 : vector<16xi32>
          %gather3A_752 = tpu.vector_load_idx %arg5[%add3A_751] : memref<63552xf32, #tpu.memory_space<vmem>>[vector<16xi32>], vector<16xf32>,
          %add3A_753 = arith.constant 11916 : i32
          %add3A_754 = vector.broadcast %add3A_753 : i32 to vector<16xi32>
          %add3A_755 = arith.addi %get3A_740, %add3A_754 : vector<16xi32>
          %gather3A_756 = tpu.vector_load_idx %arg5[%add3A_755] : memref<63552xf32, #tpu.memory_space<vmem>>[vector<16xi32>], vector<16xf32>,
          %add3A_757 = arith.constant 15888 : i32
          %add3A_758 = vector.broadcast %add3A_757 : i32 to vector<16xi32>
          %add3A_759 = arith.addi %get3A_740, %add3A_758 : vector<16xi32>
          %gather3A_760 = tpu.vector_load_idx %arg5[%add3A_759] : memref<63552xf32, #tpu.memory_space<vmem>>[vector<16xi32>], vector<16xf32>,
          %add3A_761 = arith.constant 19860 : i32
          %add3A_762 = vector.broadcast %add3A_761 : i32 to vector<16xi32>
          %add3A_763 = arith.addi %get3A_740, %add3A_762 : vector<16xi32>
          %gather3A_764 = tpu.vector_load_idx %arg5[%add3A_763] : memref<63552xf32, #tpu.memory_space<vmem>>[vector<16xi32>], vector<16xf32>,
          %add3A_765 = arith.constant 23832 : i32
          %add3A_766 = vector.broadcast %add3A_765 : i32 to vector<16xi32>
          %add3A_767 = arith.addi %get3A_740, %add3A_766 : vector<16xi32>
          %gather3A_768 = tpu.vector_load_idx %arg5[%add3A_767] : memref<63552xf32, #tpu.memory_space<vmem>>[vector<16xi32>], vector<16xf32>,
          %add3A_769 = arith.constant 27804 : i32
          %add3A_770 = vector.broadcast %add3A_769 : i32 to vector<16xi32>
          %add3A_771 = arith.addi %get3A_740, %add3A_770 : vector<16xi32>
          %gather3A_772 = tpu.vector_load_idx %arg5[%add3A_771] : memref<63552xf32, #tpu.memory_space<vmem>>[vector<16xi32>], vector<16xf32>,
          %add3A_773 = arith.constant 31776 : i32
          %add3A_774 = vector.broadcast %add3A_773 : i32 to vector<16xi32>
          %add3A_775 = arith.addi %get3A_740, %add3A_774 : vector<16xi32>
          %gather3A_776 = tpu.vector_load_idx %arg5[%add3A_775] : memref<63552xf32, #tpu.memory_space<vmem>>[vector<16xi32>], vector<16xf32>,
          %swap3A_777 = arith.constant 0 : i32
          %swap3A_778 = arith.constant 0 : i32
          %swap3A_779 = arith.index_cast %swap3A_777 : i32 to index
          %swap3A_780 = arith.index_cast %swap3A_778 : i32 to index
          %swap3A_781 = arith.index_cast %mul3A_736 : i32 to index
          %swap3A_782 = tpu.vector_load %arg9[%swap3A_779, %swap3A_780, %swap3A_781] {strides = array<i32>} : memref<16x1x1025xf32, #tpu.memory_space<vmem>>, vector<16xf32>,
          tpu.vector_store %arg9[%swap3A_779, %swap3A_780, %swap3A_781], %gather3A_744 {strides = array<i32>} : memref<16x1x1025xf32, #tpu.memory_space<vmem>>, vector<16xf32>,
          %add3A_783 = arith.constant 35748 : i32
          %add3A_784 = vector.broadcast %add3A_783 : i32 to vector<16xi32>
          %add3A_785 = arith.addi %get3A_740, %add3A_784 : vector<16xi32>
          %gather3A_786 = tpu.vector_load_idx %arg5[%add3A_785] : memref<63552xf32, #tpu.memory_space<vmem>>[vector<16xi32>], vector<16xf32>,
          %swap3A_787 = arith.constant 1 : i32
          %swap3A_788 = arith.constant 0 : i32
          %swap3A_789 = arith.index_cast %swap3A_787 : i32 to index
          %swap3A_790 = arith.index_cast %swap3A_788 : i32 to index
          %swap3A_791 = arith.index_cast %mul3A_736 : i32 to index
          %swap3A_792 = tpu.vector_load %arg9[%swap3A_789, %swap3A_790, %swap3A_791] {strides = array<i32>} : memref<16x1x1025xf32, #tpu.memory_space<vmem>>, vector<16xf32>,
          tpu.vector_store %arg9[%swap3A_789, %swap3A_790, %swap3A_791], %gather3A_748 {strides = array<i32>} : memref<16x1x1025xf32, #tpu.memory_space<vmem>>, vector<16xf32>,
          %add3A_793 = arith.constant 39720 : i32
          %add3A_794 = vector.broadcast %add3A_793 : i32 to vector<16xi32>
          %add3A_795 = arith.addi %get3A_740, %add3A_794 : vector<16xi32>
          %gather3A_796 = tpu.vector_load_idx %arg5[%add3A_795] : memref<63552xf32, #tpu.memory_space<vmem>>[vector<16xi32>], vector<16xf32>,
          %swap3A_797 = arith.constant 2 : i32
          %swap3A_798 = arith.constant 0 : i32
          %swap3A_799 = arith.index_cast %swap3A_797 : i32 to index
          %swap3A_800 = arith.index_cast %swap3A_798 : i32 to index
          %swap3A_801 = arith.index_cast %mul3A_736 : i32 to index
          %swap3A_802 = tpu.vector_load %arg9[%swap3A_799, %swap3A_800, %swap3A_801] {strides = array<i32>} : memref<16x1x1025xf32, #tpu.memory_space<vmem>>, vector<16xf32>,
          tpu.vector_store %arg9[%swap3A_799, %swap3A_800, %swap3A_801], %gather3A_752 {strides = array<i32>} : memref<16x1x1025xf32, #tpu.memory_space<vmem>>, vector<16xf32>,
          %add3A_803 = arith.constant 43692 : i32
          %add3A_804 = vector.broadcast %add3A_803 : i32 to vector<16xi32>
          %add3A_805 = arith.addi %get3A_740, %add3A_804 : vector<16xi32>
          %gather3A_806 = tpu.vector_load_idx %arg5[%add3A_805] : memref<63552xf32, #tpu.memory_space<vmem>>[vector<16xi32>], vector<16xf32>,
          %swap3A_807 = arith.constant 3 : i32
          %swap3A_808 = arith.constant 0 : i32
          %swap3A_809 = arith.index_cast %swap3A_807 : i32 to index
          %swap3A_810 = arith.index_cast %swap3A_808 : i32 to index
          %swap3A_811 = arith.index_cast %mul3A_736 : i32 to index
          %swap3A_812 = tpu.vector_load %arg9[%swap3A_809, %swap3A_810, %swap3A_811] {strides = array<i32>} : memref<16x1x1025xf32, #tpu.memory_space<vmem>>, vector<16xf32>,
          tpu.vector_store %arg9[%swap3A_809, %swap3A_810, %swap3A_811], %gather3A_756 {strides = array<i32>} : memref<16x1x1025xf32, #tpu.memory_space<vmem>>, vector<16xf32>,
          %add3A_813 = arith.constant 47664 : i32
          %add3A_814 = vector.broadcast %add3A_813 : i32 to vector<16xi32>
          %add3A_815 = arith.addi %get3A_740, %add3A_814 : vector<16xi32>
          %gather3A_816 = tpu.vector_load_idx %arg5[%add3A_815] : memref<63552xf32, #tpu.memory_space<vmem>>[vector<16xi32>], vector<16xf32>,
          %swap3A_817 = arith.constant 4 : i32
          %swap3A_818 = arith.constant 0 : i32
          %swap3A_819 = arith.index_cast %swap3A_817 : i32 to index
          %swap3A_820 = arith.index_cast %swap3A_818 : i32 to index
          %swap3A_821 = arith.index_cast %mul3A_736 : i32 to index
          %swap3A_822 = tpu.vector_load %arg9[%swap3A_819, %swap3A_820, %swap3A_821] {strides = array<i32>} : memref<16x1x1025xf32, #tpu.memory_space<vmem>>, vector<16xf32>,
          tpu.vector_store %arg9[%swap3A_819, %swap3A_820, %swap3A_821], %gather3A_760 {strides = array<i32>} : memref<16x1x1025xf32, #tpu.memory_space<vmem>>, vector<16xf32>,
          %add3A_823 = arith.constant 51636 : i32
          %add3A_824 = vector.broadcast %add3A_823 : i32 to vector<16xi32>
          %add3A_825 = arith.addi %get3A_740, %add3A_824 : vector<16xi32>
          %gather3A_826 = tpu.vector_load_idx %arg5[%add3A_825] : memref<63552xf32, #tpu.memory_space<vmem>>[vector<16xi32>], vector<16xf32>,
          %swap3A_827 = arith.constant 5 : i32
          %swap3A_828 = arith.constant 0 : i32
          %swap3A_829 = arith.index_cast %swap3A_827 : i32 to index
          %swap3A_830 = arith.index_cast %swap3A_828 : i32 to index
          %swap3A_831 = arith.index_cast %mul3A_736 : i32 to index
          %swap3A_832 = tpu.vector_load %arg9[%swap3A_829, %swap3A_830, %swap3A_831] {strides = array<i32>} : memref<16x1x1025xf32, #tpu.memory_space<vmem>>, vector<16xf32>,
          tpu.vector_store %arg9[%swap3A_829, %swap3A_830, %swap3A_831], %gather3A_764 {strides = array<i32>} : memref<16x1x1025xf32, #tpu.memory_space<vmem>>, vector<16xf32>,
          %add3A_833 = arith.constant 55608 : i32
          %add3A_834 = vector.broadcast %add3A_833 : i32 to vector<16xi32>
          %add3A_835 = arith.addi %get3A_740, %add3A_834 : vector<16xi32>
          %gather3A_836 = tpu.vector_load_idx %arg5[%add3A_835] : memref<63552xf32, #tpu.memory_space<vmem>>[vector<16xi32>], vector<16xf32>,
          %swap3A_837 = arith.constant 6 : i32
          %swap3A_838 = arith.constant 0 : i32
          %swap3A_839 = arith.index_cast %swap3A_837 : i32 to index
          %swap3A_840 = arith.index_cast %swap3A_838 : i32 to index
          %swap3A_841 = arith.index_cast %mul3A_736 : i32 to index
          %swap3A_842 = tpu.vector_load %arg9[%swap3A_839, %swap3A_840, %swap3A_841] {strides = array<i32>} : memref<16x1x1025xf32, #tpu.memory_space<vmem>>, vector<16xf32>,
          tpu.vector_store %arg9[%swap3A_839, %swap3A_840, %swap3A_841], %gather3A_768 {strides = array<i32>} : memref<16x1x1025xf32, #tpu.memory_space<vmem>>, vector<16xf32>,
          %add3A_843 = arith.constant 59580 : i32
          %add3A_844 = vector.broadcast %add3A_843 : i32 to vector<16xi32>
          %add3A_845 = arith.addi %get3A_740, %add3A_844 : vector<16xi32>
          %gather3A_846 = tpu.vector_load_idx %arg5[%add3A_845] : memref<63552xf32, #tpu.memory_space<vmem>>[vector<16xi32>], vector<16xf32>,
          %swap3A_847 = arith.constant 7 : i32
          %swap3A_848 = arith.constant 0 : i32
          %swap3A_849 = arith.index_cast %swap3A_847 : i32 to index
          %swap3A_850 = arith.index_cast %swap3A_848 : i32 to index
          %swap3A_851 = arith.index_cast %mul3A_736 : i32 to index
          %swap3A_852 = tpu.vector_load %arg9[%swap3A_849, %swap3A_850, %swap3A_851] {strides = array<i32>} : memref<16x1x1025xf32, #tpu.memory_space<vmem>>, vector<16xf32>,
          tpu.vector_store %arg9[%swap3A_849, %swap3A_850, %swap3A_851], %gather3A_772 {strides = array<i32>} : memref<16x1x1025xf32, #tpu.memory_space<vmem>>, vector<16xf32>,
          %swap3A_853 = arith.constant 8 : i32
          %swap3A_854 = arith.constant 0 : i32
          %swap3A_855 = arith.index_cast %swap3A_853 : i32 to index
          %swap3A_856 = arith.index_cast %swap3A_854 : i32 to index
          %swap3A_857 = arith.index_cast %mul3A_736 : i32 to index
          %swap3A_858 = tpu.vector_load %arg9[%swap3A_855, %swap3A_856, %swap3A_857] {strides = array<i32>} : memref<16x1x1025xf32, #tpu.memory_space<vmem>>, vector<16xf32>,
          tpu.vector_store %arg9[%swap3A_855, %swap3A_856, %swap3A_857], %gather3A_776 {strides = array<i32>} : memref<16x1x1025xf32, #tpu.memory_space<vmem>>, vector<16xf32>,
          %swap3A_859 = arith.constant 9 : i32
          %swap3A_860 = arith.constant 0 : i32
          %swap3A_861 = arith.index_cast %swap3A_859 : i32 to index
          %swap3A_862 = arith.index_cast %swap3A_860 : i32 to index
          %swap3A_863 = arith.index_cast %mul3A_736 : i32 to index
          %swap3A_864 = tpu.vector_load %arg9[%swap3A_861, %swap3A_862, %swap3A_863] {strides = array<i32>} : memref<16x1x1025xf32, #tpu.memory_space<vmem>>, vector<16xf32>,
          tpu.vector_store %arg9[%swap3A_861, %swap3A_862, %swap3A_863], %gather3A_786 {strides = array<i32>} : memref<16x1x1025xf32, #tpu.memory_space<vmem>>, vector<16xf32>,
          %swap3A_865 = arith.constant 10 : i32
          %swap3A_866 = arith.constant 0 : i32
          %swap3A_867 = arith.index_cast %swap3A_865 : i32 to index
          %swap3A_868 = arith.index_cast %swap3A_866 : i32 to index
          %swap3A_869 = arith.index_cast %mul3A_736 : i32 to index
          %swap3A_870 = tpu.vector_load %arg9[%swap3A_867, %swap3A_868, %swap3A_869] {strides = array<i32>} : memref<16x1x1025xf32, #tpu.memory_space<vmem>>, vector<16xf32>,
          tpu.vector_store %arg9[%swap3A_867, %swap3A_868, %swap3A_869], %gather3A_796 {strides = array<i32>} : memref<16x1x1025xf32, #tpu.memory_space<vmem>>, vector<16xf32>,
          %swap3A_871 = arith.constant 11 : i32
          %swap3A_872 = arith.constant 0 : i32
          %swap3A_873 = arith.index_cast %swap3A_871 : i32 to index
          %swap3A_874 = arith.index_cast %swap3A_872 : i32 to index
          %swap3A_875 = arith.index_cast %mul3A_736 : i32 to index
          %swap3A_876 = tpu.vector_load %arg9[%swap3A_873, %swap3A_874, %swap3A_875] {strides = array<i32>} : memref<16x1x1025xf32, #tpu.memory_space<vmem>>, vector<16xf32>,
          tpu.vector_store %arg9[%swap3A_873, %swap3A_874, %swap3A_875], %gather3A_806 {strides = array<i32>} : memref<16x1x1025xf32, #tpu.memory_space<vmem>>, vector<16xf32>,
          %swap3A_877 = arith.constant 12 : i32
          %swap3A_878 = arith.constant 0 : i32
          %swap3A_879 = arith.index_cast %swap3A_877 : i32 to index
          %swap3A_880 = arith.index_cast %swap3A_878 : i32 to index
          %swap3A_881 = arith.index_cast %mul3A_736 : i32 to index
          %swap3A_882 = tpu.vector_load %arg9[%swap3A_879, %swap3A_880, %swap3A_881] {strides = array<i32>} : memref<16x1x1025xf32, #tpu.memory_space<vmem>>, vector<16xf32>,
          tpu.vector_store %arg9[%swap3A_879, %swap3A_880, %swap3A_881], %gather3A_816 {strides = array<i32>} : memref<16x1x1025xf32, #tpu.memory_space<vmem>>, vector<16xf32>,
          %swap3A_883 = arith.constant 13 : i32
          %swap3A_884 = arith.constant 0 : i32
          %swap3A_885 = arith.index_cast %swap3A_883 : i32 to index
          %swap3A_886 = arith.index_cast %swap3A_884 : i32 to index
          %swap3A_887 = arith.index_cast %mul3A_736 : i32 to index
          %swap3A_888 = tpu.vector_load %arg9[%swap3A_885, %swap3A_886, %swap3A_887] {strides = array<i32>} : memref<16x1x1025xf32, #tpu.memory_space<vmem>>, vector<16xf32>,
          tpu.vector_store %arg9[%swap3A_885, %swap3A_886, %swap3A_887], %gather3A_826 {strides = array<i32>} : memref<16x1x1025xf32, #tpu.memory_space<vmem>>, vector<16xf32>,
          %swap3A_889 = arith.constant 14 : i32
          %swap3A_890 = arith.constant 0 : i32
          %swap3A_891 = arith.index_cast %swap3A_889 : i32 to index
          %swap3A_892 = arith.index_cast %swap3A_890 : i32 to index
          %swap3A_893 = arith.index_cast %mul3A_736 : i32 to index
          %swap3A_894 = tpu.vector_load %arg9[%swap3A_891, %swap3A_892, %swap3A_893] {strides = array<i32>} : memref<16x1x1025xf32, #tpu.memory_space<vmem>>, vector<16xf32>,
          tpu.vector_store %arg9[%swap3A_891, %swap3A_892, %swap3A_893], %gather3A_836 {strides = array<i32>} : memref<16x1x1025xf32, #tpu.memory_space<vmem>>, vector<16xf32>,
          %swap3A_895 = arith.constant 15 : i32
          %swap3A_896 = arith.constant 0 : i32
          %swap3A_897 = arith.index_cast %swap3A_895 : i32 to index
          %swap3A_898 = arith.index_cast %swap3A_896 : i32 to index
          %swap3A_899 = arith.index_cast %mul3A_736 : i32 to index
          %swap3A_900 = tpu.vector_load %arg9[%swap3A_897, %swap3A_898, %swap3A_899] {strides = array<i32>} : memref<16x1x1025xf32, #tpu.memory_space<vmem>>, vector<16xf32>,
          tpu.vector_store %arg9[%swap3A_897, %swap3A_898, %swap3A_899], %gather3A_846 {strides = array<i32>} : memref<16x1x1025xf32, #tpu.memory_space<vmem>>, vector<16xf32>,
        }
        %scan3A_62 = arith.constant 64 : i32
        %get3A = arith.constant 0 : i32
        %get3A_63 = arith.index_cast %get3A : i32 to index
        %get3A_64 = arith.constant 1009 : index
        %get3A_65 = tpu.vector_load %arg7[%get3A_63, %get3A_64] {strides = array<i32>} : memref<1x1025xi32, #tpu.memory_space<vmem>>, vector<16xi32>,
        %add3A_66 = arith.constant 0 : i32
        %add3A_67 = vector.broadcast %add3A_66 : i32 to vector<16xi32>
        %add3A_68 = arith.addi %get3A_65, %add3A_67 : vector<16xi32>
        %gather3A = tpu.vector_load_idx %arg5[%add3A_68] : memref<63552xf32, #tpu.memory_space<vmem>>[vector<16xi32>], vector<16xf32>,
        %add3A_69 = arith.constant 3972 : i32
        %add3A_70 = vector.broadcast %add3A_69 : i32 to vector<16xi32>
        %add3A_71 = arith.addi %get3A_65, %add3A_70 : vector<16xi32>
        %gather3A_72 = tpu.vector_load_idx %arg5[%add3A_71] : memref<63552xf32, #tpu.memory_space<vmem>>[vector<16xi32>], vector<16xf32>,
        %add3A_73 = arith.constant 7944 : i32
        %add3A_74 = vector.broadcast %add3A_73 : i32 to vector<16xi32>
        %add3A_75 = arith.addi %get3A_65, %add3A_74 : vector<16xi32>
        %gather3A_76 = tpu.vector_load_idx %arg5[%add3A_75] : memref<63552xf32, #tpu.memory_space<vmem>>[vector<16xi32>], vector<16xf32>,
        %add3A_77 = arith.constant 11916 : i32
        %add3A_78 = vector.broadcast %add3A_77 : i32 to vector<16xi32>
        %add3A_79 = arith.addi %get3A_65, %add3A_78 : vector<16xi32>
        %gather3A_80 = tpu.vector_load_idx %arg5[%add3A_79] : memref<63552xf32, #tpu.memory_space<vmem>>[vector<16xi32>], vector<16xf32>,
        %add3A_81 = arith.constant 15888 : i32
        %add3A_82 = vector.broadcast %add3A_81 : i32 to vector<16xi32>
        %add3A_83 = arith.addi %get3A_65, %add3A_82 : vector<16xi32>
        %gather3A_84 = tpu.vector_load_idx %arg5[%add3A_83] : memref<63552xf32, #tpu.memory_space<vmem>>[vector<16xi32>], vector<16xf32>,
        %add3A_85 = arith.constant 19860 : i32
        %add3A_86 = vector.broadcast %add3A_85 : i32 to vector<16xi32>
        %add3A_87 = arith.addi %get3A_65, %add3A_86 : vector<16xi32>
        %gather3A_88 = tpu.vector_load_idx %arg5[%add3A_87] : memref<63552xf32, #tpu.memory_space<vmem>>[vector<16xi32>], vector<16xf32>,
        %add3A_89 = arith.constant 23832 : i32
        %add3A_90 = vector.broadcast %add3A_89 : i32 to vector<16xi32>
        %add3A_91 = arith.addi %get3A_65, %add3A_90 : vector<16xi32>
        %gather3A_92 = tpu.vector_load_idx %arg5[%add3A_91] : memref<63552xf32, #tpu.memory_space<vmem>>[vector<16xi32>], vector<16xf32>,
        %add3A_93 = arith.constant 27804 : i32
        %add3A_94 = vector.broadcast %add3A_93 : i32 to vector<16xi32>
        %add3A_95 = arith.addi %get3A_65, %add3A_94 : vector<16xi32>
        %gather3A_96 = tpu.vector_load_idx %arg5[%add3A_95] : memref<63552xf32, #tpu.memory_space<vmem>>[vector<16xi32>], vector<16xf32>,
        %add3A_97 = arith.constant 31776 : i32
        %add3A_98 = vector.broadcast %add3A_97 : i32 to vector<16xi32>
        %add3A_99 = arith.addi %get3A_65, %add3A_98 : vector<16xi32>
        %gather3A_100 = tpu.vector_load_idx %arg5[%add3A_99] : memref<63552xf32, #tpu.memory_space<vmem>>[vector<16xi32>], vector<16xf32>,
        %swap3A = arith.constant 0 : i32
        %swap3A_101 = arith.constant 0 : i32
        %swap3A_102 = arith.index_cast %swap3A : i32 to index
        %swap3A_103 = arith.index_cast %swap3A_101 : i32 to index
        %swap3A_104 = arith.constant 1009 : index
        %swap3A_105 = tpu.vector_load %arg9[%swap3A_102, %swap3A_103, %swap3A_104] {strides = array<i32>} : memref<16x1x1025xf32, #tpu.memory_space<vmem>>, vector<16xf32>,
        tpu.vector_store %arg9[%swap3A_102, %swap3A_103, %swap3A_104], %gather3A {strides = array<i32>} : memref<16x1x1025xf32, #tpu.memory_space<vmem>>, vector<16xf32>,
        %add3A_106 = arith.constant 35748 : i32
        %add3A_107 = vector.broadcast %add3A_106 : i32 to vector<16xi32>
        %add3A_108 = arith.addi %get3A_65, %add3A_107 : vector<16xi32>
        %gather3A_109 = tpu.vector_load_idx %arg5[%add3A_108] : memref<63552xf32, #tpu.memory_space<vmem>>[vector<16xi32>], vector<16xf32>,
        %swap3A_110 = arith.constant 1 : i32
        %swap3A_111 = arith.constant 0 : i32
        %swap3A_112 = arith.index_cast %swap3A_110 : i32 to index
        %swap3A_113 = arith.index_cast %swap3A_111 : i32 to index
        %swap3A_114 = arith.constant 1009 : index
        %swap3A_115 = tpu.vector_load %arg9[%swap3A_112, %swap3A_113, %swap3A_114] {strides = array<i32>} : memref<16x1x1025xf32, #tpu.memory_space<vmem>>, vector<16xf32>,
        tpu.vector_store %arg9[%swap3A_112, %swap3A_113, %swap3A_114], %gather3A_72 {strides = array<i32>} : memref<16x1x1025xf32, #tpu.memory_space<vmem>>, vector<16xf32>,
        %add3A_116 = arith.constant 39720 : i32
        %add3A_117 = vector.broadcast %add3A_116 : i32 to vector<16xi32>
        %add3A_118 = arith.addi %get3A_65, %add3A_117 : vector<16xi32>
        %gather3A_119 = tpu.vector_load_idx %arg5[%add3A_118] : memref<63552xf32, #tpu.memory_space<vmem>>[vector<16xi32>], vector<16xf32>,
        %swap3A_120 = arith.constant 2 : i32
        %swap3A_121 = arith.constant 0 : i32
        %swap3A_122 = arith.index_cast %swap3A_120 : i32 to index
        %swap3A_123 = arith.index_cast %swap3A_121 : i32 to index
        %swap3A_124 = arith.constant 1009 : index
        %swap3A_125 = tpu.vector_load %arg9[%swap3A_122, %swap3A_123, %swap3A_124] {strides = array<i32>} : memref<16x1x1025xf32, #tpu.memory_space<vmem>>, vector<16xf32>,
        tpu.vector_store %arg9[%swap3A_122, %swap3A_123, %swap3A_124], %gather3A_76 {strides = array<i32>} : memref<16x1x1025xf32, #tpu.memory_space<vmem>>, vector<16xf32>,
        %add3A_126 = arith.constant 43692 : i32
        %add3A_127 = vector.broadcast %add3A_126 : i32 to vector<16xi32>
        %add3A_128 = arith.addi %get3A_65, %add3A_127 : vector<16xi32>
        %gather3A_129 = tpu.vector_load_idx %arg5[%add3A_128] : memref<63552xf32, #tpu.memory_space<vmem>>[vector<16xi32>], vector<16xf32>,
        %swap3A_130 = arith.constant 3 : i32
        %swap3A_131 = arith.constant 0 : i32
        %swap3A_132 = arith.index_cast %swap3A_130 : i32 to index
        %swap3A_133 = arith.index_cast %swap3A_131 : i32 to index
        %swap3A_134 = arith.constant 1009 : index
        %swap3A_135 = tpu.vector_load %arg9[%swap3A_132, %swap3A_133, %swap3A_134] {strides = array<i32>} : memref<16x1x1025xf32, #tpu.memory_space<vmem>>, vector<16xf32>,
        tpu.vector_store %arg9[%swap3A_132, %swap3A_133, %swap3A_134], %gather3A_80 {strides = array<i32>} : memref<16x1x1025xf32, #tpu.memory_space<vmem>>, vector<16xf32>,
        %add3A_136 = arith.constant 47664 : i32
        %add3A_137 = vector.broadcast %add3A_136 : i32 to vector<16xi32>
        %add3A_138 = arith.addi %get3A_65, %add3A_137 : vector<16xi32>
        %gather3A_139 = tpu.vector_load_idx %arg5[%add3A_138] : memref<63552xf32, #tpu.memory_space<vmem>>[vector<16xi32>], vector<16xf32>,
        %swap3A_140 = arith.constant 4 : i32
        %swap3A_141 = arith.constant 0 : i32
        %swap3A_142 = arith.index_cast %swap3A_140 : i32 to index
        %swap3A_143 = arith.index_cast %swap3A_141 : i32 to index
        %swap3A_144 = arith.constant 1009 : index
        %swap3A_145 = tpu.vector_load %arg9[%swap3A_142, %swap3A_143, %swap3A_144] {strides = array<i32>} : memref<16x1x1025xf32, #tpu.memory_space<vmem>>, vector<16xf32>,
        tpu.vector_store %arg9[%swap3A_142, %swap3A_143, %swap3A_144], %gather3A_84 {strides = array<i32>} : memref<16x1x1025xf32, #tpu.memory_space<vmem>>, vector<16xf32>,
        %add3A_146 = arith.constant 51636 : i32
        %add3A_147 = vector.broadcast %add3A_146 : i32 to vector<16xi32>
        %add3A_148 = arith.addi %get3A_65, %add3A_147 : vector<16xi32>
        %gather3A_149 = tpu.vector_load_idx %arg5[%add3A_148] : memref<63552xf32, #tpu.memory_space<vmem>>[vector<16xi32>], vector<16xf32>,
        %swap3A_150 = arith.constant 5 : i32
        %swap3A_151 = arith.constant 0 : i32
        %swap3A_152 = arith.index_cast %swap3A_150 : i32 to index
        %swap3A_153 = arith.index_cast %swap3A_151 : i32 to index
        %swap3A_154 = arith.constant 1009 : index
        %swap3A_155 = tpu.vector_load %arg9[%swap3A_152, %swap3A_153, %swap3A_154] {strides = array<i32>} : memref<16x1x1025xf32, #tpu.memory_space<vmem>>, vector<16xf32>,
        tpu.vector_store %arg9[%swap3A_152, %swap3A_153, %swap3A_154], %gather3A_88 {strides = array<i32>} : memref<16x1x1025xf32, #tpu.memory_space<vmem>>, vector<16xf32>,
        %add3A_156 = arith.constant 55608 : i32
        %add3A_157 = vector.broadcast %add3A_156 : i32 to vector<16xi32>
        %add3A_158 = arith.addi %get3A_65, %add3A_157 : vector<16xi32>
        %gather3A_159 = tpu.vector_load_idx %arg5[%add3A_158] : memref<63552xf32, #tpu.memory_space<vmem>>[vector<16xi32>], vector<16xf32>,
        %swap3A_160 = arith.constant 6 : i32
        %swap3A_161 = arith.constant 0 : i32
        %swap3A_162 = arith.index_cast %swap3A_160 : i32 to index
        %swap3A_163 = arith.index_cast %swap3A_161 : i32 to index
        %swap3A_164 = arith.constant 1009 : index
        %swap3A_165 = tpu.vector_load %arg9[%swap3A_162, %swap3A_163, %swap3A_164] {strides = array<i32>} : memref<16x1x1025xf32, #tpu.memory_space<vmem>>, vector<16xf32>,
        tpu.vector_store %arg9[%swap3A_162, %swap3A_163, %swap3A_164], %gather3A_92 {strides = array<i32>} : memref<16x1x1025xf32, #tpu.memory_space<vmem>>, vector<16xf32>,
        %add3A_166 = arith.constant 59580 : i32
        %add3A_167 = vector.broadcast %add3A_166 : i32 to vector<16xi32>
        %add3A_168 = arith.addi %get3A_65, %add3A_167 : vector<16xi32>
        %gather3A_169 = tpu.vector_load_idx %arg5[%add3A_168] : memref<63552xf32, #tpu.memory_space<vmem>>[vector<16xi32>], vector<16xf32>,
        %swap3A_170 = arith.constant 7 : i32
        %swap3A_171 = arith.constant 0 : i32
        %swap3A_172 = arith.index_cast %swap3A_170 : i32 to index
        %swap3A_173 = arith.index_cast %swap3A_171 : i32 to index
        %swap3A_174 = arith.constant 1009 : index
        %swap3A_175 = tpu.vector_load %arg9[%swap3A_172, %swap3A_173, %swap3A_174] {strides = array<i32>} : memref<16x1x1025xf32, #tpu.memory_space<vmem>>, vector<16xf32>,
        tpu.vector_store %arg9[%swap3A_172, %swap3A_173, %swap3A_174], %gather3A_96 {strides = array<i32>} : memref<16x1x1025xf32, #tpu.memory_space<vmem>>, vector<16xf32>,
        %swap3A_176 = arith.constant 8 : i32
        %swap3A_177 = arith.constant 0 : i32
        %swap3A_178 = arith.index_cast %swap3A_176 : i32 to index
        %swap3A_179 = arith.index_cast %swap3A_177 : i32 to index
        %swap3A_180 = arith.constant 1009 : index
        %swap3A_181 = tpu.vector_load %arg9[%swap3A_178, %swap3A_179, %swap3A_180] {strides = array<i32>} : memref<16x1x1025xf32, #tpu.memory_space<vmem>>, vector<16xf32>,
        tpu.vector_store %arg9[%swap3A_178, %swap3A_179, %swap3A_180], %gather3A_100 {strides = array<i32>} : memref<16x1x1025xf32, #tpu.memory_space<vmem>>, vector<16xf32>,
        %swap3A_182 = arith.constant 9 : i32
        %swap3A_183 = arith.constant 0 : i32
        %swap3A_184 = arith.index_cast %swap3A_182 : i32 to index
        %swap3A_185 = arith.index_cast %swap3A_183 : i32 to index
        %swap3A_186 = arith.constant 1009 : index
        %swap3A_187 = tpu.vector_load %arg9[%swap3A_184, %swap3A_185, %swap3A_186] {strides = array<i32>} : memref<16x1x1025xf32, #tpu.memory_space<vmem>>, vector<16xf32>,
        tpu.vector_store %arg9[%swap3A_184, %swap3A_185, %swap3A_186], %gather3A_109 {strides = array<i32>} : memref<16x1x1025xf32, #tpu.memory_space<vmem>>, vector<16xf32>,
        %swap3A_188 = arith.constant 10 : i32
        %swap3A_189 = arith.constant 0 : i32
        %swap3A_190 = arith.index_cast %swap3A_188 : i32 to index
        %swap3A_191 = arith.index_cast %swap3A_189 : i32 to index
        %swap3A_192 = arith.constant 1009 : index
        %swap3A_193 = tpu.vector_load %arg9[%swap3A_190, %swap3A_191, %swap3A_192] {strides = array<i32>} : memref<16x1x1025xf32, #tpu.memory_space<vmem>>, vector<16xf32>,
        tpu.vector_store %arg9[%swap3A_190, %swap3A_191, %swap3A_192], %gather3A_119 {strides = array<i32>} : memref<16x1x1025xf32, #tpu.memory_space<vmem>>, vector<16xf32>,
        %swap3A_194 = arith.constant 11 : i32
        %swap3A_195 = arith.constant 0 : i32
        %swap3A_196 = arith.index_cast %swap3A_194 : i32 to index
        %swap3A_197 = arith.index_cast %swap3A_195 : i32 to index
        %swap3A_198 = arith.constant 1009 : index
        %swap3A_199 = tpu.vector_load %arg9[%swap3A_196, %swap3A_197, %swap3A_198] {strides = array<i32>} : memref<16x1x1025xf32, #tpu.memory_space<vmem>>, vector<16xf32>,
        tpu.vector_store %arg9[%swap3A_196, %swap3A_197, %swap3A_198], %gather3A_129 {strides = array<i32>} : memref<16x1x1025xf32, #tpu.memory_space<vmem>>, vector<16xf32>,
        %swap3A_200 = arith.constant 12 : i32
        %swap3A_201 = arith.constant 0 : i32
        %swap3A_202 = arith.index_cast %swap3A_200 : i32 to index
        %swap3A_203 = arith.index_cast %swap3A_201 : i32 to index
        %swap3A_204 = arith.constant 1009 : index
        %swap3A_205 = tpu.vector_load %arg9[%swap3A_202, %swap3A_203, %swap3A_204] {strides = array<i32>} : memref<16x1x1025xf32, #tpu.memory_space<vmem>>, vector<16xf32>,
        tpu.vector_store %arg9[%swap3A_202, %swap3A_203, %swap3A_204], %gather3A_139 {strides = array<i32>} : memref<16x1x1025xf32, #tpu.memory_space<vmem>>, vector<16xf32>,
        %swap3A_206 = arith.constant 13 : i32
        %swap3A_207 = arith.constant 0 : i32
        %swap3A_208 = arith.index_cast %swap3A_206 : i32 to index
        %swap3A_209 = arith.index_cast %swap3A_207 : i32 to index
        %swap3A_210 = arith.constant 1009 : index
        %swap3A_211 = tpu.vector_load %arg9[%swap3A_208, %swap3A_209, %swap3A_210] {strides = array<i32>} : memref<16x1x1025xf32, #tpu.memory_space<vmem>>, vector<16xf32>,
        tpu.vector_store %arg9[%swap3A_208, %swap3A_209, %swap3A_210], %gather3A_149 {strides = array<i32>} : memref<16x1x1025xf32, #tpu.memory_space<vmem>>, vector<16xf32>,
        %swap3A_212 = arith.constant 14 : i32
        %swap3A_213 = arith.constant 0 : i32
        %swap3A_214 = arith.index_cast %swap3A_212 : i32 to index
        %swap3A_215 = arith.index_cast %swap3A_213 : i32 to index
        %swap3A_216 = arith.constant 1009 : index
        %swap3A_217 = tpu.vector_load %arg9[%swap3A_214, %swap3A_215, %swap3A_216] {strides = array<i32>} : memref<16x1x1025xf32, #tpu.memory_space<vmem>>, vector<16xf32>,
        tpu.vector_store %arg9[%swap3A_214, %swap3A_215, %swap3A_216], %gather3A_159 {strides = array<i32>} : memref<16x1x1025xf32, #tpu.memory_space<vmem>>, vector<16xf32>,
        %swap3A_218 = arith.constant 15 : i32
        %swap3A_219 = arith.constant 0 : i32
        %swap3A_220 = arith.index_cast %swap3A_218 : i32 to index
        %swap3A_221 = arith.index_cast %swap3A_219 : i32 to index
        %swap3A_222 = arith.constant 1009 : index
        %swap3A_223 = tpu.vector_load %arg9[%swap3A_220, %swap3A_221, %swap3A_222] {strides = array<i32>} : memref<16x1x1025xf32, #tpu.memory_space<vmem>>, vector<16xf32>,
        tpu.vector_store %arg9[%swap3A_220, %swap3A_221, %swap3A_222], %gather3A_169 {strides = array<i32>} : memref<16x1x1025xf32, #tpu.memory_space<vmem>>, vector<16xf32>,
        %dma_start3A_224 = arith.constant 0 : i32
        %dma_start3A_225 = arith.constant 0 : i32
        %dma_start3A_226 = tpu.memref_slice %arg4[%dma_start3A_224, %add3A_36, %dma_start3A_225] : memref<16x1025x1025xf32, #tpu.memory_space<hbm>> -> memref<16x1x1025xf32, #tpu.memory_space<hbm>>
        %dma_start3A_227 = arith.constant 0 : i32
        %dma_start3A_228 = arith.constant 0 : i32
        %dma_start3A_229 = tpu.memref_slice %arg4[%dma_start3A_227, %add3A_36, %dma_start3A_228] : memref<16x1025x1025xf32, #tpu.memory_space<hbm>> -> memref<16x1x1025xf32, #tpu.memory_space<hbm>>
        tpu.enqueue_dma source(%arg9 : memref<16x1x1025xf32, #tpu.memory_space<vmem>>) target(%dma_start3A_229 : memref<16x1x1025xf32, #tpu.memory_space<hbm>>) target_semaphore(%arg11 : memref<!tpu.dma_semaphore, #tpu.memory_space<semaphore_mem>>)
      } else {
      }
    }
    %scan3A_8 = arith.constant 17 : i32
    %dma_wait3A = arith.constant 0 : i32
    %dma_wait3A_9 = arith.constant 0 : i32
    %dma_wait3A_10 = tpu.memref_slice %arg4[%dma_wait3A, %add3A, %dma_wait3A_9] : memref<16x1025x1025xf32, #tpu.memory_space<hbm>> -> memref<16x1x1025xf32, #tpu.memory_space<hbm>>
    %dma_wait3A_11 = arith.constant 0 : i32
    %dma_wait3A_12 = arith.constant 0 : i32
    %dma_wait3A_13 = tpu.memref_slice %arg4[%dma_wait3A_11, %add3A, %dma_wait3A_12] : memref<16x1025x1025xf32, #tpu.memory_space<hbm>> -> memref<16x1x1025xf32, #tpu.memory_space<hbm>>
    tpu.wait_dma2 semaphore(%arg11 : memref<!tpu.dma_semaphore, #tpu.memory_space<semaphore_mem>>) src(%arg8 : memref<16x1x1025xf32, #tpu.memory_space<vmem>>) dst(%dma_wait3A_13 : memref<16x1x1025xf32, #tpu.memory_space<hbm>>)
    %dma_wait3A_14 = arith.constant 0 : i32
    %dma_wait3A_15 = arith.constant 0 : i32
    %dma_wait3A_16 = tpu.memref_slice %arg4[%dma_wait3A_14, %add3A, %dma_wait3A_15] : memref<16x1025x1025xf32, #tpu.memory_space<hbm>> -> memref<16x1x1025xf32, #tpu.memory_space<hbm>>
    %dma_wait3A_17 = arith.constant 0 : i32
    %dma_wait3A_18 = arith.constant 0 : i32
    %dma_wait3A_19 = tpu.memref_slice %arg4[%dma_wait3A_17, %add3A, %dma_wait3A_18] : memref<16x1025x1025xf32, #tpu.memory_space<hbm>> -> memref<16x1x1025xf32, #tpu.memory_space<hbm>>
    tpu.wait_dma2 semaphore(%arg11 : memref<!tpu.dma_semaphore, #tpu.memory_space<semaphore_mem>>) src(%arg9 : memref<16x1x1025xf32, #tpu.memory_space<vmem>>) dst(%dma_wait3A_19 : memref<16x1x1025xf32, #tpu.memory_space<hbm>>)
    return
  }
}

</mosaic_0001>

<sc_bundles>
// kernel: kernel.3.cloned.1.call-start
scs
__scs_entry_jumppad:
0x0: {  	(pc) =	sbr.rel $0x88, $3  }
0x1: {  	(tag) =	ssettag $0x0;
	lr =	simm.s32 $0x1  }
0x2: {  	[smem:$0x3F9F] =	sst lr;
	_ =	strace $0xD0000000  }
0x3: {  	_ = 	snop  }
0x4: {  	_ = 	snop  }
0x5: {  	_ = 	snop  }
0x6: {  	_ = 	snop  }
0x7: {  	_ = 	snop  }
__scs_overlays_trampoline_lowered:
0x8: {  	[smem:$0x3FAE] =	sst s0  }
0x9: {  	[smem:$0x3FAF] =	sst s1  }
0xa: {  	[smem:$0x3FB0] =	sst s2  }
0xb: {  	[smem:$0x3FB1] =	sst s3  }
0xc: {  	[smem:$0x3FB2] =	sst s4  }
0xd: {  	[smem:$0x3FB3] =	sst s5  }
0xe: {  	[smem:$0x3FB4] =	sst s6  }
0xf: {  	[smem:$0x3FB5] =	sst s7  }
0x10: {  	[smem:$0x3FB6] =	sst s8  }
0x11: {  	[smem:$0x3FB7] =	sst s9;
	s0 =	simm.s32 @!p0 $0x0  }
0x12: {  	s1 =	sld [smem:$0x3F9D];
	s0 =	simm.s32 @p0 $0x1  }
0x13: {  	[smem:$0x3FB8] =	sst s0;
	s0 =	simm.s32 @!p1 $0x0  }
0x14: {  	s2 =	sld [smem:$0x3F9C];
	s0 =	simm.s32 @p1 $0x1  }
0x15: {  	[smem:$0x3FB9] =	sst s0;
	s0 =	simm.s32 @!p2 $0x0  }
0x16: {  	s3 =	sld [smem:$0x3FDB];
	s0 =	simm.s32 @p2 $0x1  }
0x17: {  	s4 =	simm.s32 $0x1BF5;
	[smem:$0x3FBB] =	sst s0  }
0x18: {  	s0 =	sld [smem:$0x3F9E];
	_ =	swait.ge [sflag:s4], $0x0  }
0x19: {  	s7 =	sld [smem:$0x3F9F]  }
0x1a: {  	s8 =	sadd.s32 $0xFFFFE003, lr  }
0x1b: {  	s9 =	sadd.s32 $0xFFFFFEF7, lr;
	s5 =	simm.s32 $0xFFFFFFFF;
	p2 =	slt.u32 s8, $0xFFFFF086  }
0x1c: {  	p1 =	slt.u32 s9, $0xF7A;
	s5 =	simm.s32 @!p2 $0x0  }
0x1d: {  	s5 =	simm.s32 @p1 $0x1;
	p0 =	seq.s32 s7, s2  }
0x1e: {  	s7 =	smul.u32 @!p0 $0xF7A, s2;
	p2 =	seq.s32 @!p0 s5, $0x0  }
0x1f: {  	s9 =	smul.u32 $0xF7A, s1;
	s8 =	simm.s32 @!p0 $0x1BF5;
	p2 =	por !p2, p0  }
0x20: {  	[sflag:s8] =	ssyncset.s32 @!p0 $0xFFFFF086;
	s6 =	sadd.s32 @!p0 s3, s7;
	s7 =	simm.s32 @!p0 $0x108  }
0x21: {  	s3 =	sadd.s32 s3, s9;
	s6 =	sadd.s32 @!p0 $0x88, s6;
	s7 =	simm.s32 @p2 $0x1082  }
0x22: {  	[simem:s7], [sflag:s8] =	dma.local @!p0 [hbm:s6], $0xF7A  }
0x23: {  	s9 =	sor.u32 $0xD0000000, s2;
	s6 =	simm.s32 $0x108;
	_ =	swait.ge @!p0 [sflag:s8], $0x0  }
0x24: {  	s3 =	sadd.s32 $0x88, s3;
	s6 =	simm.s32 @!p1 $0x1082;
	[sflag:s4] =	ssyncset.s32 $0xFFFFF086  }
0x25: {  	[simem:s6], [sflag:s4] =	dma.local [hbm:s3], $0xF7A  }
0x26: {  	[smem:$0x3F9F] =	sst s1;
	(tag) =	ssettag s2;
	_ =	strace s9  }
0x27: {  	s1 =	sld [smem:$0x3FAF]  }
0x28: {  	s2 =	sld [smem:$0x3FB0]  }
0x29: {  	s4 =	sld [smem:$0x3FB2]  }
0x2a: {  	p0 =	seq.s32 s5, $0x0;
	s5 =	sld [smem:$0x3FB3]  }
0x2b: {  	s6 =	sld [smem:$0x3FB4]  }
0x2c: {  	s7 =	sld [smem:$0x3FB5]  }
0x2d: {  	s3 =	simm.s32 $0x108;
	s8 =	sld [smem:$0x3FB6]  }
0x2e: {  	s3 =	simm.s32 @!p0 $0x1082;
	s9 =	sld [smem:$0x3FB7]  }
0x2f: {  	lr =	sadd.s32 s0, s3;
	s0 =	sld [smem:$0x3FAE]  }
0x30: {  	s3 =	sld [smem:$0x3FB1]  }
0x31: {  	[smem:$0x3FBA] =	sst s10  }
0x32: {  	s10 =	sld [smem:$0x3FB8];
	_ =	sdelay $0x3  }
0x33: {  	p0 =	seq.s32 s10, $0x1;
	s10 =	sld [smem:$0x3FBA];
	_ =	sdelay $0x3  }
0x34: {  	[smem:$0x3FBA] =	sst s10  }
0x35: {  	s10 =	sld [smem:$0x3FB9];
	_ =	sdelay $0x3  }
0x36: {  	p1 =	seq.s32 s10, $0x1;
	s10 =	sld [smem:$0x3FBA];
	_ =	sdelay $0x3  }
0x37: {  	[smem:$0x3FBA] =	sst s10  }
0x38: {  	s10 =	sld [smem:$0x3FBB]  }
0x39: {  	_ = 	snop;
	(pc) =	sbr.ind lr, $3  }
0x3a: {  	_ = 	snop  }
0x3b: {  	_ = 	snop  }
0x3c: {  	p2 =	seq.s32 s10, $0x1;
	s10 =	sld [smem:$0x3FBA]  }
0x3d: {  	_ =	shalt  }
0x3e: {  	_ =	shalt  }
0x3f: {  	_ =	shalt  }
0x40: {  	_ =	shalt  }
0x41: {  	_ =	shalt  }
0x42: {  	_ =	shalt  }
0x43: {  	_ =	shalt  }
0x44: {  	_ =	shalt  }
0x45: {  	_ =	shalt  }
0x46: {  	_ =	shalt  }
0x47: {  	_ =	shalt  }
0x48: {  	_ =	shalt  }
0x49: {  	_ =	shalt  }
0x4a: {  	_ =	shalt  }
0x4b: {  	_ =	shalt  }
0x4c: {  	_ =	shalt  }
0x4d: {  	_ =	shalt  }
0x4e: {  	_ =	shalt  }
0x4f: {  	_ =	shalt  }
0x50: {  	_ =	shalt  }
0x51: {  	_ =	shalt  }
0x52: {  	_ =	shalt  }
0x53: {  	_ =	shalt  }
0x54: {  	_ =	shalt  }
0x55: {  	_ =	shalt  }
0x56: {  	_ =	shalt  }
0x57: {  	_ =	shalt  }
0x58: {  	_ =	shalt  }
0x59: {  	_ =	shalt  }
0x5a: {  	_ =	shalt  }
0x5b: {  	_ =	shalt  }
0x5c: {  	_ =	shalt  }
0x5d: {  	_ =	shalt  }
0x5e: {  	_ =	shalt  }
0x5f: {  	_ =	shalt  }
0x60: {  	_ =	shalt  }
0x61: {  	_ =	shalt  }
0x62: {  	_ =	shalt  }
0x63: {  	_ =	shalt  }
0x64: {  	_ =	shalt  }
0x65: {  	_ =	shalt  }
0x66: {  	_ =	shalt  }
0x67: {  	_ =	shalt  }
0x68: {  	_ =	shalt  }
0x69: {  	_ =	shalt  }
0x6a: {  	_ =	shalt  }
0x6b: {  	_ =	shalt  }
0x6c: {  	_ =	shalt  }
0x6d: {  	_ =	shalt  }
0x6e: {  	_ =	shalt  }
0x6f: {  	_ =	shalt  }
0x70: {  	_ =	shalt  }
0x71: {  	_ =	shalt  }
0x72: {  	_ =	shalt  }
0x73: {  	_ =	shalt  }
0x74: {  	_ =	shalt  }
0x75: {  	_ =	shalt  }
0x76: {  	_ =	shalt  }
0x77: {  	_ =	shalt  }
0x78: {  	_ =	shalt  }
0x79: {  	_ =	shalt  }
0x7a: {  	_ =	shalt  }
0x7b: {  	_ =	shalt  }
0x7c: {  	_ =	shalt  }
0x7d: {  	_ =	shalt  }
0x7e: {  	_ =	shalt  }
0x7f: {  	_ =	shalt  }
0x80: {  	_ =	shalt  }
0x81: {  	_ =	shalt  }
0x82: {  	_ =	shalt  }
0x83: {  	_ =	shalt  }
0x84: {  	_ =	shalt  }
0x85: {  	_ =	shalt  }
0x86: {  	_ =	shalt  }
0x87: {  	_ =	shalt  }
.Lfunc_end0:
.L_simem_size_0:
called_computation_lowered:
.L_overlay_start_0:
0x88: {  	s2 =	sld [smem:$0x3FD9]  }
0x89: {  	s3 =	sld [smem:$0x3FFE];
	_ =	sdelay $0x1  }
0x8a: {  	s1 =	srdreg.scid  }
0x8b: {  	s0 =	sand.u32 $0x1, s1  }
0x8c: {  	s17 =	sshll.u32 s0, $0xA;
	s2 =	sadd.s32 s3, s2  }
0x8d: {  	s2 =	sadd.s32 s2, s17  }
0x8e: {  	[smem:$0x3FC6] =	sst s2  }
0x8f: {  	_ = 	snop  }
0x90: {  	s2 =	sld [smem:$0x3FC8]  }
0x91: {  	s18 =	sld [smem:$0x3FD0];
	(tm) =	ssettm $0x1  }
0x92: {  	s4 =	sld [smem:$0x3FFB];
	_ =	sdelay $0x3  }
0x93: {  	_ =	strace s4  }
0x94: {  	s4 =	sld [smem:$0x3FFC];
	_ =	sdelay $0x3  }
0x95: {  	_ =	strace s4  }
0x96: {  	s4 =	sld [smem:$0x3FFD];
	_ =	sdelay $0x3  }
0x97: {  	_ =	strace s4  }
0x98: {  	_ =	strace $0x8FFFFFFF  }
0x99: {  	s19 =	sld [smem:$0x3FDB];
	_ =	sdelay $0x1  }
0x9a: {  	s5 =	simm.s32 $_scs_section_size  }
0x9b: {  	s6 =	simm.s32 $_size__tile_overlayer_lowered;
	s7 =	simm.s32 $_tile_overlayer_lowered  }
0x9c: {  	s22 =	simm.s32 $0x1BFF;
	s21 =	sshll.u32 s7, $0x1;
	s4 =	sadd.s32 s5, s19  }
0x9d: {  	s8 =	simm.s32 $0x0;
	s20 =	sshll.u32 s6, $0x1;
	s6 =	sadd.s32 s21, s4  }
0x9e: {  	[timem:s8], [sflag:s22] =	dma.local [hbm:s6], s20  }
0x9f: {  	_ =	swait.ge [sflag:s22], s20  }
0xa0: {  	s5 =	ssub.s32 $0x0, s20;
	[sflag:s22] =	ssyncset.done $0x0  }
0xa1: {  	[sflag:s22] =	ssyncadd.s32 s5;
	_ =	sdelay $0x1  }
0xa2: {  	s23 =	simm.s32 $0x1B8B  }
0xa3: {  	_ =	swait.ge [sflag:s23], $0x1  }
0xa4: {  	[sflag:s23] =	ssyncset.done $0x0  }
0xa5: {  	s25 =	simm.s32 $0x1B8E;
	s24 =	sld [smem:$0x3FFE];
	[sflag:s23] =	ssyncadd.s32 $0xFFFFFFFF  }
0xa6: {  	s26 =	simm.s32 $execute0_lowered;
	[smem:$0x3FD2] =	sst s25  }
0xa7: {  	s6 =	sshll.u32 s26, $0x1;
	_ =	strace $0x80000046;
	[dreg:$0x1] =	wrdreg $0xFFFFFFFF  }
0xa8: {  	s28 =	simm.s32 $_size_execute0_lowered;
	s4 =	sadd.s32 s4, s6;
	[dreg:$0x0] =	wrdreg $0x0  }
0xa9: {  	s6 =	sshll.u32 s28, $0x1;
	[dreg:$0x2] =	wrdreg s4  }
0xaa: {  	[dreg:$0x3] =	wrdreg s6  }
0xab: {  	[dreg:$0x4] =	wrdreg $0xC0  }
0xac: {  	_ =	task [dreg:s8], $0x5FFFF  }
0xad: {  	[dreg:$0x1] =	wrdreg $0xFFFFFFFF  }
0xae: {  	[dreg:$0x0] =	wrdreg $0x60  }
0xaf: {  	[dreg:$0x2] =	wrdreg s18  }
0xb0: {  	[dreg:$0x3] =	wrdreg s2  }
0xb1: {  	[dreg:$0x4] =	wrdreg s24  }
0xb2: {  	[dreg:$0x5] =	wrdreg $0x9  }
0xb3: {  	_ =	task.clear_ibuf [dreg:s8], $0x6FFFF;
	_ =	strace $0x90000046  }
0xb4: {  	s29 =	simm.s32 $0x9;
	_ =	strace $0x80000048  }
0xb5: {  	_ =	swait.ge [sflag:s29], $0x1  }
0xb6: {  	[sflag:s29] =	ssyncadd.s32 $0xFFFFFFFF  }
0xb7: {  	_ =	strace $0x90000048  }
0xb8: {  	_ =	sfence  }
0xb9: {  	s30 =	sld [smem:$0x0];
	_ =	sdelay $0x2  }
0xba: {  	s31 =	sshll.u32 s1, $0xD;
	s1 =	sshrl.u32 s1, $0x2  }
0xbb: {  	s3 =	sand.u32 $0x4000, s31;
	s1 =	sadd.s32 s1, s30  }
0xbc: {  	s0 =	sor.u32 s3, s0;
	s1 =	sshll.u32 s1, $0x11  }
0xbd: {  	s0 =	sor.u32 s1, s0  }
0xbe: {  	s0 =	sadd.s32 $0x8F2B, s0  }
0xbf: {  	[sflag:s0] =	ssyncadd.remote.s32 $0x1  }
0xc0: {  	_ =	sfence.sel $0xFFFF  }
0xc1: {  	[dreg:$0x0] =	wrdreg $0xFFFFFFFF;
	(pc) =	sbr.abs _section_cstart, $3  }
0xc2: {  	[dreg:$0x1] =	wrdreg $0xFFFFFFFF  }
0xc3: {  	_ =	task.clear_ibuf [dreg:s8], $0x2FFFF;
	_ =	strace $0x9FFFFFFF  }
0xc4: {  	(tm) =	ssettm $0x7FFFFFFF  }
0xc5: {  	_ =	shalt  }
tec
execute0_lowered:
.L_overlay_start_1:
0x0: {  	(tag) =	ssettag $0x1  }
0x1: {  	s0 =	srdreg.scid  }
0x2: {  	s3 =	stileid.u32;
	s4 =	rddreg [dreg:$0x1]  }
0x3: {  	s2 =	rddreg [dreg:$0x2];
	s5 =	simm.s32 $0x0;
	s0 =	sand.u32 $0x1, s0  }
0x4: {  	s1 =	sshll.u32 s3, $0x1;
	s28 =	sshrl.u32 s3, $0x2;
	[smem:$0x7FF] =	sst s5  }
0x5: {  	s2 =	sadd.s32 $0x400, s2;
	s30 =	sor.u32 s0, s1;
	s0 =	ssub.s32 $0x2, s0  }
0x6: {  	s1 =	smul.u32 $0x2400, s28;
	s29 =	sshll.u32 s30, $0x7;
	s31 =	sshrl.u32 s0, $0x1  }
.Ltmp0:
0x7: {  	s6 =	sand.u32 $0x380, s29;
	s0 =	ssub.s32 s0, s31;
	(pc) =	sbr.rel .LBB2_1-.Ltmp0, $4  }
0x8: {  	[dreg:$0x4] =	wrdreg s6;
	s1 =	sor.u32 s1, s6;
	s0 =	smax.u32 s0, $0x1  }
0x9: {  	_ =	strace $0x80000047;
	s1 =	sshrl.u32 s1, $0x3;
	[dreg:$0x5] =	wrdreg s2  }
0xa: {  	s11 =	simm.s32 $0x80;
	[dreg:$0x7] =	wrdreg s0;
	s1 =	sadd.s32 s4, s1  }
0xb: {  	s12 =	simm.s32 $0x400;
	s2 =	simm.s32 $0x0;
	[dreg:$0x6] =	wrdreg s1  }
.LBB2_10:
0xc: {  	s1 =	simm.s32 $0x2  }
0xd: {  	_ =	swait.ge [sflag:s1], $0x4800  }
0xe: {  	[sflag:s1] =	ssyncset.done $0x0  }
0xf: {  	[sflag:s1] =	ssyncadd.s32 $0xFFFFB800  }
0x10: {  	_ =	swait.ge [sflag:s1], $0x4800  }
0x11: {  	s2 =	rddreg [dreg:$0x8]  }
0x12: {  	s0 =	rddreg [dreg:$0x7];
	s2 =	sadd.s32 $0x1, s2  }
0x13: {  	p0 =	sne.s32 s2, s0  }
.Ltmp1:
0x14: {  	_ = 	snop;
	(pc) =	sbr.rel @!p0 .LBB2_11-.Ltmp1, $3  }
0x15: {  	_ =	sdelay $0x1  }
0x16: {  	[sflag:s1] =	ssyncset.done $0x0  }
0x17: {  	[sflag:s1] =	ssyncadd.s32 $0xFFFFB800  }
.LBB2_1:
0x18: {  	s0 =	rddreg [dreg:$0x0]  }
0x19: {  	[tilespmem:s5], [sflag:$0x3] =	stream.linear.gather [hbm4b:s0+s5], $0xF880, $0x38;
	[tilespmem:$0x19180] =	vst v63  }
.Ltmp2:
0x1a: {  	[dreg:$0x8] =	wrdreg s2;
	s29 =	simm.s32 $0x3;
	(pc) =	sbr.rel .LBB2_2-.Ltmp2, $4  }
0x1b: {  	_ =	swait.ge [sflag:s29], $0xF880  }
0x1c: {  	s1 =	simm.s32 $0xF880;
	[sflag:s29] =	ssyncset.done $0x0  }
0x1d: {  	s13 =	simm.s32 $0x0;
	s31 =	rddreg [dreg:$0x6];
	[sflag:s29] =	ssyncadd.s32 $0xFFFF0780  }
0x1e: {  	[tilespmem:s1], [sflag:$0x1] =	stream.strided.gather [hbm4b:s31+s11], $0x480, s12, s11, $0x38;
	[tilespmem:$0x19180] =	vst v63  }
.LBB2_9:
0x1f: {  	s13 =	sadd.s32 $0x1, s13  }
0x20: {  	p0 =	sne.s32 s13, $0x11  }
.Ltmp3:
0x21: {  	_ = 	snop;
	(pc) =	sbr.rel @!p0 .LBB2_10-.Ltmp3, $1  }
0x22: {  	_ =	sdelay $0x3  }
.LBB2_2:
0x23: {  	s0 =	sshll.u32 s13, $0x6  }
0x24: {  	s9 =	sor.u32 s30, s0  }
0x25: {  	p0 =	sgt.u32 s9, $0x400  }
.Ltmp4:
0x26: {  	_ = 	snop;
	(pc) =	sbr.rel @p0 .LBB2_9-.Ltmp4, $1  }
0x27: {  	_ =	sdelay $0x3  }
0x28: {  	s8 =	sor.u32 $0x20, s9  }
0x29: {  	p1 =	sgt.u32 s8, $0x400  }
0x2a: {  	s1 =	simm.s32 $0x1;
	s0 =	sshrl.u32 @!p1 s8, $0x3  }
0x2b: {  	_ =	swait.ge [sflag:s1], $0x480;
	s0 =	smul.u32 @!p1 $0x2400, s0  }
0x2c: {  	p0 =	seq.s32 s13, $0x0;
	s4 =	rddreg [dreg:$0x4];
	[sflag:s1] =	ssyncset.done $0x0  }
0x2d: {  	s31 =	sshrl.u32 s9, $0x3;
	[sflag:s1] =	ssyncadd.s32 $0xFFFFFB80;
	s0 =	sor.u32 @!p1 s4, s0  }
0x2e: {  	s2 =	simm.s32 @!p1 $0x400;
	s1 =	rddreg [dreg:$0x1];
	s0 =	sshrl.u32 @!p1 s0, $0x3  }
0x2f: {  	s3 =	simm.s32 @!p1 $0xFD00;
	s0 =	sadd.s32 @!p1 s1, s0;
	s1 =	simm.s32 @!p1 $0x80  }
0x30: {  	[tilespmem:s3], [sflag:$0x1] =	stream.strided.gather @!p1 [hbm4b:s0+s1], $0x480, s2, s1, $0x38;
	[tilespmem:$0x19180] =	vst v63  }
0x31: {  	s1 =	simm.s32 @!p0 $0x2;
	s0 =	smul.u32 $0x2400, s31  }
0x32: {  	s6 =	smov.u32 s30;
	s15 =	simm.s32 $0x0;
	_ =	swait.ge @!p0 [sflag:s1], $0x4800  }
0x33: {  	s2 =	simm.s32 $0xFFFFFFFC;
	[sflag:s1] =	ssyncset.done @!p0 $0x0;
	s10 =	sor.u32 s4, s0  }
0x34: {  	s0 =	simm.s32 $0xF880;
	[sflag:s1] =	ssyncadd.s32 @!p0 $0xFFFFB800;
	s1 =	simm.s32 $0x10180  }
.LBB2_4:
0x35: {  	v0 =	vld [tilespmem:s0+$0x0];
	_ =	sdelay $0x4  }
0x36: {  	v1 =	vadd.s32 $0xF84, v0  }
0x37: {  	v2 =	vadd.s32 $0x1F08, v0  }
0x38: {  	v3 =	vadd.s32 $0x2E8C, v0  }
0x39: {  	v4 =	vadd.s32 $0x3E10, v0  }
0x3a: {  	v6 =	vadd.s32 $0x4D94, v0;
	v5 =	vld.idx.msk [tilespmem:v0+s5+$0x0], $0xffff  }
0x3b: {  	v7 =	vadd.s32 $0x5D18, v0;
	v1 =	vld.idx.msk [tilespmem:v1+s5+$0x0], $0xffff  }
0x3c: {  	v8 =	vadd.s32 $0x6C9C, v0;
	v2 =	vld.idx.msk [tilespmem:v2+s5+$0x0], $0xffff  }
0x3d: {  	v9 =	vadd.s32 $0x7C20, v0;
	v3 =	vld.idx.msk [tilespmem:v3+s5+$0x0], $0xffff  }
0x3e: {  	v10 =	vadd.s32 $0x8BA4, v0;
	v4 =	vld.idx.msk [tilespmem:v4+s5+$0x0], $0xffff  }
0x3f: {  	v11 =	vadd.s32 $0x9B28, v0;
	v6 =	vld.idx.msk [tilespmem:v6+s5+$0x0], $0xffff  }
0x40: {  	s3 =	sand.u32 $0x380, s15;
	v18 =	vadd.s32 $0xAAAC, v0;
	v7 =	vld.idx.msk [tilespmem:v7+s5+$0x0], $0xffff  }
0x41: {  	s7 =	sand.u32 $0x40, s15;
	s16 =	sadd.s32 $0x10600, s3;
	v19 =	vadd.s32 $0xBA30, v0;
	v8 =	vld.idx.msk [tilespmem:v8+s5+$0x0], $0xffff  }
0x42: {  	s17 =	sadd.s32 $0x10A80, s3;
	s4 =	sor.u32 s7, s16;
	v20 =	vadd.s32 $0xC9B4, v0;
	v9 =	vld.idx.msk [tilespmem:v9+s5+$0x0], $0xffff;
	[tilespmem:s1+$0x0] =	vst v5  }
0x43: {  	s18 =	sadd.s32 $0x10F00, s3;
	s19 =	sor.u32 s7, s17;
	v21 =	vadd.s32 $0xD938, v0;
	v10 =	vld.idx.msk [tilespmem:v10+s5+$0x0], $0xffff;
	[tilespmem:s4+$0x0] =	vst v1  }
0x44: {  	s20 =	sor.u32 s7, s18;
	v0 =	vadd.s32 $0xE8BC, v0;
	v11 =	vld.idx.msk [tilespmem:v11+s5+$0x0], $0xffff;
	[tilespmem:s19+$0x0] =	vst v2;
	s19 =	sadd.s32 $0x11380, s3  }
0x45: {  	v5 =	vld.idx.msk [tilespmem:v18+s5+$0x0], $0xffff;
	[tilespmem:s20+$0x0] =	vst v3;
	s21 =	sor.u32 s7, s19;
	s20 =	sor.u32 $0x11800, s3  }
0x46: {  	v1 =	vld.idx.msk [tilespmem:v19+s5+$0x0], $0xffff;
	[tilespmem:s21+$0x0] =	vst v4;
	s22 =	sor.u32 s7, s20;
	s21 =	sadd.s32 $0x11C80, s3  }
0x47: {  	v2 =	vld.idx.msk [tilespmem:v20+s5+$0x0], $0xffff;
	[tilespmem:s22+$0x0] =	vst v6;
	s23 =	sor.u32 s7, s21;
	s22 =	sadd.s32 $0x12100, s3  }
0x48: {  	v3 =	vld.idx.msk [tilespmem:v21+s5+$0x0], $0xffff;
	[tilespmem:s23+$0x0] =	vst v7;
	s24 =	sor.u32 s7, s22;
	s23 =	sadd.s32 $0x12580, s3  }
0x49: {  	v0 =	vld.idx.msk [tilespmem:v0+s5+$0x0], $0xffff;
	[tilespmem:s24+$0x0] =	vst v8;
	s25 =	sor.u32 s7, s23;
	s24 =	sadd.s32 $0x12A00, s3  }
0x4a: {  	[tilespmem:s25+$0x0] =	vst v9;
	s26 =	sor.u32 s7, s24;
	s25 =	sadd.s32 $0x12E80, s3  }
0x4b: {  	[tilespmem:s26+$0x0] =	vst v10;
	s28 =	sor.u32 s7, s25;
	s26 =	sadd.s32 $0x13300, s3  }
0x4c: {  	[tilespmem:s28+$0x0] =	vst v11;
	s29 =	sor.u32 s7, s26;
	s28 =	sadd.s32 $0x13780, s3  }
0x4d: {  	[tilespmem:s29+$0x0] =	vst v5;
	s30 =	sor.u32 s7, s28;
	s29 =	sor.u32 $0x13C00, s3  }
0x4e: {  	[tilespmem:s30+$0x0] =	vst v1;
	s31 =	sor.u32 s7, s29;
	s30 =	sadd.s32 $0x14080, s3  }
0x4f: {  	[tilespmem:s31+$0x0] =	vst v2;
	s14 =	sor.u32 s7, s30;
	s31 =	sadd.s32 $0x14500, s3  }
0x50: {  	s4 =	sor.u32 $0x10, s7;
	[tilespmem:s14+$0x0] =	vst v3;
	s14 =	sor.u32 s7, s31  }
0x51: {  	[tilespmem:s14+$0x0] =	vst v0;
	s14 =	sor.u32 s3, s4  }
0x52: {  	v0 =	vld [tilespmem:s14+$0xF880];
	_ =	sdelay $0x4  }
0x53: {  	v22 =	vadd.s32 $0xF84, v0  }
0x54: {  	v23 =	vadd.s32 $0x1F08, v0  }
0x55: {  	v24 =	vadd.s32 $0x2E8C, v0  }
0x56: {  	v25 =	vadd.s32 $0x3E10, v0  }
0x57: {  	v26 =	vadd.s32 $0x4D94, v0;
	v5 =	vld.idx.msk [tilespmem:v0+s5+$0x0], $0xffff  }
0x58: {  	v27 =	vadd.s32 $0x5D18, v0;
	v1 =	vld.idx.msk [tilespmem:v22+s5+$0x0], $0xffff  }
0x59: {  	v28 =	vadd.s32 $0x6C9C, v0;
	v2 =	vld.idx.msk [tilespmem:v23+s5+$0x0], $0xffff  }
0x5a: {  	v29 =	vadd.s32 $0x7C20, v0;
	v3 =	vld.idx.msk [tilespmem:v24+s5+$0x0], $0xffff  }
0x5b: {  	v30 =	vadd.s32 $0x8BA4, v0;
	v4 =	vld.idx.msk [tilespmem:v25+s5+$0x0], $0xffff  }
0x5c: {  	v31 =	vadd.s32 $0x9B28, v0;
	v6 =	vld.idx.msk [tilespmem:v26+s5+$0x0], $0xffff  }
0x5d: {  	v32 =	vadd.s32 $0xAAAC, v0;
	v7 =	vld.idx.msk [tilespmem:v27+s5+$0x0], $0xffff  }
0x5e: {  	v33 =	vadd.s32 $0xBA30, v0;
	v8 =	vld.idx.msk [tilespmem:v28+s5+$0x0], $0xffff  }
0x5f: {  	v34 =	vadd.s32 $0xC9B4, v0;
	v9 =	vld.idx.msk [tilespmem:v29+s5+$0x0], $0xffff;
	[tilespmem:s14+$0x10180] =	vst v5;
	s14 =	sor.u32 s4, s16  }
0x60: {  	v35 =	vadd.s32 $0xD938, v0;
	v10 =	vld.idx.msk [tilespmem:v30+s5+$0x0], $0xffff;
	[tilespmem:s14+$0x0] =	vst v1;
	s14 =	sor.u32 s4, s17  }
0x61: {  	v0 =	vadd.s32 $0xE8BC, v0;
	v11 =	vld.idx.msk [tilespmem:v31+s5+$0x0], $0xffff;
	[tilespmem:s14+$0x0] =	vst v2;
	s14 =	sor.u32 s4, s18  }
0x62: {  	v5 =	vld.idx.msk [tilespmem:v32+s5+$0x0], $0xffff;
	[tilespmem:s14+$0x0] =	vst v3;
	s14 =	sor.u32 s4, s19  }
0x63: {  	v1 =	vld.idx.msk [tilespmem:v33+s5+$0x0], $0xffff;
	[tilespmem:s14+$0x0] =	vst v4;
	s14 =	sor.u32 s4, s20  }
0x64: {  	v2 =	vld.idx.msk [tilespmem:v34+s5+$0x0], $0xffff;
	[tilespmem:s14+$0x0] =	vst v6;
	s14 =	sor.u32 s4, s21  }
0x65: {  	v3 =	vld.idx.msk [tilespmem:v35+s5+$0x0], $0xffff;
	[tilespmem:s14+$0x0] =	vst v7;
	s14 =	sor.u32 s4, s22  }
0x66: {  	v0 =	vld.idx.msk [tilespmem:v0+s5+$0x0], $0xffff;
	[tilespmem:s14+$0x0] =	vst v8;
	s14 =	sor.u32 s4, s23  }
0x67: {  	[tilespmem:s14+$0x0] =	vst v9;
	s14 =	sor.u32 s4, s24  }
0x68: {  	[tilespmem:s14+$0x0] =	vst v10;
	s14 =	sor.u32 s4, s25  }
0x69: {  	[tilespmem:s14+$0x0] =	vst v11;
	s14 =	sor.u32 s4, s26  }
0x6a: {  	[tilespmem:s14+$0x0] =	vst v5;
	s14 =	sor.u32 s4, s28  }
0x6b: {  	[tilespmem:s14+$0x0] =	vst v1;
	s14 =	sor.u32 s4, s29  }
0x6c: {  	[tilespmem:s14+$0x0] =	vst v2;
	s14 =	sor.u32 s4, s30  }
0x6d: {  	[tilespmem:s14+$0x0] =	vst v3;
	s14 =	sor.u32 s4, s31;
	s4 =	sor.u32 $0x20, s7  }
0x6e: {  	[tilespmem:s14+$0x0] =	vst v0;
	s14 =	sor.u32 s3, s4  }
0x6f: {  	v0 =	vld [tilespmem:s14+$0xF880];
	_ =	sdelay $0x4  }
0x70: {  	v36 =	vadd.s32 $0xF84, v0  }
0x71: {  	v37 =	vadd.s32 $0x1F08, v0  }
0x72: {  	v38 =	vadd.s32 $0x2E8C, v0  }
0x73: {  	v39 =	vadd.s32 $0x3E10, v0  }
0x74: {  	v40 =	vadd.s32 $0x4D94, v0;
	v5 =	vld.idx.msk [tilespmem:v0+s5+$0x0], $0xffff  }
0x75: {  	v41 =	vadd.s32 $0x5D18, v0;
	v1 =	vld.idx.msk [tilespmem:v36+s5+$0x0], $0xffff  }
0x76: {  	v42 =	vadd.s32 $0x6C9C, v0;
	v2 =	vld.idx.msk [tilespmem:v37+s5+$0x0], $0xffff  }
0x77: {  	v43 =	vadd.s32 $0x7C20, v0;
	v3 =	vld.idx.msk [tilespmem:v38+s5+$0x0], $0xffff  }
0x78: {  	v44 =	vadd.s32 $0x8BA4, v0;
	v4 =	vld.idx.msk [tilespmem:v39+s5+$0x0], $0xffff  }
0x79: {  	v45 =	vadd.s32 $0x9B28, v0;
	v6 =	vld.idx.msk [tilespmem:v40+s5+$0x0], $0xffff  }
0x7a: {  	v46 =	vadd.s32 $0xAAAC, v0;
	v7 =	vld.idx.msk [tilespmem:v41+s5+$0x0], $0xffff  }
0x7b: {  	v47 =	vadd.s32 $0xBA30, v0;
	v8 =	vld.idx.msk [tilespmem:v42+s5+$0x0], $0xffff  }
0x7c: {  	v48 =	vadd.s32 $0xC9B4, v0;
	v9 =	vld.idx.msk [tilespmem:v43+s5+$0x0], $0xffff;
	[tilespmem:s14+$0x10180] =	vst v5;
	s14 =	sor.u32 s4, s16  }
0x7d: {  	v49 =	vadd.s32 $0xD938, v0;
	v10 =	vld.idx.msk [tilespmem:v44+s5+$0x0], $0xffff;
	[tilespmem:s14+$0x0] =	vst v1;
	s14 =	sor.u32 s4, s17  }
0x7e: {  	v0 =	vadd.s32 $0xE8BC, v0;
	v11 =	vld.idx.msk [tilespmem:v45+s5+$0x0], $0xffff;
	[tilespmem:s14+$0x0] =	vst v2;
	s14 =	sor.u32 s4, s18  }
0x7f: {  	v5 =	vld.idx.msk [tilespmem:v46+s5+$0x0], $0xffff;
	[tilespmem:s14+$0x0] =	vst v3;
	s14 =	sor.u32 s4, s19  }
0x80: {  	v1 =	vld.idx.msk [tilespmem:v47+s5+$0x0], $0xffff;
	[tilespmem:s14+$0x0] =	vst v4;
	s14 =	sor.u32 s4, s20  }
0x81: {  	v2 =	vld.idx.msk [tilespmem:v48+s5+$0x0], $0xffff;
	[tilespmem:s14+$0x0] =	vst v6;
	s14 =	sor.u32 s4, s21  }
0x82: {  	v3 =	vld.idx.msk [tilespmem:v49+s5+$0x0], $0xffff;
	[tilespmem:s14+$0x0] =	vst v7;
	s14 =	sor.u32 s4, s22  }
0x83: {  	v0 =	vld.idx.msk [tilespmem:v0+s5+$0x0], $0xffff;
	[tilespmem:s14+$0x0] =	vst v8;
	s14 =	sor.u32 s4, s23  }
0x84: {  	[tilespmem:s14+$0x0] =	vst v9;
	s14 =	sor.u32 s4, s24  }
0x85: {  	[tilespmem:s14+$0x0] =	vst v10;
	s14 =	sor.u32 s4, s25  }
0x86: {  	[tilespmem:s14+$0x0] =	vst v11;
	s14 =	sor.u32 s4, s26  }
0x87: {  	[tilespmem:s14+$0x0] =	vst v5;
	s14 =	sor.u32 s4, s28  }
0x88: {  	[tilespmem:s14+$0x0] =	vst v1;
	s14 =	sor.u32 s4, s29  }
0x89: {  	[tilespmem:s14+$0x0] =	vst v2;
	s14 =	sor.u32 s4, s30  }
0x8a: {  	s7 =	sor.u32 $0x30, s7;
	s4 =	sor.u32 s4, s31;
	[tilespmem:s14+$0x0] =	vst v3  }
0x8b: {  	s3 =	sor.u32 s3, s7;
	[tilespmem:s4+$0x0] =	vst v0  }
0x8c: {  	v0 =	vld [tilespmem:s3+$0xF880];
	_ =	sdelay $0x4  }
0x8d: {  	v50 =	vadd.s32 $0xF84, v0  }
0x8e: {  	v51 =	vadd.s32 $0x1F08, v0  }
0x8f: {  	v52 =	vadd.s32 $0x2E8C, v0  }
0x90: {  	v53 =	vadd.s32 $0x3E10, v0  }
0x91: {  	v54 =	vadd.s32 $0x4D94, v0;
	v5 =	vld.idx.msk [tilespmem:v0+s5+$0x0], $0xffff  }
0x92: {  	v55 =	vadd.s32 $0x5D18, v0;
	v1 =	vld.idx.msk [tilespmem:v50+s5+$0x0], $0xffff  }
0x93: {  	v56 =	vadd.s32 $0x6C9C, v0;
	v2 =	vld.idx.msk [tilespmem:v51+s5+$0x0], $0xffff  }
0x94: {  	v57 =	vadd.s32 $0x7C20, v0;
	v3 =	vld.idx.msk [tilespmem:v52+s5+$0x0], $0xffff  }
0x95: {  	v58 =	vadd.s32 $0x8BA4, v0;
	v4 =	vld.idx.msk [tilespmem:v53+s5+$0x0], $0xffff  }
0x96: {  	v59 =	vadd.s32 $0x9B28, v0;
	v6 =	vld.idx.msk [tilespmem:v54+s5+$0x0], $0xffff  }
0x97: {  	v60 =	vadd.s32 $0xAAAC, v0;
	v7 =	vld.idx.msk [tilespmem:v55+s5+$0x0], $0xffff  }
0x98: {  	v61 =	vadd.s32 $0xBA30, v0;
	v8 =	vld.idx.msk [tilespmem:v56+s5+$0x0], $0xffff  }
0x99: {  	s16 =	sor.u32 s7, s16;
	v62 =	vadd.s32 $0xC9B4, v0;
	v9 =	vld.idx.msk [tilespmem:v57+s5+$0x0], $0xffff;
	[tilespmem:s3+$0x10180] =	vst v5  }
0x9a: {  	s17 =	sor.u32 s7, s17;
	v63 =	vadd.s32 $0xD938, v0;
	v10 =	vld.idx.msk [tilespmem:v58+s5+$0x0], $0xffff;
	[tilespmem:s16+$0x0] =	vst v1  }
0x9b: {  	s18 =	sor.u32 s7, s18;
	v0 =	vadd.s32 $0xE8BC, v0;
	v11 =	vld.idx.msk [tilespmem:v59+s5+$0x0], $0xffff;
	[tilespmem:s17+$0x0] =	vst v2  }
0x9c: {  	s19 =	sor.u32 s7, s19;
	v5 =	vld.idx.msk [tilespmem:v60+s5+$0x0], $0xffff;
	[tilespmem:s18+$0x0] =	vst v3  }
0x9d: {  	s20 =	sor.u32 s7, s20;
	v1 =	vld.idx.msk [tilespmem:v61+s5+$0x0], $0xffff;
	[tilespmem:s19+$0x0] =	vst v4  }
0x9e: {  	s21 =	sor.u32 s7, s21;
	v2 =	vld.idx.msk [tilespmem:v62+s5+$0x0], $0xffff;
	[tilespmem:s20+$0x0] =	vst v6  }
0x9f: {  	s22 =	sor.u32 s7, s22;
	v3 =	vld.idx.msk [tilespmem:v63+s5+$0x0], $0xffff;
	[tilespmem:s21+$0x0] =	vst v7  }
0xa0: {  	s23 =	sor.u32 s7, s23;
	v0 =	vld.idx.msk [tilespmem:v0+s5+$0x0], $0xffff;
	[tilespmem:s22+$0x0] =	vst v8  }
0xa1: {  	s24 =	sor.u32 s7, s24;
	[tilespmem:s23+$0x0] =	vst v9  }
0xa2: {  	s2 =	sadd.s32 $0x4, s2;
	s25 =	sor.u32 s7, s25;
	[tilespmem:s24+$0x0] =	vst v10  }
0xa3: {  	p2 =	slt.u32 s2, $0x3C;
	s26 =	sor.u32 s7, s26;
	[tilespmem:s25+$0x0] =	vst v11  }
.Ltmp5:
0xa4: {  	s28 =	sor.u32 s7, s28;
	[tilespmem:s26+$0x0] =	vst v5;
	(pc) =	sbr.rel @p2 .LBB2_4-.Ltmp5, $4  }
0xa5: {  	s29 =	sor.u32 s7, s29;
	[tilespmem:s28+$0x0] =	vst v1  }
0xa6: {  	s30 =	sor.u32 s7, s30;
	[tilespmem:s29+$0x0] =	vst v2  }
0xa7: {  	s31 =	sor.u32 s7, s31;
	[tilespmem:s30+$0x0] =	vst v3  }
0xa8: {  	s0 =	sadd.s32 $0x40, s0;
	s15 =	sadd.s32 $0x40, s15;
	s1 =	sadd.s32 $0x40, s1;
	[tilespmem:s31+$0x0] =	vst v0  }
0xa9: {  	v0 =	vld [tilespmem:$0xFC71];
	_ =	sdelay $0x4  }
0xaa: {  	v1 =	vadd.s32 $0xF84, v0  }
0xab: {  	v2 =	vadd.s32 $0x1F08, v0  }
0xac: {  	v3 =	vadd.s32 $0x2E8C, v0  }
0xad: {  	v4 =	vadd.s32 $0x3E10, v0  }
0xae: {  	v6 =	vadd.s32 $0x4D94, v0;
	v5 =	vld.idx.msk [tilespmem:v0+s5+$0x0], $0xffff  }
0xaf: {  	v7 =	vadd.s32 $0x5D18, v0;
	v1 =	vld.idx.msk [tilespmem:v1+s5+$0x0], $0xffff  }
0xb0: {  	v8 =	vadd.s32 $0x6C9C, v0;
	v2 =	vld.idx.msk [tilespmem:v2+s5+$0x0], $0xffff  }
0xb1: {  	v9 =	vadd.s32 $0x7C20, v0;
	v3 =	vld.idx.msk [tilespmem:v3+s5+$0x0], $0xffff  }
0xb2: {  	v10 =	vadd.s32 $0x8BA4, v0;
	v4 =	vld.idx.msk [tilespmem:v4+s5+$0x0], $0xffff  }
0xb3: {  	v11 =	vadd.s32 $0x9B28, v0;
	v6 =	vld.idx.msk [tilespmem:v6+s5+$0x0], $0xffff  }
0xb4: {  	v60 =	vadd.s32 $0xAAAC, v0;
	v7 =	vld.idx.msk [tilespmem:v7+s5+$0x0], $0xffff  }
0xb5: {  	v61 =	vadd.s32 $0xBA30, v0;
	v8 =	vld.idx.msk [tilespmem:v8+s5+$0x0], $0xffff  }
0xb6: {  	v62 =	vadd.s32 $0xC9B4, v0;
	v9 =	vld.idx.msk [tilespmem:v9+s5+$0x0], $0xffff;
	[tilespmem:$0x10571] =	vst v5  }
0xb7: {  	v63 =	vadd.s32 $0xD938, v0;
	v10 =	vld.idx.msk [tilespmem:v10+s5+$0x0], $0xffff;
	[tilespmem:$0x109F1] =	vst v1  }
0xb8: {  	v0 =	vadd.s32 $0xE8BC, v0;
	v11 =	vld.idx.msk [tilespmem:v11+s5+$0x0], $0xffff;
	[tilespmem:$0x10E71] =	vst v2  }
0xb9: {  	v5 =	vld.idx.msk [tilespmem:v60+s5+$0x0], $0xffff;
	[tilespmem:$0x112F1] =	vst v3  }
0xba: {  	v1 =	vld.idx.msk [tilespmem:v61+s5+$0x0], $0xffff;
	[tilespmem:$0x11771] =	vst v4  }
0xbb: {  	v2 =	vld.idx.msk [tilespmem:v62+s5+$0x0], $0xffff;
	[tilespmem:$0x11BF1] =	vst v6  }
0xbc: {  	v3 =	vld.idx.msk [tilespmem:v63+s5+$0x0], $0xffff;
	[tilespmem:$0x12071] =	vst v7  }
0xbd: {  	v0 =	vld.idx.msk [tilespmem:v0+s5+$0x0], $0xffff;
	[tilespmem:$0x124F1] =	vst v8  }
0xbe: {  	[tilespmem:$0x12971] =	vst v9  }
0xbf: {  	[tilespmem:$0x12DF1] =	vst v10  }
0xc0: {  	[tilespmem:$0x13271] =	vst v11  }
0xc1: {  	[tilespmem:$0x136F1] =	vst v5  }
0xc2: {  	[tilespmem:$0x13B71] =	vst v1  }
0xc3: {  	[tilespmem:$0x13FF1] =	vst v2  }
0xc4: {  	s0 =	sshrl.u32 s10, $0x3;
	s1 =	rddreg [dreg:$0x5];
	[tilespmem:$0x14471] =	vst v3  }
0xc5: {  	s22 =	simm.s32 $0x10180;
	s0 =	sadd.s32 s1, s0;
	[tilespmem:$0x148F1] =	vst v0  }
0xc6: {  	[hbm4b:s0+s11] =	stream.strided.scatter [tilespmem:s22], [sflag:$0x2], $0x480, s12, s11, $0x38;
	[tilespmem:$0x19180] =	vst v63  }
0xc7: {  	s2 =	simm.s32 $0x10600;
	s23 =	sadd.s32 $0x24480, s0  }
0xc8: {  	[hbm4b:s23+s11] =	stream.strided.scatter [tilespmem:s2], [sflag:$0x2], $0x480, s12, s11, $0x38;
	[tilespmem:$0x19180] =	vst v63  }
0xc9: {  	s25 =	simm.s32 $0x10A80;
	s24 =	sadd.s32 $0x48900, s0  }
0xca: {  	[hbm4b:s24+s11] =	stream.strided.scatter [tilespmem:s25], [sflag:$0x2], $0x480, s12, s11, $0x38;
	[tilespmem:$0x19180] =	vst v63  }
0xcb: {  	s28 =	simm.s32 $0x10F00;
	s26 =	sadd.s32 $0x6CD80, s0  }
0xcc: {  	[hbm4b:s26+s11] =	stream.strided.scatter [tilespmem:s28], [sflag:$0x2], $0x480, s12, s11, $0x38;
	[tilespmem:$0x19180] =	vst v63  }
0xcd: {  	s31 =	simm.s32 $0x11380;
	s29 =	sadd.s32 $0x91200, s0  }
0xce: {  	[hbm4b:s29+s11] =	stream.strided.scatter [tilespmem:s31], [sflag:$0x2], $0x480, s12, s11, $0x38;
	[tilespmem:$0x19180] =	vst v63  }
0xcf: {  	s3 =	simm.s32 $0x11800;
	s2 =	sadd.s32 $0xB5680, s0  }
0xd0: {  	[hbm4b:s2+s11] =	stream.strided.scatter [tilespmem:s3], [sflag:$0x2], $0x480, s12, s11, $0x38;
	[tilespmem:$0x19180] =	vst v63  }
0xd1: {  	s7 =	simm.s32 $0x11C80;
	s4 =	sadd.s32 $0xD9B00, s0  }
0xd2: {  	[hbm4b:s4+s11] =	stream.strided.scatter [tilespmem:s7], [sflag:$0x2], $0x480, s12, s11, $0x38;
	[tilespmem:$0x19180] =	vst v63  }
0xd3: {  	s14 =	simm.s32 $0x12100;
	s10 =	sadd.s32 $0xFDF80, s0  }
0xd4: {  	[hbm4b:s10+s11] =	stream.strided.scatter [tilespmem:s14], [sflag:$0x2], $0x480, s12, s11, $0x38;
	[tilespmem:$0x19180] =	vst v63  }
0xd5: {  	s16 =	simm.s32 $0x12580;
	s15 =	sadd.s32 $0x122400, s0  }
0xd6: {  	[hbm4b:s15+s11] =	stream.strided.scatter [tilespmem:s16], [sflag:$0x2], $0x480, s12, s11, $0x38;
	[tilespmem:$0x19180] =	vst v63  }
0xd7: {  	s18 =	simm.s32 $0x12A00;
	s17 =	sadd.s32 $0x146880, s0  }
0xd8: {  	[hbm4b:s17+s11] =	stream.strided.scatter [tilespmem:s18], [sflag:$0x2], $0x480, s12, s11, $0x38;
	[tilespmem:$0x19180] =	vst v63  }
0xd9: {  	s20 =	simm.s32 $0x12E80;
	s19 =	sadd.s32 $0x16AD00, s0  }
0xda: {  	[hbm4b:s19+s11] =	stream.strided.scatter [tilespmem:s20], [sflag:$0x2], $0x480, s12, s11, $0x38;
	[tilespmem:$0x19180] =	vst v63  }
0xdb: {  	s21 =	sadd.s32 $0x18F180, s0;
	s22 =	simm.s32 $0x13300  }
0xdc: {  	[hbm4b:s21+s11] =	stream.strided.scatter [tilespmem:s22], [sflag:$0x2], $0x480, s12, s11, $0x38;
	[tilespmem:$0x19180] =	vst v63  }
0xdd: {  	s23 =	sadd.s32 $0x1B3600, s0;
	s24 =	simm.s32 $0x13780  }
0xde: {  	[hbm4b:s23+s11] =	stream.strided.scatter [tilespmem:s24], [sflag:$0x2], $0x480, s12, s11, $0x38;
	[tilespmem:$0x19180] =	vst v63  }
0xdf: {  	s25 =	sadd.s32 $0x1D7A80, s0;
	s26 =	simm.s32 $0x13C00  }
0xe0: {  	[hbm4b:s25+s11] =	stream.strided.scatter [tilespmem:s26], [sflag:$0x2], $0x480, s12, s11, $0x38;
	[tilespmem:$0x19180] =	vst v63  }
.Ltmp6:
0xe1: {  	_ = 	snop;
	(pc) =	sbr.rel @p1 .LBB2_9-.Ltmp6, $4  }
0xe2: {  	s28 =	sadd.s32 $0x1FBF00, s0;
	s29 =	simm.s32 $0x14080  }
0xe3: {  	[hbm4b:s28+s11] =	stream.strided.scatter [tilespmem:s29], [sflag:$0x2], $0x480, s12, s11, $0x38;
	[tilespmem:$0x19180] =	vst v63  }
0xe4: {  	s30 =	smov.u32 s6;
	s0 =	sadd.s32 $0x220380, s0;
	s31 =	simm.s32 $0x14500  }
0xe5: {  	[hbm4b:s0+s11] =	stream.strided.scatter [tilespmem:s31], [sflag:$0x2], $0x480, s12, s11, $0x38;
	[tilespmem:$0x19180] =	vst v63  }
0xe6: {  	p1 =	sgt.u32 s8, $0x3E0  }
0xe7: {  	s0 =	sshrl.u32 @!p1 s9, $0x3  }
0xe8: {  	s1 =	simm.s32 $0x1;
	s0 =	smul.u32 @!p1 $0x2400, s0  }
0xe9: {  	s4 =	rddreg [dreg:$0x4];
	_ =	swait.ge [sflag:s1], $0x480  }
0xea: {  	[sflag:s1] =	ssyncset.done $0x0;
	s0 =	sor.u32 @!p1 s4, s0  }
0xeb: {  	s31 =	sshrl.u32 s8, $0x3;
	[sflag:s1] =	ssyncadd.s32 $0xFFFFFB80;
	s0 =	sadd.s32 @!p1 $0x12000, s0  }
0xec: {  	s2 =	simm.s32 @!p1 $0x400;
	s1 =	rddreg [dreg:$0x1];
	s0 =	sshrl.u32 @!p1 s0, $0x3  }
0xed: {  	s3 =	simm.s32 @!p1 $0xF880;
	s0 =	sadd.s32 @!p1 s1, s0;
	s1 =	simm.s32 @!p1 $0x80  }
0xee: {  	[tilespmem:s3], [sflag:$0x1] =	stream.strided.gather @!p1 [hbm4b:s0+s1], $0x480, s2, s1, $0x38;
	[tilespmem:$0x19180] =	vst v63  }
0xef: {  	s1 =	simm.s32 @!p0 $0x2;
	s0 =	smul.u32 $0x2400, s31  }
0xf0: {  	s9 =	simm.s32 $0x0;
	_ =	swait.ge @!p0 [sflag:s1], $0x4800  }
0xf1: {  	s2 =	simm.s32 $0xFFFFFFFC;
	[sflag:s1] =	ssyncset.done @!p0 $0x0;
	s8 =	sor.u32 s4, s0  }
0xf2: {  	s0 =	simm.s32 $0xFD00;
	[sflag:s1] =	ssyncadd.s32 @!p0 $0xFFFFB800;
	s1 =	simm.s32 $0x14980  }
.LBB2_7:
0xf3: {  	v0 =	vld [tilespmem:s0+$0x0];
	_ =	sdelay $0x4  }
0xf4: {  	v1 =	vadd.s32 $0xF84, v0  }
0xf5: {  	v2 =	vadd.s32 $0x1F08, v0  }
0xf6: {  	v3 =	vadd.s32 $0x2E8C, v0  }
0xf7: {  	v4 =	vadd.s32 $0x3E10, v0  }
0xf8: {  	v6 =	vadd.s32 $0x4D94, v0;
	v5 =	vld.idx.msk [tilespmem:v0+s5+$0x0], $0xffff  }
0xf9: {  	v7 =	vadd.s32 $0x5D18, v0;
	v1 =	vld.idx.msk [tilespmem:v1+s5+$0x0], $0xffff  }
0xfa: {  	v8 =	vadd.s32 $0x6C9C, v0;
	v2 =	vld.idx.msk [tilespmem:v2+s5+$0x0], $0xffff  }
0xfb: {  	v9 =	vadd.s32 $0x7C20, v0;
	v3 =	vld.idx.msk [tilespmem:v3+s5+$0x0], $0xffff  }
0xfc: {  	v10 =	vadd.s32 $0x8BA4, v0;
	v4 =	vld.idx.msk [tilespmem:v4+s5+$0x0], $0xffff  }
0xfd: {  	v11 =	vadd.s32 $0x9B28, v0;
	v6 =	vld.idx.msk [tilespmem:v6+s5+$0x0], $0xffff  }
0xfe: {  	s3 =	sand.u32 $0x380, s9;
	v18 =	vadd.s32 $0xAAAC, v0;
	v7 =	vld.idx.msk [tilespmem:v7+s5+$0x0], $0xffff  }
0xff: {  	s7 =	sand.u32 $0x40, s9;
	s10 =	sadd.s32 $0x14E00, s3;
	v19 =	vadd.s32 $0xBA30, v0;
	v8 =	vld.idx.msk [tilespmem:v8+s5+$0x0], $0xffff  }
0x100: {  	s15 =	sadd.s32 $0x15280, s3;
	s4 =	sor.u32 s7, s10;
	v20 =	vadd.s32 $0xC9B4, v0;
	v9 =	vld.idx.msk [tilespmem:v9+s5+$0x0], $0xffff;
	[tilespmem:s1+$0x0] =	vst v5  }
0x101: {  	s16 =	sadd.s32 $0x15700, s3;
	s17 =	sor.u32 s7, s15;
	v21 =	vadd.s32 $0xD938, v0;
	v10 =	vld.idx.msk [tilespmem:v10+s5+$0x0], $0xffff;
	[tilespmem:s4+$0x0] =	vst v1  }
0x102: {  	s18 =	sor.u32 s7, s16;
	v0 =	vadd.s32 $0xE8BC, v0;
	v11 =	vld.idx.msk [tilespmem:v11+s5+$0x0], $0xffff;
	[tilespmem:s17+$0x0] =	vst v2;
	s17 =	sadd.s32 $0x15B80, s3  }
0x103: {  	v5 =	vld.idx.msk [tilespmem:v18+s5+$0x0], $0xffff;
	[tilespmem:s18+$0x0] =	vst v3;
	s19 =	sor.u32 s7, s17;
	s18 =	sor.u32 $0x16000, s3  }
0x104: {  	v1 =	vld.idx.msk [tilespmem:v19+s5+$0x0], $0xffff;
	[tilespmem:s19+$0x0] =	vst v4;
	s20 =	sor.u32 s7, s18;
	s19 =	sadd.s32 $0x16480, s3  }
0x105: {  	v2 =	vld.idx.msk [tilespmem:v20+s5+$0x0], $0xffff;
	[tilespmem:s20+$0x0] =	vst v6;
	s21 =	sor.u32 s7, s19;
	s20 =	sadd.s32 $0x16900, s3  }
0x106: {  	v3 =	vld.idx.msk [tilespmem:v21+s5+$0x0], $0xffff;
	[tilespmem:s21+$0x0] =	vst v7;
	s22 =	sor.u32 s7, s20;
	s21 =	sadd.s32 $0x16D80, s3  }
0x107: {  	v0 =	vld.idx.msk [tilespmem:v0+s5+$0x0], $0xffff;
	[tilespmem:s22+$0x0] =	vst v8;
	s23 =	sor.u32 s7, s21;
	s22 =	sadd.s32 $0x17200, s3  }
0x108: {  	[tilespmem:s23+$0x0] =	vst v9;
	s24 =	sor.u32 s7, s22;
	s23 =	sadd.s32 $0x17680, s3  }
0x109: {  	[tilespmem:s24+$0x0] =	vst v10;
	s25 =	sor.u32 s7, s23;
	s24 =	sadd.s32 $0x17B00, s3  }
0x10a: {  	[tilespmem:s25+$0x0] =	vst v11;
	s26 =	sor.u32 s7, s24;
	s25 =	sadd.s32 $0x17F80, s3  }
0x10b: {  	[tilespmem:s26+$0x0] =	vst v5;
	s28 =	sor.u32 s7, s25;
	s26 =	sor.u32 $0x18400, s3  }
0x10c: {  	[tilespmem:s28+$0x0] =	vst v1;
	s29 =	sor.u32 s7, s26;
	s28 =	sadd.s32 $0x18880, s3  }
0x10d: {  	[tilespmem:s29+$0x0] =	vst v2;
	s31 =	sor.u32 s7, s28;
	s29 =	sadd.s32 $0x18D00, s3  }
0x10e: {  	s4 =	sor.u32 $0x10, s7;
	[tilespmem:s31+$0x0] =	vst v3;
	s14 =	sor.u32 s7, s29  }
0x10f: {  	s6 =	sor.u32 s3, s4;
	[tilespmem:s14+$0x0] =	vst v0  }
0x110: {  	v0 =	vld [tilespmem:s6+$0xFD00];
	_ =	sdelay $0x4  }
0x111: {  	v22 =	vadd.s32 $0xF84, v0  }
0x112: {  	v23 =	vadd.s32 $0x1F08, v0  }
0x113: {  	v24 =	vadd.s32 $0x2E8C, v0  }
0x114: {  	v25 =	vadd.s32 $0x3E10, v0  }
0x115: {  	v26 =	vadd.s32 $0x4D94, v0;
	v5 =	vld.idx.msk [tilespmem:v0+s5+$0x0], $0xffff  }
0x116: {  	v27 =	vadd.s32 $0x5D18, v0;
	v1 =	vld.idx.msk [tilespmem:v22+s5+$0x0], $0xffff  }
0x117: {  	v28 =	vadd.s32 $0x6C9C, v0;
	v2 =	vld.idx.msk [tilespmem:v23+s5+$0x0], $0xffff  }
0x118: {  	v29 =	vadd.s32 $0x7C20, v0;
	v3 =	vld.idx.msk [tilespmem:v24+s5+$0x0], $0xffff  }
0x119: {  	v30 =	vadd.s32 $0x8BA4, v0;
	v4 =	vld.idx.msk [tilespmem:v25+s5+$0x0], $0xffff  }
0x11a: {  	v31 =	vadd.s32 $0x9B28, v0;
	v6 =	vld.idx.msk [tilespmem:v26+s5+$0x0], $0xffff  }
0x11b: {  	v32 =	vadd.s32 $0xAAAC, v0;
	v7 =	vld.idx.msk [tilespmem:v27+s5+$0x0], $0xffff  }
0x11c: {  	v33 =	vadd.s32 $0xBA30, v0;
	v8 =	vld.idx.msk [tilespmem:v28+s5+$0x0], $0xffff  }
0x11d: {  	s31 =	sor.u32 s4, s10;
	v34 =	vadd.s32 $0xC9B4, v0;
	v9 =	vld.idx.msk [tilespmem:v29+s5+$0x0], $0xffff;
	[tilespmem:s6+$0x14980] =	vst v5  }
0x11e: {  	v35 =	vadd.s32 $0xD938, v0;
	s6 =	sor.u32 s4, s15;
	v10 =	vld.idx.msk [tilespmem:v30+s5+$0x0], $0xffff;
	[tilespmem:s31+$0x0] =	vst v1  }
0x11f: {  	v0 =	vadd.s32 $0xE8BC, v0;
	s31 =	sor.u32 s4, s16;
	v11 =	vld.idx.msk [tilespmem:v31+s5+$0x0], $0xffff;
	[tilespmem:s6+$0x0] =	vst v2  }
0x120: {  	s6 =	sor.u32 s4, s17;
	v5 =	vld.idx.msk [tilespmem:v32+s5+$0x0], $0xffff;
	[tilespmem:s31+$0x0] =	vst v3  }
0x121: {  	s31 =	sor.u32 s4, s18;
	v1 =	vld.idx.msk [tilespmem:v33+s5+$0x0], $0xffff;
	[tilespmem:s6+$0x0] =	vst v4  }
0x122: {  	s6 =	sor.u32 s4, s19;
	v2 =	vld.idx.msk [tilespmem:v34+s5+$0x0], $0xffff;
	[tilespmem:s31+$0x0] =	vst v6  }
0x123: {  	s31 =	sor.u32 s4, s20;
	v3 =	vld.idx.msk [tilespmem:v35+s5+$0x0], $0xffff;
	[tilespmem:s6+$0x0] =	vst v7  }
0x124: {  	s6 =	sor.u32 s4, s21;
	v0 =	vld.idx.msk [tilespmem:v0+s5+$0x0], $0xffff;
	[tilespmem:s31+$0x0] =	vst v8  }
0x125: {  	s31 =	sor.u32 s4, s22;
	[tilespmem:s6+$0x0] =	vst v9  }
0x126: {  	s6 =	sor.u32 s4, s23;
	[tilespmem:s31+$0x0] =	vst v10  }
0x127: {  	s31 =	sor.u32 s4, s24;
	[tilespmem:s6+$0x0] =	vst v11  }
0x128: {  	s6 =	sor.u32 s4, s25;
	[tilespmem:s31+$0x0] =	vst v5  }
0x129: {  	s31 =	sor.u32 s4, s26;
	[tilespmem:s6+$0x0] =	vst v1  }
0x12a: {  	s6 =	sor.u32 s4, s28;
	[tilespmem:s31+$0x0] =	vst v2  }
0x12b: {  	s31 =	sor.u32 s4, s29;
	s4 =	sor.u32 $0x20, s7;
	[tilespmem:s6+$0x0] =	vst v3  }
0x12c: {  	s6 =	sor.u32 s3, s4;
	[tilespmem:s31+$0x0] =	vst v0  }
0x12d: {  	v0 =	vld [tilespmem:s6+$0xFD00];
	_ =	sdelay $0x4  }
0x12e: {  	v36 =	vadd.s32 $0xF84, v0  }
0x12f: {  	v37 =	vadd.s32 $0x1F08, v0  }
0x130: {  	v38 =	vadd.s32 $0x2E8C, v0  }
0x131: {  	v39 =	vadd.s32 $0x3E10, v0  }
0x132: {  	v40 =	vadd.s32 $0x4D94, v0;
	v5 =	vld.idx.msk [tilespmem:v0+s5+$0x0], $0xffff  }
0x133: {  	v41 =	vadd.s32 $0x5D18, v0;
	v1 =	vld.idx.msk [tilespmem:v36+s5+$0x0], $0xffff  }
0x134: {  	v42 =	vadd.s32 $0x6C9C, v0;
	v2 =	vld.idx.msk [tilespmem:v37+s5+$0x0], $0xffff  }
0x135: {  	v43 =	vadd.s32 $0x7C20, v0;
	v3 =	vld.idx.msk [tilespmem:v38+s5+$0x0], $0xffff  }
0x136: {  	v44 =	vadd.s32 $0x8BA4, v0;
	v4 =	vld.idx.msk [tilespmem:v39+s5+$0x0], $0xffff  }
0x137: {  	v45 =	vadd.s32 $0x9B28, v0;
	v6 =	vld.idx.msk [tilespmem:v40+s5+$0x0], $0xffff  }
0x138: {  	v46 =	vadd.s32 $0xAAAC, v0;
	v7 =	vld.idx.msk [tilespmem:v41+s5+$0x0], $0xffff  }
0x139: {  	v47 =	vadd.s32 $0xBA30, v0;
	v8 =	vld.idx.msk [tilespmem:v42+s5+$0x0], $0xffff  }
0x13a: {  	s31 =	sor.u32 s4, s10;
	v48 =	vadd.s32 $0xC9B4, v0;
	v9 =	vld.idx.msk [tilespmem:v43+s5+$0x0], $0xffff;
	[tilespmem:s6+$0x14980] =	vst v5  }
0x13b: {  	v49 =	vadd.s32 $0xD938, v0;
	s6 =	sor.u32 s4, s15;
	v10 =	vld.idx.msk [tilespmem:v44+s5+$0x0], $0xffff;
	[tilespmem:s31+$0x0] =	vst v1  }
0x13c: {  	v0 =	vadd.s32 $0xE8BC, v0;
	s31 =	sor.u32 s4, s16;
	v11 =	vld.idx.msk [tilespmem:v45+s5+$0x0], $0xffff;
	[tilespmem:s6+$0x0] =	vst v2  }
0x13d: {  	s6 =	sor.u32 s4, s17;
	v5 =	vld.idx.msk [tilespmem:v46+s5+$0x0], $0xffff;
	[tilespmem:s31+$0x0] =	vst v3  }
0x13e: {  	s31 =	sor.u32 s4, s18;
	v1 =	vld.idx.msk [tilespmem:v47+s5+$0x0], $0xffff;
	[tilespmem:s6+$0x0] =	vst v4  }
0x13f: {  	s6 =	sor.u32 s4, s19;
	v2 =	vld.idx.msk [tilespmem:v48+s5+$0x0], $0xffff;
	[tilespmem:s31+$0x0] =	vst v6  }
0x140: {  	s31 =	sor.u32 s4, s20;
	v3 =	vld.idx.msk [tilespmem:v49+s5+$0x0], $0xffff;
	[tilespmem:s6+$0x0] =	vst v7  }
0x141: {  	s6 =	sor.u32 s4, s21;
	v0 =	vld.idx.msk [tilespmem:v0+s5+$0x0], $0xffff;
	[tilespmem:s31+$0x0] =	vst v8  }
0x142: {  	s31 =	sor.u32 s4, s22;
	[tilespmem:s6+$0x0] =	vst v9  }
0x143: {  	s6 =	sor.u32 s4, s23;
	[tilespmem:s31+$0x0] =	vst v10  }
0x144: {  	s31 =	sor.u32 s4, s24;
	[tilespmem:s6+$0x0] =	vst v11  }
0x145: {  	s6 =	sor.u32 s4, s25;
	[tilespmem:s31+$0x0] =	vst v5  }
0x146: {  	s31 =	sor.u32 s4, s26;
	[tilespmem:s6+$0x0] =	vst v1  }
0x147: {  	s6 =	sor.u32 s4, s28;
	[tilespmem:s31+$0x0] =	vst v2  }
0x148: {  	s7 =	sor.u32 $0x30, s7;
	s4 =	sor.u32 s4, s29;
	[tilespmem:s6+$0x0] =	vst v3  }
0x149: {  	s3 =	sor.u32 s3, s7;
	[tilespmem:s4+$0x0] =	vst v0  }
0x14a: {  	v0 =	vld [tilespmem:s3+$0xFD00];
	_ =	sdelay $0x4  }
0x14b: {  	v50 =	vadd.s32 $0xF84, v0  }
0x14c: {  	v51 =	vadd.s32 $0x1F08, v0  }
0x14d: {  	v52 =	vadd.s32 $0x2E8C, v0  }
0x14e: {  	v53 =	vadd.s32 $0x3E10, v0  }
0x14f: {  	v54 =	vadd.s32 $0x4D94, v0;
	v5 =	vld.idx.msk [tilespmem:v0+s5+$0x0], $0xffff  }
0x150: {  	v55 =	vadd.s32 $0x5D18, v0;
	v1 =	vld.idx.msk [tilespmem:v50+s5+$0x0], $0xffff  }
0x151: {  	v56 =	vadd.s32 $0x6C9C, v0;
	v2 =	vld.idx.msk [tilespmem:v51+s5+$0x0], $0xffff  }
0x152: {  	v57 =	vadd.s32 $0x7C20, v0;
	v3 =	vld.idx.msk [tilespmem:v52+s5+$0x0], $0xffff  }
0x153: {  	v58 =	vadd.s32 $0x8BA4, v0;
	v4 =	vld.idx.msk [tilespmem:v53+s5+$0x0], $0xffff  }
0x154: {  	v59 =	vadd.s32 $0x9B28, v0;
	v6 =	vld.idx.msk [tilespmem:v54+s5+$0x0], $0xffff  }
0x155: {  	v60 =	vadd.s32 $0xAAAC, v0;
	v7 =	vld.idx.msk [tilespmem:v55+s5+$0x0], $0xffff  }
0x156: {  	v61 =	vadd.s32 $0xBA30, v0;
	v8 =	vld.idx.msk [tilespmem:v56+s5+$0x0], $0xffff  }
0x157: {  	s14 =	sor.u32 s7, s10;
	v62 =	vadd.s32 $0xC9B4, v0;
	v9 =	vld.idx.msk [tilespmem:v57+s5+$0x0], $0xffff;
	[tilespmem:s3+$0x14980] =	vst v5  }
0x158: {  	s15 =	sor.u32 s7, s15;
	v63 =	vadd.s32 $0xD938, v0;
	v10 =	vld.idx.msk [tilespmem:v58+s5+$0x0], $0xffff;
	[tilespmem:s14+$0x0] =	vst v1  }
0x159: {  	s16 =	sor.u32 s7, s16;
	v0 =	vadd.s32 $0xE8BC, v0;
	v11 =	vld.idx.msk [tilespmem:v59+s5+$0x0], $0xffff;
	[tilespmem:s15+$0x0] =	vst v2  }
0x15a: {  	s17 =	sor.u32 s7, s17;
	v5 =	vld.idx.msk [tilespmem:v60+s5+$0x0], $0xffff;
	[tilespmem:s16+$0x0] =	vst v3  }
0x15b: {  	s18 =	sor.u32 s7, s18;
	v1 =	vld.idx.msk [tilespmem:v61+s5+$0x0], $0xffff;
	[tilespmem:s17+$0x0] =	vst v4  }
0x15c: {  	s19 =	sor.u32 s7, s19;
	v2 =	vld.idx.msk [tilespmem:v62+s5+$0x0], $0xffff;
	[tilespmem:s18+$0x0] =	vst v6  }
0x15d: {  	s20 =	sor.u32 s7, s20;
	v3 =	vld.idx.msk [tilespmem:v63+s5+$0x0], $0xffff;
	[tilespmem:s19+$0x0] =	vst v7  }
0x15e: {  	s21 =	sor.u32 s7, s21;
	v0 =	vld.idx.msk [tilespmem:v0+s5+$0x0], $0xffff;
	[tilespmem:s20+$0x0] =	vst v8  }
0x15f: {  	s22 =	sor.u32 s7, s22;
	[tilespmem:s21+$0x0] =	vst v9  }
0x160: {  	s2 =	sadd.s32 $0x4, s2;
	s23 =	sor.u32 s7, s23;
	[tilespmem:s22+$0x0] =	vst v10  }
0x161: {  	p0 =	slt.u32 s2, $0x3C;
	s24 =	sor.u32 s7, s24;
	[tilespmem:s23+$0x0] =	vst v11  }
.Ltmp7:
0x162: {  	s25 =	sor.u32 s7, s25;
	[tilespmem:s24+$0x0] =	vst v5;
	(pc) =	sbr.rel @p0 .LBB2_7-.Ltmp7, $4  }
0x163: {  	s26 =	sor.u32 s7, s26;
	[tilespmem:s25+$0x0] =	vst v1  }
0x164: {  	s28 =	sor.u32 s7, s28;
	[tilespmem:s26+$0x0] =	vst v2  }
0x165: {  	s31 =	sor.u32 s7, s29;
	[tilespmem:s28+$0x0] =	vst v3  }
0x166: {  	s0 =	sadd.s32 $0x40, s0;
	s9 =	sadd.s32 $0x40, s9;
	s1 =	sadd.s32 $0x40, s1;
	[tilespmem:s31+$0x0] =	vst v0  }
0x167: {  	v0 =	vld [tilespmem:$0x100F1];
	_ =	sdelay $0x4  }
0x168: {  	v1 =	vadd.s32 $0xF84, v0  }
0x169: {  	v2 =	vadd.s32 $0x1F08, v0  }
0x16a: {  	v3 =	vadd.s32 $0x2E8C, v0  }
0x16b: {  	v4 =	vadd.s32 $0x3E10, v0  }
0x16c: {  	v6 =	vadd.s32 $0x4D94, v0;
	v5 =	vld.idx.msk [tilespmem:v0+s5+$0x0], $0xffff  }
0x16d: {  	v7 =	vadd.s32 $0x5D18, v0;
	v1 =	vld.idx.msk [tilespmem:v1+s5+$0x0], $0xffff  }
0x16e: {  	v8 =	vadd.s32 $0x6C9C, v0;
	v2 =	vld.idx.msk [tilespmem:v2+s5+$0x0], $0xffff  }
0x16f: {  	v9 =	vadd.s32 $0x7C20, v0;
	v3 =	vld.idx.msk [tilespmem:v3+s5+$0x0], $0xffff  }
0x170: {  	v10 =	vadd.s32 $0x8BA4, v0;
	v4 =	vld.idx.msk [tilespmem:v4+s5+$0x0], $0xffff  }
0x171: {  	v11 =	vadd.s32 $0x9B28, v0;
	v6 =	vld.idx.msk [tilespmem:v6+s5+$0x0], $0xffff  }
0x172: {  	v60 =	vadd.s32 $0xAAAC, v0;
	v7 =	vld.idx.msk [tilespmem:v7+s5+$0x0], $0xffff  }
0x173: {  	v61 =	vadd.s32 $0xBA30, v0;
	v8 =	vld.idx.msk [tilespmem:v8+s5+$0x0], $0xffff  }
0x174: {  	v62 =	vadd.s32 $0xC9B4, v0;
	v9 =	vld.idx.msk [tilespmem:v9+s5+$0x0], $0xffff;
	[tilespmem:$0x14D71] =	vst v5  }
0x175: {  	v63 =	vadd.s32 $0xD938, v0;
	v10 =	vld.idx.msk [tilespmem:v10+s5+$0x0], $0xffff;
	[tilespmem:$0x151F1] =	vst v1  }
0x176: {  	v0 =	vadd.s32 $0xE8BC, v0;
	v11 =	vld.idx.msk [tilespmem:v11+s5+$0x0], $0xffff;
	[tilespmem:$0x15671] =	vst v2  }
0x177: {  	v5 =	vld.idx.msk [tilespmem:v60+s5+$0x0], $0xffff;
	[tilespmem:$0x15AF1] =	vst v3  }
0x178: {  	v1 =	vld.idx.msk [tilespmem:v61+s5+$0x0], $0xffff;
	[tilespmem:$0x15F71] =	vst v4  }
0x179: {  	v2 =	vld.idx.msk [tilespmem:v62+s5+$0x0], $0xffff;
	[tilespmem:$0x163F1] =	vst v6  }
0x17a: {  	v3 =	vld.idx.msk [tilespmem:v63+s5+$0x0], $0xffff;
	[tilespmem:$0x16871] =	vst v7  }
0x17b: {  	v0 =	vld.idx.msk [tilespmem:v0+s5+$0x0], $0xffff;
	[tilespmem:$0x16CF1] =	vst v8  }
0x17c: {  	[tilespmem:$0x17171] =	vst v9  }
0x17d: {  	[tilespmem:$0x175F1] =	vst v10  }
0x17e: {  	[tilespmem:$0x17A71] =	vst v11  }
0x17f: {  	[tilespmem:$0x17EF1] =	vst v5  }
0x180: {  	[tilespmem:$0x18371] =	vst v1  }
0x181: {  	[tilespmem:$0x187F1] =	vst v2  }
0x182: {  	s0 =	sshrl.u32 s8, $0x3;
	s1 =	rddreg [dreg:$0x5];
	[tilespmem:$0x18C71] =	vst v3  }
0x183: {  	s24 =	simm.s32 $0x14980;
	s0 =	sadd.s32 s1, s0;
	[tilespmem:$0x190F1] =	vst v0  }
0x184: {  	[hbm4b:s0+s11] =	stream.strided.scatter [tilespmem:s24], [sflag:$0x2], $0x480, s12, s11, $0x38;
	[tilespmem:$0x19180] =	vst v63  }
0x185: {  	s2 =	simm.s32 $0x14E00;
	s25 =	sadd.s32 $0x24480, s0  }
0x186: {  	[hbm4b:s25+s11] =	stream.strided.scatter [tilespmem:s2], [sflag:$0x2], $0x480, s12, s11, $0x38;
	[tilespmem:$0x19180] =	vst v63  }
0x187: {  	s28 =	simm.s32 $0x15280;
	s26 =	sadd.s32 $0x48900, s0  }
0x188: {  	[hbm4b:s26+s11] =	stream.strided.scatter [tilespmem:s28], [sflag:$0x2], $0x480, s12, s11, $0x38;
	[tilespmem:$0x19180] =	vst v63  }
0x189: {  	s31 =	simm.s32 $0x15700;
	s29 =	sadd.s32 $0x6CD80, s0  }
0x18a: {  	[hbm4b:s29+s11] =	stream.strided.scatter [tilespmem:s31], [sflag:$0x2], $0x480, s12, s11, $0x38;
	[tilespmem:$0x19180] =	vst v63  }
0x18b: {  	s4 =	simm.s32 $0x15B80;
	s3 =	sadd.s32 $0x91200, s0  }
0x18c: {  	[hbm4b:s3+s11] =	stream.strided.scatter [tilespmem:s4], [sflag:$0x2], $0x480, s12, s11, $0x38;
	[tilespmem:$0x19180] =	vst v63  }
0x18d: {  	s7 =	simm.s32 $0x16000;
	s6 =	sadd.s32 $0xB5680, s0  }
0x18e: {  	[hbm4b:s6+s11] =	stream.strided.scatter [tilespmem:s7], [sflag:$0x2], $0x480, s12, s11, $0x38;
	[tilespmem:$0x19180] =	vst v63  }
0x18f: {  	s9 =	simm.s32 $0x16480;
	s8 =	sadd.s32 $0xD9B00, s0  }
0x190: {  	[hbm4b:s8+s11] =	stream.strided.scatter [tilespmem:s9], [sflag:$0x2], $0x480, s12, s11, $0x38;
	[tilespmem:$0x19180] =	vst v63  }
0x191: {  	s14 =	simm.s32 $0x16900;
	s10 =	sadd.s32 $0xFDF80, s0  }
0x192: {  	[hbm4b:s10+s11] =	stream.strided.scatter [tilespmem:s14], [sflag:$0x2], $0x480, s12, s11, $0x38;
	[tilespmem:$0x19180] =	vst v63  }
0x193: {  	s16 =	simm.s32 $0x16D80;
	s15 =	sadd.s32 $0x122400, s0  }
0x194: {  	[hbm4b:s15+s11] =	stream.strided.scatter [tilespmem:s16], [sflag:$0x2], $0x480, s12, s11, $0x38;
	[tilespmem:$0x19180] =	vst v63  }
0x195: {  	s18 =	simm.s32 $0x17200;
	s17 =	sadd.s32 $0x146880, s0  }
0x196: {  	[hbm4b:s17+s11] =	stream.strided.scatter [tilespmem:s18], [sflag:$0x2], $0x480, s12, s11, $0x38;
	[tilespmem:$0x19180] =	vst v63  }
0x197: {  	s20 =	simm.s32 $0x17680;
	s19 =	sadd.s32 $0x16AD00, s0  }
0x198: {  	[hbm4b:s19+s11] =	stream.strided.scatter [tilespmem:s20], [sflag:$0x2], $0x480, s12, s11, $0x38;
	[tilespmem:$0x19180] =	vst v63  }
0x199: {  	s22 =	simm.s32 $0x17B00;
	s21 =	sadd.s32 $0x18F180, s0  }
0x19a: {  	[hbm4b:s21+s11] =	stream.strided.scatter [tilespmem:s22], [sflag:$0x2], $0x480, s12, s11, $0x38;
	[tilespmem:$0x19180] =	vst v63  }
0x19b: {  	s23 =	sadd.s32 $0x1B3600, s0;
	s24 =	simm.s32 $0x17F80  }
0x19c: {  	[hbm4b:s23+s11] =	stream.strided.scatter [tilespmem:s24], [sflag:$0x2], $0x480, s12, s11, $0x38;
	[tilespmem:$0x19180] =	vst v63  }
0x19d: {  	s25 =	sadd.s32 $0x1D7A80, s0;
	s26 =	simm.s32 $0x18400  }
0x19e: {  	[hbm4b:s25+s11] =	stream.strided.scatter [tilespmem:s26], [sflag:$0x2], $0x480, s12, s11, $0x38;
	[tilespmem:$0x19180] =	vst v63  }
.Ltmp8:
0x19f: {  	_ = 	snop;
	(pc) =	sbr.rel .LBB2_9-.Ltmp8, $4  }
0x1a0: {  	s28 =	sadd.s32 $0x1FBF00, s0;
	s29 =	simm.s32 $0x18880  }
0x1a1: {  	[hbm4b:s28+s11] =	stream.strided.scatter [tilespmem:s29], [sflag:$0x2], $0x480, s12, s11, $0x38;
	[tilespmem:$0x19180] =	vst v63  }
0x1a2: {  	s0 =	sadd.s32 $0x220380, s0;
	s31 =	simm.s32 $0x18D00  }
0x1a3: {  	[hbm4b:s0+s11] =	stream.strided.scatter [tilespmem:s31], [sflag:$0x2], $0x480, s12, s11, $0x38;
	[tilespmem:$0x19180] =	vst v63  }
.LBB2_11:
0x1a4: {  	_ =	sfence.sel $0x180000  }
0x1a5: {  	[bflag:$0x0] =	sbarrier.arrive $0xFFFF  }
0x1a6: {  	_ =	strace $0x90000047  }
0x1a7: {  	s0 =	stileid.u32;
	[bflag:$0x2] =	sbarrier.arrive $0xFFFF  }
0x1a8: {  	p0 =	sne.s32 s0, $0x0;
	s0 =	rddreg [dreg:$0x3]  }
0x1a9: {  	s0 =	sadd.s32 @!p0 $0x100000, s0  }
0x1aa: {  	[sflag:s0] =	ssyncadd.tile.s32 @!p0 $0x1;
	_ =	shalt  }
.Lfunc_end2:
_tile_overlayer_lowered:
.L_overlay_start_2:
0x1ab: {  	(tag) =	ssettag $0x2  }
0x1ac: {  	s0 =	rddreg [dreg:$0x0];
	s2 =	stileid.u32  }
0x1ad: {  	s1 =	rddreg [dreg:$0x1];
	p0 =	sne.s32 s2, $0x0  }
0x1ae: {  	s3 =	rddreg [dreg:$0x2];
	[bflag:$0x3] =	sbarrier.arrive $0xFFFF;
	s2 =	simm.s32 @!p0 $0x1C03  }
0x1af: {  	[timem:s3], [sflag:s2] =	dma.local @!p0 [hbm:s0], s1  }
0x1b0: {  	s0 =	simm.s32 @!p0 $0x3  }
0x1b1: {  	_ =	swait.ge @!p0 [sflag:s0], s1  }
0x1b2: {  	s1 =	ssub.s32 @!p0 $0x0, s1;
	[sflag:s0] =	ssyncset.done @!p0 $0x0  }
0x1b3: {  	[sflag:s0] =	ssyncadd.s32 @!p0 s1  }
0x1b4: {  	[bflag:$0x3] =	sbarrier.arrive $0xFFFF  }
0x1b5: {  	_ =	shalt  }

</sc_bundles>
